<compile_context>
chip_gen: v7x
topology: tpu7x:2x2x1
jax: 0.10.2.dev20260603
libtpu: 0.0.44.dev20260713+nightly
codegen_flags: <defaults>
</compile_context>

<pallas_src>
import functools

import jax
import jax.numpy as jnp
from jax import lax
from jax.experimental import pallas as pl
from jax.experimental.pallas import tpu as pltpu
from jax.experimental.pallas import tpu_sc as plsc

N = 10000
E = 320000
VOCAB = 100000
NW = 128
NH = 512
NT = 128
B = 512

NWORK = 32
NPAD = 10240
RPW = NPAD // NWORK
FPW = NW // NWORK
CHUNK = 3200
NCH = E // CHUNK

def _wid():
    return lax.axis_index("s") * 2 + lax.axis_index("c")


@functools.cache
def _vocab_gather_kernel():
    mesh = plsc.VectorSubcoreMesh(core_axis_name="c", subcore_axis_name="s")

    @functools.partial(
        pl.kernel,
        out_type=jax.ShapeDtypeStruct((NPAD, NW), jnp.float32),
        mesh=mesh,
        scratch_types=[
            pltpu.VMEM((RPW,), jnp.int32),
            pltpu.VMEM((RPW, NW), jnp.float32),
            pltpu.SemaphoreType.DMA,
        ],
    )
    def _vocab_gather(idx_hbm, table_hbm, out_hbm, idx_v, rows_v, sem):
        base = _wid() * RPW
        pltpu.sync_copy(idx_hbm.at[pl.ds(base, RPW)], idx_v)
        pltpu.async_copy(table_hbm.at[idx_v], rows_v, sem).wait()
        pltpu.sync_copy(rows_v, out_hbm.at[pl.ds(base, RPW)])

    return _vocab_gather


@functools.cache
def _edge_aggr_kernel():
    mesh = plsc.VectorSubcoreMesh(core_axis_name="c", subcore_axis_name="s")

    @functools.partial(
        pl.kernel,
        out_type=jax.ShapeDtypeStruct((NW, NPAD), jnp.float32),
        mesh=mesh,
        scratch_types=[
            pltpu.VMEM((FPW * NPAD,), jnp.float32),
            pltpu.VMEM((FPW * NPAD,), jnp.float32),
            pltpu.VMEM((2, CHUNK), jnp.int32),
            pltpu.VMEM((2, CHUNK), jnp.int32),
            pltpu.SemaphoreType.DMA,
            pltpu.SemaphoreType.DMA,
        ],
        compiler_params=pltpu.CompilerParams(
            needs_layout_passes=False, use_tc_tiling_on_sc=False),
    )
    def _edge_aggr(ed_hbm, xT_hbm, out_hbm, xv, av, eb0, eb1, sem0, sem1):
        wid = _wid()
        for f in range(FPW):
            pltpu.sync_copy(xT_hbm.at[wid * FPW + f],
                            xv.at[pl.ds(f * NPAD, NPAD)])

        @plsc.parallel_loop(0, FPW * NPAD // 16, 1, unroll=8)
        def _zero(i):
            av[pl.ds(i * 16, 16)] = jnp.zeros((16,), jnp.float32)

        def process(eb):
            @plsc.parallel_loop(0, CHUNK // 16, 2, unroll=4)
            def _grp(g):
                for u in range(2):
                    base = (g + u) * 16
                    sd = eb[0, pl.ds(base, 16)]
                    sg = lax.shift_right_logical(sd, 14)
                    dg = jnp.bitwise_and(sd, 16383)
                    wg = plsc.bitcast(eb[1, pl.ds(base, 16)], jnp.float32)
                    for f in range(FPW):
                        v = plsc.load_gather(xv, [sg + f * NPAD])
                        plsc.addupdate_scatter(av, [dg + f * NPAD], v * wg)

        pltpu.make_async_copy(ed_hbm.at[0], eb0, sem0).start()

        def pair(p, carry):
            ci = p * 2
            pltpu.make_async_copy(ed_hbm.at[ci], eb0, sem0).wait()
            pltpu.make_async_copy(ed_hbm.at[ci + 1], eb1, sem1).start()
            process(eb0)
            pltpu.make_async_copy(ed_hbm.at[ci + 1], eb1, sem1).wait()

            @pl.when(ci + 2 < NCH)
            def _():
                pltpu.make_async_copy(ed_hbm.at[ci + 2], eb0, sem0).start()

            process(eb1)
            return carry

        lax.fori_loop(0, NCH // 2, pair, 0)
        for f in range(FPW):
            pltpu.sync_copy(av.at[pl.ds(f * NPAD, NPAD)],
                            out_hbm.at[wid * FPW + f])

    return _edge_aggr


def _mask_vec():
    return (lax.broadcasted_iota(jnp.int32, (NPAD, 1), 0)
            < N).astype(jnp.float32)


def _d1_body(xT_ref, aggrT_ref, idxw_ref, Wrel_ref, Wroot_ref, vec_ref,
             out_ref):
    brel = vec_ref[0:NW, :]
    g = vec_ref[NW:2 * NW, :]
    b = vec_ref[2 * NW:3 * NW, :]
    xT = xT_ref[...]
    aggT = aggrT_ref[...] + xT * idxw_ref[...]
    hT = (jnp.dot(Wrel_ref[...], aggT, preferred_element_type=jnp.float32)
          + brel
          + jnp.dot(Wroot_ref[...], xT, preferred_element_type=jnp.float32))
    mvec = _mask_vec()
    mu = jnp.dot(hT, mvec, preferred_element_type=jnp.float32) / N
    dev = hT - mu
    var = jnp.dot(dev * dev, mvec, preferred_element_type=jnp.float32) / N
    hn = dev * lax.rsqrt(var + 1e-5) * g + b
    out_ref[0:NW, :] = jnp.tanh(hn)
    out_ref[NW:2 * NW, :] = xT


_CB = 2048


def _d23_body(e1_ref, W1_ref, W2_ref, vec_ref, xb_ref, out_ref):
    k = pl.program_id(0)
    b1 = vec_ref[0:NH, :]
    b2 = vec_ref[NH:2 * NH, :]
    e1 = e1_ref[...]
    a = jnp.dot(W1_ref[...], e1, preferred_element_type=jnp.float32) + b1
    c = jnp.dot(W2_ref[...], e1, preferred_element_type=jnp.float32) + b2
    e2 = jax.nn.sigmoid(a) * jnp.tanh(c)
    sel = (xb_ref[...].reshape(_CB, 1)
           == lax.broadcasted_iota(jnp.int32, (_CB, B), 1)).astype(jnp.float32)
    p = jnp.dot(e2, sel, preferred_element_type=jnp.float32)

    @pl.when(k == 0)
    def _():
        out_ref[...] = p

    @pl.when(k > 0)
    def _():
        out_ref[...] += p


def _d4_body(e1_ref, xb_ref, e2s_ref, Wm_ref, Wl_ref,
             Wpa_ref, Wpb_ref, vec_ref,
             meanT_ref, logvarT_ref, phiT_ref):
    bm = vec_ref[0:NT, :]
    bl = vec_ref[NT:2 * NT, :]
    bp = vec_ref[2 * NT:3 * NT, :]
    bg = vec_ref[3 * NT:4 * NT, :]
    bb = vec_ref[4 * NT:5 * NT, :]
    e2s = e2s_ref[...]
    meanT_ref[...] = (jnp.dot(Wm_ref[...], e2s, preferred_element_type=jnp.float32)
                      + bm)
    logvarT_ref[...] = (jnp.dot(Wl_ref[...], e2s, preferred_element_type=jnp.float32)
                        + bl)
    q = jnp.dot(Wpb_ref[...], e2s, preferred_element_type=jnp.float32)
    sel = (xb_ref[...].reshape(NPAD, 1)
           == lax.broadcasted_iota(jnp.int32, (NPAD, B), 1)).astype(jnp.float32)
    plT = (jnp.dot(Wpa_ref[...], e1_ref[...], preferred_element_type=jnp.float32)
           + lax.dot_general(q, sel, (((1,), (1,)), ((), ())),
                             preferred_element_type=jnp.float32)
           + bp)
    mvec = _mask_vec()
    mup = jnp.dot(plT, mvec, preferred_element_type=jnp.float32) / N
    dev = plT - mup
    varp = jnp.dot(dev * dev, mvec, preferred_element_type=jnp.float32) / N
    pln = dev * lax.rsqrt(varp + 1e-5) * bg + bb
    m = jnp.max(pln, axis=0, keepdims=True)
    ex = jnp.exp(pln - m)
    phiT_ref[...] = ex / jnp.sum(ex, axis=0, keepdims=True)


def kernel(idx_x, idx_w, x_batch, edge_index, edge_weight, word_vec, W_rel,
           b_rel, W_root, bn1_g, bn1_b, W_fc1, b_fc1, W_fc2, b_fc2, W_mean,
           b_mean, W_logvar, b_logvar, W_phi, b_phi, bnp_g, bnp_b):
    f32 = jnp.float32
    idx_pad = jnp.concatenate(
        [idx_x.astype(jnp.int32), jnp.zeros((NPAD - N,), jnp.int32)])
    x_pad = _vocab_gather_kernel()(idx_pad, word_vec)
    xT_pad = x_pad.T

    src = edge_index[0].astype(jnp.int32)
    dst = edge_index[1].astype(jnp.int32)
    ew_bits = lax.bitcast_convert_type(edge_weight, jnp.int32)
    ed = (jnp.stack([src * 16384 + dst, ew_bits], axis=0)
          .reshape(2, NCH, CHUNK).transpose(1, 0, 2))
    aggrT_pad = _edge_aggr_kernel()(ed, xT_pad)

    idxw_pad = jnp.pad(idx_w, (0, NPAD - N)).reshape(1, NPAD)
    xb_pad = jnp.pad(x_batch.astype(jnp.int32), (0, NPAD - N),
                     constant_values=B).reshape(1, NPAD)

    vec1 = jnp.concatenate([b_rel, bn1_g, bn1_b]).reshape(3 * NW, 1)
    enc1T = pl.pallas_call(
        _d1_body,
        out_shape=jax.ShapeDtypeStruct((2 * NW, NPAD), f32),
    )(xT_pad, aggrT_pad, idxw_pad, W_rel, W_root, vec1)

    ncb = NPAD // _CB
    vec2 = jnp.concatenate([b_fc1, b_fc2]).reshape(2 * NH, 1)
    enc2sT = pl.pallas_call(
        _d23_body,
        grid=(ncb,),
        in_specs=[
            pl.BlockSpec((2 * NW, _CB), lambda k: (0, k)),
            pl.BlockSpec((NH, 2 * NW), lambda k: (0, 0)),
            pl.BlockSpec((NH, 2 * NW), lambda k: (0, 0)),
            pl.BlockSpec((2 * NH, 1), lambda k: (0, 0)),
            pl.BlockSpec((1, _CB), lambda k: (0, k)),
        ],
        out_specs=pl.BlockSpec((NH, B), lambda k: (0, 0)),
        out_shape=jax.ShapeDtypeStruct((NH, B), f32),
    )(enc1T, W_fc1, W_fc2, vec2, xb_pad)

    vec4 = jnp.concatenate(
        [b_mean, b_logvar, b_phi, bnp_g, bnp_b]).reshape(5 * NT, 1)
    meanT, logvarT, phiT = pl.pallas_call(
        _d4_body,
        out_shape=(
            jax.ShapeDtypeStruct((NT, B), f32),
            jax.ShapeDtypeStruct((NT, B), f32),
            jax.ShapeDtypeStruct((NT, NPAD), f32),
        ),
    )(enc1T, xb_pad, enc2sT, W_mean, W_logvar,
      W_phi[:, :2 * NW], W_phi[:, 2 * NW:], vec4)

    return (meanT.T, logvarT.T, phiT[:, :N].T)

# --- scband reference (transcript-rebuilt; emitter-appended) ---
"""Pipeline reference for scband-gnngaussianencoder-12652973654572 (READ-ONLY COPY).

The authoritative reference and input builder live on the scoring server;
editing this copy changes nothing except your own understanding.
"""

import jax, jax.numpy as jnp
import numpy as np

N = 10000
E = 320000
VOCAB = 100000
NW = 128
ENC_NH = 512
NT = 128
B = 512


def setup_inputs(seed: int = 0) -> dict:
    key = jax.random.key(seed)
    ks = jax.random.split(key, 25)
    s = 0.05
    inp = {}
    inp['idx_x'] = jax.random.randint(ks[0], (N,), 0, VOCAB)
    inp['idx_w'] = jax.random.uniform(ks[1], (N,), dtype=jnp.float32)
    inp['x_batch'] = jnp.sort(jax.random.randint(ks[2], (N,), 0, B))
    inp['edge_index'] = jax.random.randint(ks[3], (2, E), 0, N)
    inp['edge_weight'] = jax.random.uniform(ks[4], (E,), dtype=jnp.float32)
    inp['word_vec'] = jax.random.normal(ks[5], (VOCAB, NW), jnp.float32) * s
    inp['W_rel'] = jax.random.normal(ks[6], (NW, NW), jnp.float32) * s
    inp['b_rel'] = jax.random.normal(ks[7], (NW,), jnp.float32) * s
    inp['W_root'] = jax.random.normal(ks[8], (NW, NW), jnp.float32) * s
    inp['bn1_g'] = jnp.ones((NW,), jnp.float32)
    inp['bn1_b'] = jnp.zeros((NW,), jnp.float32)
    inp['W_fc1'] = jax.random.normal(ks[9], (ENC_NH, 2 * NW), jnp.float32) * s
    inp['b_fc1'] = jax.random.normal(ks[10], (ENC_NH,), jnp.float32) * s
    inp['W_fc2'] = jax.random.normal(ks[11], (ENC_NH, 2 * NW), jnp.float32) * s
    inp['b_fc2'] = jax.random.normal(ks[12], (ENC_NH,), jnp.float32) * s
    inp['W_mean'] = jax.random.normal(ks[13], (NT, ENC_NH), jnp.float32) * s
    inp['b_mean'] = jax.random.normal(ks[14], (NT,), jnp.float32) * s
    inp['W_logvar'] = jnp.zeros((NT, ENC_NH), jnp.float32)
    inp['b_logvar'] = jnp.zeros((NT,), jnp.float32)
    inp['W_phi'] = jax.random.normal(ks[15], (NT, 2 * NW + ENC_NH), jnp.float32) * s
    inp['b_phi'] = jax.random.normal(ks[16], (NT,), jnp.float32) * s
    inp['bnp_g'] = jnp.ones((NT,), jnp.float32)
    inp['bnp_b'] = jnp.zeros((NT,), jnp.float32)
    return inp


def reference(idx_x, idx_w, x_batch, edge_index, edge_weight, word_vec, W_rel, b_rel, W_root, bn1_g, bn1_b, W_fc1, b_fc1, W_fc2, b_fc2, W_mean, b_mean, W_logvar, b_logvar, W_phi, b_phi, bnp_g, bnp_b):
    # all idx_x values are < vocab by construction, so the torch filter is a no-op
    x = jnp.take(word_vec, idx_x, axis=0)  # [N, NW] gather
    n = idx_x.shape[0]
    diag = jnp.arange(n, dtype=edge_index.dtype)
    ei = jnp.concatenate([edge_index, jnp.stack([diag, diag], axis=0)], axis=1)
    # diag_w = ones(N) * idx_w  == idx_w
    ew = jnp.concatenate([edge_weight, idx_w], axis=0)
    # GraphConv (PyG): msg = x[src] * w, scatter-add at dst, lin_rel(aggr) + lin_root(x)
    src = ei[0]
    dst = ei[1]
    msg = x[src] * ew[:, None]
    aggr = jax.ops.segment_sum(msg, dst, num_segments=n)
    h = aggr @ W_rel.T + b_rel + x @ W_root.T
    # BatchNorm1d (training-mode batch statistics, biased variance, eps=1e-5)
    mu = jnp.mean(h, axis=0)
    var = jnp.var(h, axis=0)
    hn = (h - mu) / jnp.sqrt(var + 1e-5) * bn1_g + bn1_b
    enc1g = jnp.tanh(hn)
    enc1 = jnp.concatenate([enc1g, x], axis=-1)  # [N, 2*NW]
    enc2 = jax.nn.sigmoid(enc1 @ W_fc1.T + b_fc1) * jnp.tanh(enc1 @ W_fc2.T + b_fc2)
    enc2s = jax.ops.segment_sum(enc2, x_batch, num_segments=B)  # scatter sum per document
    # dropout is identity in the deterministic reference
    mean = enc2s @ W_mean.T + b_mean
    logvar = enc2s @ W_logvar.T + b_logvar
    word_embed = jnp.concatenate([enc1, enc2s[x_batch]], axis=-1)
    pl = word_embed @ W_phi.T + b_phi
    mup = jnp.mean(pl, axis=0)
    varp = jnp.var(pl, axis=0)
    pln = (pl - mup) / jnp.sqrt(varp + 1e-5) * bnp_g + bnp_b
    phi = jax.nn.softmax(pln, axis=-1)
    return (mean, logvar, phi)

if __name__ == "__main__":
    import jax
    _d = setup_inputs()
    print(jax.jit(kernel)(*tuple(_d.values())))

</pallas_src>

<mosaic_0001>
#map = affine_map<(d0, d1) -> (0, 0, 0)>
#map1 = affine_map<(d0, d1) -> (0, 0)>
module attributes {stable_mosaic.version = 14 : i64} {
  func.func @_edge_aggr(%arg0: i32, %arg1: i32, %arg2: memref<100x2x3200xi32, #tpu.memory_space<hbm>>, %arg3: memref<128x10240xf32, #tpu.memory_space<hbm>>, %arg4: memref<128x10240xf32, #tpu.memory_space<hbm>>, %arg5: memref<40960xf32, #tpu.memory_space<vmem>>, %arg6: memref<40960xf32, #tpu.memory_space<vmem>>, %arg7: memref<2x3200xi32, #tpu.memory_space<vmem>>, %arg8: memref<2x3200xi32, #tpu.memory_space<vmem>>, %arg9: memref<!tpu.dma_semaphore, #tpu.memory_space<semaphore_mem>>, %arg10: memref<!tpu.dma_semaphore, #tpu.memory_space<semaphore_mem>>) attributes {dimension_semantics = [#tpu.dimension_semantics<core_parallel>, #tpu.dimension_semantics<subcore_parallel>], iteration_bounds = array<i64: 2, 16>, scalar_prefetch = 0 : i64, scratch_operands = 6 : i64, tpu.core_type = #tpu.core_type<sc_vector_subcore>, window_params = [{transform_indices = #map}, {transform_indices = #map1}, {transform_indices = #map1}]} {
    %mul3A = arith.constant 2 : i32
    %mul3A_0 = arith.muli %arg1, %mul3A : i32
    %add3A = arith.addi %mul3A_0, %arg0 : i32
    %mul3A_1 = arith.constant 4 : i32
    %mul3A_2 = arith.muli %add3A, %mul3A_1 : i32
    %add3A_3 = arith.constant 0 : i32
    %add3A_4 = arith.addi %mul3A_2, %add3A_3 : i32
    "tpu.region"() ({
      %run_scoped3A = tpu.sem_alloc : memref<!tpu.dma_semaphore, #tpu.memory_space<semaphore_mem>>
      %dma_start3A_48 = arith.constant 0 : i32
      %dma_start3A_49 = tpu.memref_slice %arg5[%dma_start3A_48] : memref<40960xf32, #tpu.memory_space<vmem>> -> memref<10240xf32, #tpu.memory_space<vmem>>
      %dma_start3A_50 = arith.constant 0 : i32
      %dma_start3A_51 = tpu.memref_slice %arg3[%add3A_4, %dma_start3A_50] : memref<128x10240xf32, #tpu.memory_space<hbm>> -> memref<1x10240xf32, #tpu.memory_space<hbm>>
      %dma_start3A_52 = tpu.memref_squeeze %dma_start3A_51 : memref<1x10240xf32, #tpu.memory_space<hbm>> -> memref<10240xf32, #tpu.memory_space<hbm>>
      %dma_start3A_53 = arith.constant 0 : i32
      %dma_start3A_54 = tpu.memref_slice %arg5[%dma_start3A_53] : memref<40960xf32, #tpu.memory_space<vmem>> -> memref<10240xf32, #tpu.memory_space<vmem>>
      %dma_start3A_55 = arith.constant 0 : i32
      %dma_start3A_56 = tpu.memref_slice %arg3[%add3A_4, %dma_start3A_55] : memref<128x10240xf32, #tpu.memory_space<hbm>> -> memref<1x10240xf32, #tpu.memory_space<hbm>>
      %dma_start3A_57 = tpu.memref_squeeze %dma_start3A_56 : memref<1x10240xf32, #tpu.memory_space<hbm>> -> memref<10240xf32, #tpu.memory_space<hbm>>
      tpu.enqueue_dma source(%dma_start3A_57 : memref<10240xf32, #tpu.memory_space<hbm>>) target(%dma_start3A_54 : memref<10240xf32, #tpu.memory_space<vmem>>) target_semaphore(%run_scoped3A : memref<!tpu.dma_semaphore, #tpu.memory_space<semaphore_mem>>)
      %dma_wait3A = arith.constant 0 : i32
      %dma_wait3A_58 = tpu.memref_slice %arg5[%dma_wait3A] : memref<40960xf32, #tpu.memory_space<vmem>> -> memref<10240xf32, #tpu.memory_space<vmem>>
      %dma_wait3A_59 = arith.constant 0 : i32
      %dma_wait3A_60 = tpu.memref_slice %arg3[%add3A_4, %dma_wait3A_59] : memref<128x10240xf32, #tpu.memory_space<hbm>> -> memref<1x10240xf32, #tpu.memory_space<hbm>>
      %dma_wait3A_61 = tpu.memref_squeeze %dma_wait3A_60 : memref<1x10240xf32, #tpu.memory_space<hbm>> -> memref<10240xf32, #tpu.memory_space<hbm>>
      %dma_wait3A_62 = arith.constant 0 : i32
      %dma_wait3A_63 = tpu.memref_slice %arg5[%dma_wait3A_62] : memref<40960xf32, #tpu.memory_space<vmem>> -> memref<10240xf32, #tpu.memory_space<vmem>>
      %dma_wait3A_64 = arith.constant 0 : i32
      %dma_wait3A_65 = tpu.memref_slice %arg3[%add3A_4, %dma_wait3A_64] : memref<128x10240xf32, #tpu.memory_space<hbm>> -> memref<1x10240xf32, #tpu.memory_space<hbm>>
      %dma_wait3A_66 = tpu.memref_squeeze %dma_wait3A_65 : memref<1x10240xf32, #tpu.memory_space<hbm>> -> memref<10240xf32, #tpu.memory_space<hbm>>
      tpu.wait_dma2 semaphore(%run_scoped3A : memref<!tpu.dma_semaphore, #tpu.memory_space<semaphore_mem>>) src(%dma_wait3A_66 : memref<10240xf32, #tpu.memory_space<hbm>>) dst(%dma_wait3A_63 : memref<10240xf32, #tpu.memory_space<vmem>>)
      tpu.yield
    }) : () -> ()
    %mul3A_5 = arith.constant 4 : i32
    %mul3A_6 = arith.muli %add3A, %mul3A_5 : i32
    %add3A_7 = arith.constant 1 : i32
    %add3A_8 = arith.addi %mul3A_6, %add3A_7 : i32
    "tpu.region"() ({
      %run_scoped3A = tpu.sem_alloc : memref<!tpu.dma_semaphore, #tpu.memory_space<semaphore_mem>>
      %dma_start3A_48 = arith.constant 10240 : i32
      %dma_start3A_49 = tpu.memref_slice %arg5[%dma_start3A_48] : memref<40960xf32, #tpu.memory_space<vmem>> -> memref<10240xf32, #tpu.memory_space<vmem>>
      %dma_start3A_50 = arith.constant 0 : i32
      %dma_start3A_51 = tpu.memref_slice %arg3[%add3A_8, %dma_start3A_50] : memref<128x10240xf32, #tpu.memory_space<hbm>> -> memref<1x10240xf32, #tpu.memory_space<hbm>>
      %dma_start3A_52 = tpu.memref_squeeze %dma_start3A_51 : memref<1x10240xf32, #tpu.memory_space<hbm>> -> memref<10240xf32, #tpu.memory_space<hbm>>
      %dma_start3A_53 = arith.constant 10240 : i32
      %dma_start3A_54 = tpu.memref_slice %arg5[%dma_start3A_53] : memref<40960xf32, #tpu.memory_space<vmem>> -> memref<10240xf32, #tpu.memory_space<vmem>>
      %dma_start3A_55 = arith.constant 0 : i32
      %dma_start3A_56 = tpu.memref_slice %arg3[%add3A_8, %dma_start3A_55] : memref<128x10240xf32, #tpu.memory_space<hbm>> -> memref<1x10240xf32, #tpu.memory_space<hbm>>
      %dma_start3A_57 = tpu.memref_squeeze %dma_start3A_56 : memref<1x10240xf32, #tpu.memory_space<hbm>> -> memref<10240xf32, #tpu.memory_space<hbm>>
      tpu.enqueue_dma source(%dma_start3A_57 : memref<10240xf32, #tpu.memory_space<hbm>>) target(%dma_start3A_54 : memref<10240xf32, #tpu.memory_space<vmem>>) target_semaphore(%run_scoped3A : memref<!tpu.dma_semaphore, #tpu.memory_space<semaphore_mem>>)
      %dma_wait3A = arith.constant 10240 : i32
      %dma_wait3A_58 = tpu.memref_slice %arg5[%dma_wait3A] : memref<40960xf32, #tpu.memory_space<vmem>> -> memref<10240xf32, #tpu.memory_space<vmem>>
      %dma_wait3A_59 = arith.constant 0 : i32
      %dma_wait3A_60 = tpu.memref_slice %arg3[%add3A_8, %dma_wait3A_59] : memref<128x10240xf32, #tpu.memory_space<hbm>> -> memref<1x10240xf32, #tpu.memory_space<hbm>>
      %dma_wait3A_61 = tpu.memref_squeeze %dma_wait3A_60 : memref<1x10240xf32, #tpu.memory_space<hbm>> -> memref<10240xf32, #tpu.memory_space<hbm>>
      %dma_wait3A_62 = arith.constant 10240 : i32
      %dma_wait3A_63 = tpu.memref_slice %arg5[%dma_wait3A_62] : memref<40960xf32, #tpu.memory_space<vmem>> -> memref<10240xf32, #tpu.memory_space<vmem>>
      %dma_wait3A_64 = arith.constant 0 : i32
      %dma_wait3A_65 = tpu.memref_slice %arg3[%add3A_8, %dma_wait3A_64] : memref<128x10240xf32, #tpu.memory_space<hbm>> -> memref<1x10240xf32, #tpu.memory_space<hbm>>
      %dma_wait3A_66 = tpu.memref_squeeze %dma_wait3A_65 : memref<1x10240xf32, #tpu.memory_space<hbm>> -> memref<10240xf32, #tpu.memory_space<hbm>>
      tpu.wait_dma2 semaphore(%run_scoped3A : memref<!tpu.dma_semaphore, #tpu.memory_space<semaphore_mem>>) src(%dma_wait3A_66 : memref<10240xf32, #tpu.memory_space<hbm>>) dst(%dma_wait3A_63 : memref<10240xf32, #tpu.memory_space<vmem>>)
      tpu.yield
    }) : () -> ()
    %mul3A_9 = arith.constant 4 : i32
    %mul3A_10 = arith.muli %add3A, %mul3A_9 : i32
    %add3A_11 = arith.constant 2 : i32
    %add3A_12 = arith.addi %mul3A_10, %add3A_11 : i32
    "tpu.region"() ({
      %run_scoped3A = tpu.sem_alloc : memref<!tpu.dma_semaphore, #tpu.memory_space<semaphore_mem>>
      %dma_start3A_48 = arith.constant 20480 : i32
      %dma_start3A_49 = tpu.memref_slice %arg5[%dma_start3A_48] : memref<40960xf32, #tpu.memory_space<vmem>> -> memref<10240xf32, #tpu.memory_space<vmem>>
      %dma_start3A_50 = arith.constant 0 : i32
      %dma_start3A_51 = tpu.memref_slice %arg3[%add3A_12, %dma_start3A_50] : memref<128x10240xf32, #tpu.memory_space<hbm>> -> memref<1x10240xf32, #tpu.memory_space<hbm>>
      %dma_start3A_52 = tpu.memref_squeeze %dma_start3A_51 : memref<1x10240xf32, #tpu.memory_space<hbm>> -> memref<10240xf32, #tpu.memory_space<hbm>>
      %dma_start3A_53 = arith.constant 20480 : i32
      %dma_start3A_54 = tpu.memref_slice %arg5[%dma_start3A_53] : memref<40960xf32, #tpu.memory_space<vmem>> -> memref<10240xf32, #tpu.memory_space<vmem>>
      %dma_start3A_55 = arith.constant 0 : i32
      %dma_start3A_56 = tpu.memref_slice %arg3[%add3A_12, %dma_start3A_55] : memref<128x10240xf32, #tpu.memory_space<hbm>> -> memref<1x10240xf32, #tpu.memory_space<hbm>>
      %dma_start3A_57 = tpu.memref_squeeze %dma_start3A_56 : memref<1x10240xf32, #tpu.memory_space<hbm>> -> memref<10240xf32, #tpu.memory_space<hbm>>
      tpu.enqueue_dma source(%dma_start3A_57 : memref<10240xf32, #tpu.memory_space<hbm>>) target(%dma_start3A_54 : memref<10240xf32, #tpu.memory_space<vmem>>) target_semaphore(%run_scoped3A : memref<!tpu.dma_semaphore, #tpu.memory_space<semaphore_mem>>)
      %dma_wait3A = arith.constant 20480 : i32
      %dma_wait3A_58 = tpu.memref_slice %arg5[%dma_wait3A] : memref<40960xf32, #tpu.memory_space<vmem>> -> memref<10240xf32, #tpu.memory_space<vmem>>
      %dma_wait3A_59 = arith.constant 0 : i32
      %dma_wait3A_60 = tpu.memref_slice %arg3[%add3A_12, %dma_wait3A_59] : memref<128x10240xf32, #tpu.memory_space<hbm>> -> memref<1x10240xf32, #tpu.memory_space<hbm>>
      %dma_wait3A_61 = tpu.memref_squeeze %dma_wait3A_60 : memref<1x10240xf32, #tpu.memory_space<hbm>> -> memref<10240xf32, #tpu.memory_space<hbm>>
      %dma_wait3A_62 = arith.constant 20480 : i32
      %dma_wait3A_63 = tpu.memref_slice %arg5[%dma_wait3A_62] : memref<40960xf32, #tpu.memory_space<vmem>> -> memref<10240xf32, #tpu.memory_space<vmem>>
      %dma_wait3A_64 = arith.constant 0 : i32
      %dma_wait3A_65 = tpu.memref_slice %arg3[%add3A_12, %dma_wait3A_64] : memref<128x10240xf32, #tpu.memory_space<hbm>> -> memref<1x10240xf32, #tpu.memory_space<hbm>>
      %dma_wait3A_66 = tpu.memref_squeeze %dma_wait3A_65 : memref<1x10240xf32, #tpu.memory_space<hbm>> -> memref<10240xf32, #tpu.memory_space<hbm>>
      tpu.wait_dma2 semaphore(%run_scoped3A : memref<!tpu.dma_semaphore, #tpu.memory_space<semaphore_mem>>) src(%dma_wait3A_66 : memref<10240xf32, #tpu.memory_space<hbm>>) dst(%dma_wait3A_63 : memref<10240xf32, #tpu.memory_space<vmem>>)
      tpu.yield
    }) : () -> ()
    %mul3A_13 = arith.constant 4 : i32
    %mul3A_14 = arith.muli %add3A, %mul3A_13 : i32
    %add3A_15 = arith.constant 3 : i32
    %add3A_16 = arith.addi %mul3A_14, %add3A_15 : i32
    "tpu.region"() ({
      %run_scoped3A = tpu.sem_alloc : memref<!tpu.dma_semaphore, #tpu.memory_space<semaphore_mem>>
      %dma_start3A_48 = arith.constant 30720 : i32
      %dma_start3A_49 = tpu.memref_slice %arg5[%dma_start3A_48] : memref<40960xf32, #tpu.memory_space<vmem>> -> memref<10240xf32, #tpu.memory_space<vmem>>
      %dma_start3A_50 = arith.constant 0 : i32
      %dma_start3A_51 = tpu.memref_slice %arg3[%add3A_16, %dma_start3A_50] : memref<128x10240xf32, #tpu.memory_space<hbm>> -> memref<1x10240xf32, #tpu.memory_space<hbm>>
      %dma_start3A_52 = tpu.memref_squeeze %dma_start3A_51 : memref<1x10240xf32, #tpu.memory_space<hbm>> -> memref<10240xf32, #tpu.memory_space<hbm>>
      %dma_start3A_53 = arith.constant 30720 : i32
      %dma_start3A_54 = tpu.memref_slice %arg5[%dma_start3A_53] : memref<40960xf32, #tpu.memory_space<vmem>> -> memref<10240xf32, #tpu.memory_space<vmem>>
      %dma_start3A_55 = arith.constant 0 : i32
      %dma_start3A_56 = tpu.memref_slice %arg3[%add3A_16, %dma_start3A_55] : memref<128x10240xf32, #tpu.memory_space<hbm>> -> memref<1x10240xf32, #tpu.memory_space<hbm>>
      %dma_start3A_57 = tpu.memref_squeeze %dma_start3A_56 : memref<1x10240xf32, #tpu.memory_space<hbm>> -> memref<10240xf32, #tpu.memory_space<hbm>>
      tpu.enqueue_dma source(%dma_start3A_57 : memref<10240xf32, #tpu.memory_space<hbm>>) target(%dma_start3A_54 : memref<10240xf32, #tpu.memory_space<vmem>>) target_semaphore(%run_scoped3A : memref<!tpu.dma_semaphore, #tpu.memory_space<semaphore_mem>>)
      %dma_wait3A = arith.constant 30720 : i32
      %dma_wait3A_58 = tpu.memref_slice %arg5[%dma_wait3A] : memref<40960xf32, #tpu.memory_space<vmem>> -> memref<10240xf32, #tpu.memory_space<vmem>>
      %dma_wait3A_59 = arith.constant 0 : i32
      %dma_wait3A_60 = tpu.memref_slice %arg3[%add3A_16, %dma_wait3A_59] : memref<128x10240xf32, #tpu.memory_space<hbm>> -> memref<1x10240xf32, #tpu.memory_space<hbm>>
      %dma_wait3A_61 = tpu.memref_squeeze %dma_wait3A_60 : memref<1x10240xf32, #tpu.memory_space<hbm>> -> memref<10240xf32, #tpu.memory_space<hbm>>
      %dma_wait3A_62 = arith.constant 30720 : i32
      %dma_wait3A_63 = tpu.memref_slice %arg5[%dma_wait3A_62] : memref<40960xf32, #tpu.memory_space<vmem>> -> memref<10240xf32, #tpu.memory_space<vmem>>
      %dma_wait3A_64 = arith.constant 0 : i32
      %dma_wait3A_65 = tpu.memref_slice %arg3[%add3A_16, %dma_wait3A_64] : memref<128x10240xf32, #tpu.memory_space<hbm>> -> memref<1x10240xf32, #tpu.memory_space<hbm>>
      %dma_wait3A_66 = tpu.memref_squeeze %dma_wait3A_65 : memref<1x10240xf32, #tpu.memory_space<hbm>> -> memref<10240xf32, #tpu.memory_space<hbm>>
      tpu.wait_dma2 semaphore(%run_scoped3A : memref<!tpu.dma_semaphore, #tpu.memory_space<semaphore_mem>>) src(%dma_wait3A_66 : memref<10240xf32, #tpu.memory_space<hbm>>) dst(%dma_wait3A_63 : memref<10240xf32, #tpu.memory_space<vmem>>)
      tpu.yield
    }) : () -> ()
    %parallel_loop3A = arith.constant 0 : i32
    %parallel_loop3A_17 = arith.constant 2560 : i32
    %parallel_loop3A_18 = arith.constant 1 : i32
    scf.for %parallel_loop3A_48 = %parallel_loop3A to %parallel_loop3A_17 step %parallel_loop3A_18  : i32 {
      %parallel_loop3A_49 = arith.constant 0.000000e+00 : f32
      %parallel_loop3A_50 = vector.broadcast %parallel_loop3A_49 : f32 to vector<16xf32>
      %parallel_loop3A_51 = arith.constant 16 : i32
      %parallel_loop3A_52 = arith.muli %parallel_loop3A_48, %parallel_loop3A_51 : i32
      %parallel_loop3A_53 = arith.index_cast %parallel_loop3A_52 : i32 to index
      %parallel_loop3A_54 = tpu.vector_load %arg6[%parallel_loop3A_53] {strides = array<i32>} : memref<40960xf32, #tpu.memory_space<vmem>>, vector<16xf32>,
      tpu.vector_store %arg6[%parallel_loop3A_53], %parallel_loop3A_50 {strides = array<i32>} : memref<40960xf32, #tpu.memory_space<vmem>>, vector<16xf32>,
    } {sc.loop_unroll_factor = 8 : i64, sc.parallel_access}
    %dma_start3A = arith.constant 0 : i32
    %dma_start3A_19 = arith.constant 0 : i32
    %dma_start3A_20 = arith.constant 0 : i32
    %dma_start3A_21 = tpu.memref_slice %arg2[%dma_start3A, %dma_start3A_19, %dma_start3A_20] : memref<100x2x3200xi32, #tpu.memory_space<hbm>> -> memref<1x2x3200xi32, #tpu.memory_space<hbm>>
    %dma_start3A_22 = tpu.memref_squeeze %dma_start3A_21 : memref<1x2x3200xi32, #tpu.memory_space<hbm>> -> memref<2x3200xi32, #tpu.memory_space<hbm>>
    %dma_start3A_23 = arith.constant 0 : i32
    %dma_start3A_24 = arith.constant 0 : i32
    %dma_start3A_25 = tpu.memref_slice %arg2[%dma_start3A, %dma_start3A_23, %dma_start3A_24] : memref<100x2x3200xi32, #tpu.memory_space<hbm>> -> memref<1x2x3200xi32, #tpu.memory_space<hbm>>
    %dma_start3A_26 = tpu.memref_squeeze %dma_start3A_25 : memref<1x2x3200xi32, #tpu.memory_space<hbm>> -> memref<2x3200xi32, #tpu.memory_space<hbm>>
    tpu.enqueue_dma source(%dma_start3A_26 : memref<2x3200xi32, #tpu.memory_space<hbm>>) target(%arg7 : memref<2x3200xi32, #tpu.memory_space<vmem>>) target_semaphore(%arg9 : memref<!tpu.dma_semaphore, #tpu.memory_space<semaphore_mem>>)
    %scan3A = arith.constant 0 : i32
    %scan3A_27 = arith.constant 0 : i32
    %scan3A_28 = arith.constant 50 : i32
    %scan3A_29 = arith.addi %scan3A_27, %scan3A_28 : i32
    %scan3A_30 = arith.constant 1 : i32
    scf.for %scan3A_48 = %scan3A_27 to %scan3A_29 step %scan3A_30  : i32 {
      %mul3A_49 = arith.constant 2 : i32
      %mul3A_50 = arith.muli %scan3A_48, %mul3A_49 : i32
      %dma_wait3A = arith.constant 0 : i32
      %dma_wait3A_51 = arith.constant 0 : i32
      %dma_wait3A_52 = tpu.memref_slice %arg2[%mul3A_50, %dma_wait3A, %dma_wait3A_51] : memref<100x2x3200xi32, #tpu.memory_space<hbm>> -> memref<1x2x3200xi32, #tpu.memory_space<hbm>>
      %dma_wait3A_53 = tpu.memref_squeeze %dma_wait3A_52 : memref<1x2x3200xi32, #tpu.memory_space<hbm>> -> memref<2x3200xi32, #tpu.memory_space<hbm>>
      %dma_wait3A_54 = arith.constant 0 : i32
      %dma_wait3A_55 = arith.constant 0 : i32
      %dma_wait3A_56 = tpu.memref_slice %arg2[%mul3A_50, %dma_wait3A_54, %dma_wait3A_55] : memref<100x2x3200xi32, #tpu.memory_space<hbm>> -> memref<1x2x3200xi32, #tpu.memory_space<hbm>>
      %dma_wait3A_57 = tpu.memref_squeeze %dma_wait3A_56 : memref<1x2x3200xi32, #tpu.memory_space<hbm>> -> memref<2x3200xi32, #tpu.memory_space<hbm>>
      tpu.wait_dma2 semaphore(%arg9 : memref<!tpu.dma_semaphore, #tpu.memory_space<semaphore_mem>>) src(%dma_wait3A_57 : memref<2x3200xi32, #tpu.memory_space<hbm>>) dst(%arg7 : memref<2x3200xi32, #tpu.memory_space<vmem>>)
      %add3A_58 = arith.constant 1 : i32
      %add3A_59 = arith.addi %mul3A_50, %add3A_58 : i32
      %dma_start3A_60 = arith.constant 0 : i32
      %dma_start3A_61 = arith.constant 0 : i32
      %dma_start3A_62 = tpu.memref_slice %arg2[%add3A_59, %dma_start3A_60, %dma_start3A_61] : memref<100x2x3200xi32, #tpu.memory_space<hbm>> -> memref<1x2x3200xi32, #tpu.memory_space<hbm>>
      %dma_start3A_63 = tpu.memref_squeeze %dma_start3A_62 : memref<1x2x3200xi32, #tpu.memory_space<hbm>> -> memref<2x3200xi32, #tpu.memory_space<hbm>>
      %dma_start3A_64 = arith.constant 0 : i32
      %dma_start3A_65 = arith.constant 0 : i32
      %dma_start3A_66 = tpu.memref_slice %arg2[%add3A_59, %dma_start3A_64, %dma_start3A_65] : memref<100x2x3200xi32, #tpu.memory_space<hbm>> -> memref<1x2x3200xi32, #tpu.memory_space<hbm>>
      %dma_start3A_67 = tpu.memref_squeeze %dma_start3A_66 : memref<1x2x3200xi32, #tpu.memory_space<hbm>> -> memref<2x3200xi32, #tpu.memory_space<hbm>>
      tpu.enqueue_dma source(%dma_start3A_67 : memref<2x3200xi32, #tpu.memory_space<hbm>>) target(%arg8 : memref<2x3200xi32, #tpu.memory_space<vmem>>) target_semaphore(%arg10 : memref<!tpu.dma_semaphore, #tpu.memory_space<semaphore_mem>>)
      %parallel_loop3A_68 = arith.constant 0 : i32
      %parallel_loop3A_69 = arith.constant 200 : i32
      %parallel_loop3A_70 = arith.constant 2 : i32
      scf.for %parallel_loop3A_88 = %parallel_loop3A_68 to %parallel_loop3A_69 step %parallel_loop3A_70  : i32 {
        %parallel_loop3A_89 = arith.constant 0 : i32
        %parallel_loop3A_90 = arith.addi %parallel_loop3A_88, %parallel_loop3A_89 : i32
        %parallel_loop3A_91 = arith.constant 16 : i32
        %parallel_loop3A_92 = arith.muli %parallel_loop3A_90, %parallel_loop3A_91 : i32
        %parallel_loop3A_93 = arith.constant 0 : i32
        %parallel_loop3A_94 = arith.index_cast %parallel_loop3A_93 : i32 to index
        %parallel_loop3A_95 = arith.index_cast %parallel_loop3A_92 : i32 to index
        %parallel_loop3A_96 = tpu.vector_load %arg7[%parallel_loop3A_94, %parallel_loop3A_95] {strides = array<i32>} : memref<2x3200xi32, #tpu.memory_space<vmem>>, vector<16xi32>,
        %parallel_loop3A_97 = arith.constant 14 : i32
        %parallel_loop3A_98 = vector.broadcast %parallel_loop3A_97 : i32 to vector<16xi32>
        %parallel_loop3A_99 = arith.shrui %parallel_loop3A_96, %parallel_loop3A_98 : vector<16xi32>
        %parallel_loop3A_100 = arith.constant 16383 : i32
        %parallel_loop3A_101 = vector.broadcast %parallel_loop3A_100 : i32 to vector<16xi32>
        %parallel_loop3A_102 = arith.andi %parallel_loop3A_96, %parallel_loop3A_101 : vector<16xi32>
        %parallel_loop3A_103 = arith.constant 1 : i32
        %parallel_loop3A_104 = arith.index_cast %parallel_loop3A_103 : i32 to index
        %parallel_loop3A_105 = arith.index_cast %parallel_loop3A_92 : i32 to index
        %parallel_loop3A_106 = tpu.vector_load %arg7[%parallel_loop3A_104, %parallel_loop3A_105] {strides = array<i32>} : memref<2x3200xi32, #tpu.memory_space<vmem>>, vector<16xi32>,
        %parallel_loop3A_107 = vector.bitcast %parallel_loop3A_106 : vector<16xi32> to vector<16xf32>
        %parallel_loop3A_108 = arith.constant 0 : i32
        %parallel_loop3A_109 = vector.broadcast %parallel_loop3A_108 : i32 to vector<16xi32>
        %parallel_loop3A_110 = arith.addi %parallel_loop3A_99, %parallel_loop3A_109 : vector<16xi32>
        %parallel_loop3A_111 = tpu.vector_load_idx %arg5[%parallel_loop3A_110] : memref<40960xf32, #tpu.memory_space<vmem>>[vector<16xi32>], vector<16xf32>,
        %parallel_loop3A_112 = arith.constant 0 : i32
        %parallel_loop3A_113 = vector.broadcast %parallel_loop3A_112 : i32 to vector<16xi32>
        %parallel_loop3A_114 = arith.addi %parallel_loop3A_102, %parallel_loop3A_113 : vector<16xi32>
        %parallel_loop3A_115 = arith.mulf %parallel_loop3A_111, %parallel_loop3A_107 : vector<16xf32>
        tpu.vector_store_idx %arg6[%parallel_loop3A_114], %parallel_loop3A_115 {add = true} : memref<40960xf32, #tpu.memory_space<vmem>>[vector<16xi32>], vector<16xf32>,
        %parallel_loop3A_116 = arith.constant 10240 : i32
        %parallel_loop3A_117 = vector.broadcast %parallel_loop3A_116 : i32 to vector<16xi32>
        %parallel_loop3A_118 = arith.addi %parallel_loop3A_99, %parallel_loop3A_117 : vector<16xi32>
        %parallel_loop3A_119 = tpu.vector_load_idx %arg5[%parallel_loop3A_118] : memref<40960xf32, #tpu.memory_space<vmem>>[vector<16xi32>], vector<16xf32>,
        %parallel_loop3A_120 = arith.constant 10240 : i32
        %parallel_loop3A_121 = vector.broadcast %parallel_loop3A_120 : i32 to vector<16xi32>
        %parallel_loop3A_122 = arith.addi %parallel_loop3A_102, %parallel_loop3A_121 : vector<16xi32>
        %parallel_loop3A_123 = arith.mulf %parallel_loop3A_119, %parallel_loop3A_107 : vector<16xf32>
        tpu.vector_store_idx %arg6[%parallel_loop3A_122], %parallel_loop3A_123 {add = true} : memref<40960xf32, #tpu.memory_space<vmem>>[vector<16xi32>], vector<16xf32>,
        %parallel_loop3A_124 = arith.constant 20480 : i32
        %parallel_loop3A_125 = vector.broadcast %parallel_loop3A_124 : i32 to vector<16xi32>
        %parallel_loop3A_126 = arith.addi %parallel_loop3A_99, %parallel_loop3A_125 : vector<16xi32>
        %parallel_loop3A_127 = tpu.vector_load_idx %arg5[%parallel_loop3A_126] : memref<40960xf32, #tpu.memory_space<vmem>>[vector<16xi32>], vector<16xf32>,
        %parallel_loop3A_128 = arith.constant 20480 : i32
        %parallel_loop3A_129 = vector.broadcast %parallel_loop3A_128 : i32 to vector<16xi32>
        %parallel_loop3A_130 = arith.addi %parallel_loop3A_102, %parallel_loop3A_129 : vector<16xi32>
        %parallel_loop3A_131 = arith.mulf %parallel_loop3A_127, %parallel_loop3A_107 : vector<16xf32>
        tpu.vector_store_idx %arg6[%parallel_loop3A_130], %parallel_loop3A_131 {add = true} : memref<40960xf32, #tpu.memory_space<vmem>>[vector<16xi32>], vector<16xf32>,
        %parallel_loop3A_132 = arith.constant 30720 : i32
        %parallel_loop3A_133 = vector.broadcast %parallel_loop3A_132 : i32 to vector<16xi32>
        %parallel_loop3A_134 = arith.addi %parallel_loop3A_99, %parallel_loop3A_133 : vector<16xi32>
        %parallel_loop3A_135 = tpu.vector_load_idx %arg5[%parallel_loop3A_134] : memref<40960xf32, #tpu.memory_space<vmem>>[vector<16xi32>], vector<16xf32>,
        %parallel_loop3A_136 = arith.constant 30720 : i32
        %parallel_loop3A_137 = vector.broadcast %parallel_loop3A_136 : i32 to vector<16xi32>
        %parallel_loop3A_138 = arith.addi %parallel_loop3A_102, %parallel_loop3A_137 : vector<16xi32>
        %parallel_loop3A_139 = arith.mulf %parallel_loop3A_135, %parallel_loop3A_107 : vector<16xf32>
        tpu.vector_store_idx %arg6[%parallel_loop3A_138], %parallel_loop3A_139 {add = true} : memref<40960xf32, #tpu.memory_space<vmem>>[vector<16xi32>], vector<16xf32>,
        %parallel_loop3A_140 = arith.constant 1 : i32
        %parallel_loop3A_141 = arith.addi %parallel_loop3A_88, %parallel_loop3A_140 : i32
        %parallel_loop3A_142 = arith.constant 16 : i32
        %parallel_loop3A_143 = arith.muli %parallel_loop3A_141, %parallel_loop3A_142 : i32
        %parallel_loop3A_144 = arith.constant 0 : i32
        %parallel_loop3A_145 = arith.index_cast %parallel_loop3A_144 : i32 to index
        %parallel_loop3A_146 = arith.index_cast %parallel_loop3A_143 : i32 to index
        %parallel_loop3A_147 = tpu.vector_load %arg7[%parallel_loop3A_145, %parallel_loop3A_146] {strides = array<i32>} : memref<2x3200xi32, #tpu.memory_space<vmem>>, vector<16xi32>,
        %parallel_loop3A_148 = arith.constant 14 : i32
        %parallel_loop3A_149 = vector.broadcast %parallel_loop3A_148 : i32 to vector<16xi32>
        %parallel_loop3A_150 = arith.shrui %parallel_loop3A_147, %parallel_loop3A_149 : vector<16xi32>
        %parallel_loop3A_151 = arith.constant 16383 : i32
        %parallel_loop3A_152 = vector.broadcast %parallel_loop3A_151 : i32 to vector<16xi32>
        %parallel_loop3A_153 = arith.andi %parallel_loop3A_147, %parallel_loop3A_152 : vector<16xi32>
        %parallel_loop3A_154 = arith.constant 1 : i32
        %parallel_loop3A_155 = arith.index_cast %parallel_loop3A_154 : i32 to index
        %parallel_loop3A_156 = arith.index_cast %parallel_loop3A_143 : i32 to index
        %parallel_loop3A_157 = tpu.vector_load %arg7[%parallel_loop3A_155, %parallel_loop3A_156] {strides = array<i32>} : memref<2x3200xi32, #tpu.memory_space<vmem>>, vector<16xi32>,
        %parallel_loop3A_158 = vector.bitcast %parallel_loop3A_157 : vector<16xi32> to vector<16xf32>
        %parallel_loop3A_159 = arith.constant 0 : i32
        %parallel_loop3A_160 = vector.broadcast %parallel_loop3A_159 : i32 to vector<16xi32>
        %parallel_loop3A_161 = arith.addi %parallel_loop3A_150, %parallel_loop3A_160 : vector<16xi32>
        %parallel_loop3A_162 = tpu.vector_load_idx %arg5[%parallel_loop3A_161] : memref<40960xf32, #tpu.memory_space<vmem>>[vector<16xi32>], vector<16xf32>,
        %parallel_loop3A_163 = arith.constant 0 : i32
        %parallel_loop3A_164 = vector.broadcast %parallel_loop3A_163 : i32 to vector<16xi32>
        %parallel_loop3A_165 = arith.addi %parallel_loop3A_153, %parallel_loop3A_164 : vector<16xi32>
        %parallel_loop3A_166 = arith.mulf %parallel_loop3A_162, %parallel_loop3A_158 : vector<16xf32>
        tpu.vector_store_idx %arg6[%parallel_loop3A_165], %parallel_loop3A_166 {add = true} : memref<40960xf32, #tpu.memory_space<vmem>>[vector<16xi32>], vector<16xf32>,
        %parallel_loop3A_167 = arith.constant 10240 : i32
        %parallel_loop3A_168 = vector.broadcast %parallel_loop3A_167 : i32 to vector<16xi32>
        %parallel_loop3A_169 = arith.addi %parallel_loop3A_150, %parallel_loop3A_168 : vector<16xi32>
        %parallel_loop3A_170 = tpu.vector_load_idx %arg5[%parallel_loop3A_169] : memref<40960xf32, #tpu.memory_space<vmem>>[vector<16xi32>], vector<16xf32>,
        %parallel_loop3A_171 = arith.constant 10240 : i32
        %parallel_loop3A_172 = vector.broadcast %parallel_loop3A_171 : i32 to vector<16xi32>
        %parallel_loop3A_173 = arith.addi %parallel_loop3A_153, %parallel_loop3A_172 : vector<16xi32>
        %parallel_loop3A_174 = arith.mulf %parallel_loop3A_170, %parallel_loop3A_158 : vector<16xf32>
        tpu.vector_store_idx %arg6[%parallel_loop3A_173], %parallel_loop3A_174 {add = true} : memref<40960xf32, #tpu.memory_space<vmem>>[vector<16xi32>], vector<16xf32>,
        %parallel_loop3A_175 = arith.constant 20480 : i32
        %parallel_loop3A_176 = vector.broadcast %parallel_loop3A_175 : i32 to vector<16xi32>
        %parallel_loop3A_177 = arith.addi %parallel_loop3A_150, %parallel_loop3A_176 : vector<16xi32>
        %parallel_loop3A_178 = tpu.vector_load_idx %arg5[%parallel_loop3A_177] : memref<40960xf32, #tpu.memory_space<vmem>>[vector<16xi32>], vector<16xf32>,
        %parallel_loop3A_179 = arith.constant 20480 : i32
        %parallel_loop3A_180 = vector.broadcast %parallel_loop3A_179 : i32 to vector<16xi32>
        %parallel_loop3A_181 = arith.addi %parallel_loop3A_153, %parallel_loop3A_180 : vector<16xi32>
        %parallel_loop3A_182 = arith.mulf %parallel_loop3A_178, %parallel_loop3A_158 : vector<16xf32>
        tpu.vector_store_idx %arg6[%parallel_loop3A_181], %parallel_loop3A_182 {add = true} : memref<40960xf32, #tpu.memory_space<vmem>>[vector<16xi32>], vector<16xf32>,
        %parallel_loop3A_183 = arith.constant 30720 : i32
        %parallel_loop3A_184 = vector.broadcast %parallel_loop3A_183 : i32 to vector<16xi32>
        %parallel_loop3A_185 = arith.addi %parallel_loop3A_150, %parallel_loop3A_184 : vector<16xi32>
        %parallel_loop3A_186 = tpu.vector_load_idx %arg5[%parallel_loop3A_185] : memref<40960xf32, #tpu.memory_space<vmem>>[vector<16xi32>], vector<16xf32>,
        %parallel_loop3A_187 = arith.constant 30720 : i32
        %parallel_loop3A_188 = vector.broadcast %parallel_loop3A_187 : i32 to vector<16xi32>
        %parallel_loop3A_189 = arith.addi %parallel_loop3A_153, %parallel_loop3A_188 : vector<16xi32>
        %parallel_loop3A_190 = arith.mulf %parallel_loop3A_186, %parallel_loop3A_158 : vector<16xf32>
        tpu.vector_store_idx %arg6[%parallel_loop3A_189], %parallel_loop3A_190 {add = true} : memref<40960xf32, #tpu.memory_space<vmem>>[vector<16xi32>], vector<16xf32>,
      } {sc.loop_unroll_factor = 4 : i64, sc.parallel_access}
      %add3A_71 = arith.constant 1 : i32
      %add3A_72 = arith.addi %mul3A_50, %add3A_71 : i32
      %dma_wait3A_73 = arith.constant 0 : i32
      %dma_wait3A_74 = arith.constant 0 : i32
      %dma_wait3A_75 = tpu.memref_slice %arg2[%add3A_72, %dma_wait3A_73, %dma_wait3A_74] : memref<100x2x3200xi32, #tpu.memory_space<hbm>> -> memref<1x2x3200xi32, #tpu.memory_space<hbm>>
      %dma_wait3A_76 = tpu.memref_squeeze %dma_wait3A_75 : memref<1x2x3200xi32, #tpu.memory_space<hbm>> -> memref<2x3200xi32, #tpu.memory_space<hbm>>
      %dma_wait3A_77 = arith.constant 0 : i32
      %dma_wait3A_78 = arith.constant 0 : i32
      %dma_wait3A_79 = tpu.memref_slice %arg2[%add3A_72, %dma_wait3A_77, %dma_wait3A_78] : memref<100x2x3200xi32, #tpu.memory_space<hbm>> -> memref<1x2x3200xi32, #tpu.memory_space<hbm>>
      %dma_wait3A_80 = tpu.memref_squeeze %dma_wait3A_79 : memref<1x2x3200xi32, #tpu.memory_space<hbm>> -> memref<2x3200xi32, #tpu.memory_space<hbm>>
      tpu.wait_dma2 semaphore(%arg10 : memref<!tpu.dma_semaphore, #tpu.memory_space<semaphore_mem>>) src(%dma_wait3A_80 : memref<2x3200xi32, #tpu.memory_space<hbm>>) dst(%arg8 : memref<2x3200xi32, #tpu.memory_space<vmem>>)
      %add3A_81 = arith.constant 2 : i32
      %add3A_82 = arith.addi %mul3A_50, %add3A_81 : i32
      %lt3A = arith.constant 100 : i32
      %lt3A_83 = arith.cmpi slt, %add3A_82, %lt3A : i32
      %convert_element_type3A = arith.extui %lt3A_83 : i1 to i32
      %cond3A = arith.constant 0 : i32
      %cond3A_84 = arith.cmpi ne, %convert_element_type3A, %cond3A : i32
      scf.if %cond3A_84 {
        %add3A_88 = arith.constant 2 : i32
        %add3A_89 = arith.addi %mul3A_50, %add3A_88 : i32
        %dma_start3A_90 = arith.constant 0 : i32
        %dma_start3A_91 = arith.constant 0 : i32
        %dma_start3A_92 = tpu.memref_slice %arg2[%add3A_89, %dma_start3A_90, %dma_start3A_91] : memref<100x2x3200xi32, #tpu.memory_space<hbm>> -> memref<1x2x3200xi32, #tpu.memory_space<hbm>>
        %dma_start3A_93 = tpu.memref_squeeze %dma_start3A_92 : memref<1x2x3200xi32, #tpu.memory_space<hbm>> -> memref<2x3200xi32, #tpu.memory_space<hbm>>
        %dma_start3A_94 = arith.constant 0 : i32
        %dma_start3A_95 = arith.constant 0 : i32
        %dma_start3A_96 = tpu.memref_slice %arg2[%add3A_89, %dma_start3A_94, %dma_start3A_95] : memref<100x2x3200xi32, #tpu.memory_space<hbm>> -> memref<1x2x3200xi32, #tpu.memory_space<hbm>>
        %dma_start3A_97 = tpu.memref_squeeze %dma_start3A_96 : memref<1x2x3200xi32, #tpu.memory_space<hbm>> -> memref<2x3200xi32, #tpu.memory_space<hbm>>
        tpu.enqueue_dma source(%dma_start3A_97 : memref<2x3200xi32, #tpu.memory_space<hbm>>) target(%arg7 : memref<2x3200xi32, #tpu.memory_space<vmem>>) target_semaphore(%arg9 : memref<!tpu.dma_semaphore, #tpu.memory_space<semaphore_mem>>)
      } else {
      }
      %parallel_loop3A_85 = arith.constant 0 : i32
      %parallel_loop3A_86 = arith.constant 200 : i32
      %parallel_loop3A_87 = arith.constant 2 : i32
      scf.for %parallel_loop3A_88 = %parallel_loop3A_85 to %parallel_loop3A_86 step %parallel_loop3A_87  : i32 {
        %parallel_loop3A_89 = arith.constant 0 : i32
        %parallel_loop3A_90 = arith.addi %parallel_loop3A_88, %parallel_loop3A_89 : i32
        %parallel_loop3A_91 = arith.constant 16 : i32
        %parallel_loop3A_92 = arith.muli %parallel_loop3A_90, %parallel_loop3A_91 : i32
        %parallel_loop3A_93 = arith.constant 0 : i32
        %parallel_loop3A_94 = arith.index_cast %parallel_loop3A_93 : i32 to index
        %parallel_loop3A_95 = arith.index_cast %parallel_loop3A_92 : i32 to index
        %parallel_loop3A_96 = tpu.vector_load %arg8[%parallel_loop3A_94, %parallel_loop3A_95] {strides = array<i32>} : memref<2x3200xi32, #tpu.memory_space<vmem>>, vector<16xi32>,
        %parallel_loop3A_97 = arith.constant 14 : i32
        %parallel_loop3A_98 = vector.broadcast %parallel_loop3A_97 : i32 to vector<16xi32>
        %parallel_loop3A_99 = arith.shrui %parallel_loop3A_96, %parallel_loop3A_98 : vector<16xi32>
        %parallel_loop3A_100 = arith.constant 16383 : i32
        %parallel_loop3A_101 = vector.broadcast %parallel_loop3A_100 : i32 to vector<16xi32>
        %parallel_loop3A_102 = arith.andi %parallel_loop3A_96, %parallel_loop3A_101 : vector<16xi32>
        %parallel_loop3A_103 = arith.constant 1 : i32
        %parallel_loop3A_104 = arith.index_cast %parallel_loop3A_103 : i32 to index
        %parallel_loop3A_105 = arith.index_cast %parallel_loop3A_92 : i32 to index
        %parallel_loop3A_106 = tpu.vector_load %arg8[%parallel_loop3A_104, %parallel_loop3A_105] {strides = array<i32>} : memref<2x3200xi32, #tpu.memory_space<vmem>>, vector<16xi32>,
        %parallel_loop3A_107 = vector.bitcast %parallel_loop3A_106 : vector<16xi32> to vector<16xf32>
        %parallel_loop3A_108 = arith.constant 0 : i32
        %parallel_loop3A_109 = vector.broadcast %parallel_loop3A_108 : i32 to vector<16xi32>
        %parallel_loop3A_110 = arith.addi %parallel_loop3A_99, %parallel_loop3A_109 : vector<16xi32>
        %parallel_loop3A_111 = tpu.vector_load_idx %arg5[%parallel_loop3A_110] : memref<40960xf32, #tpu.memory_space<vmem>>[vector<16xi32>], vector<16xf32>,
        %parallel_loop3A_112 = arith.constant 0 : i32
        %parallel_loop3A_113 = vector.broadcast %parallel_loop3A_112 : i32 to vector<16xi32>
        %parallel_loop3A_114 = arith.addi %parallel_loop3A_102, %parallel_loop3A_113 : vector<16xi32>
        %parallel_loop3A_115 = arith.mulf %parallel_loop3A_111, %parallel_loop3A_107 : vector<16xf32>
        tpu.vector_store_idx %arg6[%parallel_loop3A_114], %parallel_loop3A_115 {add = true} : memref<40960xf32, #tpu.memory_space<vmem>>[vector<16xi32>], vector<16xf32>,
        %parallel_loop3A_116 = arith.constant 10240 : i32
        %parallel_loop3A_117 = vector.broadcast %parallel_loop3A_116 : i32 to vector<16xi32>
        %parallel_loop3A_118 = arith.addi %parallel_loop3A_99, %parallel_loop3A_117 : vector<16xi32>
        %parallel_loop3A_119 = tpu.vector_load_idx %arg5[%parallel_loop3A_118] : memref<40960xf32, #tpu.memory_space<vmem>>[vector<16xi32>], vector<16xf32>,
        %parallel_loop3A_120 = arith.constant 10240 : i32
        %parallel_loop3A_121 = vector.broadcast %parallel_loop3A_120 : i32 to vector<16xi32>
        %parallel_loop3A_122 = arith.addi %parallel_loop3A_102, %parallel_loop3A_121 : vector<16xi32>
        %parallel_loop3A_123 = arith.mulf %parallel_loop3A_119, %parallel_loop3A_107 : vector<16xf32>
        tpu.vector_store_idx %arg6[%parallel_loop3A_122], %parallel_loop3A_123 {add = true} : memref<40960xf32, #tpu.memory_space<vmem>>[vector<16xi32>], vector<16xf32>,
        %parallel_loop3A_124 = arith.constant 20480 : i32
        %parallel_loop3A_125 = vector.broadcast %parallel_loop3A_124 : i32 to vector<16xi32>
        %parallel_loop3A_126 = arith.addi %parallel_loop3A_99, %parallel_loop3A_125 : vector<16xi32>
        %parallel_loop3A_127 = tpu.vector_load_idx %arg5[%parallel_loop3A_126] : memref<40960xf32, #tpu.memory_space<vmem>>[vector<16xi32>], vector<16xf32>,
        %parallel_loop3A_128 = arith.constant 20480 : i32
        %parallel_loop3A_129 = vector.broadcast %parallel_loop3A_128 : i32 to vector<16xi32>
        %parallel_loop3A_130 = arith.addi %parallel_loop3A_102, %parallel_loop3A_129 : vector<16xi32>
        %parallel_loop3A_131 = arith.mulf %parallel_loop3A_127, %parallel_loop3A_107 : vector<16xf32>
        tpu.vector_store_idx %arg6[%parallel_loop3A_130], %parallel_loop3A_131 {add = true} : memref<40960xf32, #tpu.memory_space<vmem>>[vector<16xi32>], vector<16xf32>,
        %parallel_loop3A_132 = arith.constant 30720 : i32
        %parallel_loop3A_133 = vector.broadcast %parallel_loop3A_132 : i32 to vector<16xi32>
        %parallel_loop3A_134 = arith.addi %parallel_loop3A_99, %parallel_loop3A_133 : vector<16xi32>
        %parallel_loop3A_135 = tpu.vector_load_idx %arg5[%parallel_loop3A_134] : memref<40960xf32, #tpu.memory_space<vmem>>[vector<16xi32>], vector<16xf32>,
        %parallel_loop3A_136 = arith.constant 30720 : i32
        %parallel_loop3A_137 = vector.broadcast %parallel_loop3A_136 : i32 to vector<16xi32>
        %parallel_loop3A_138 = arith.addi %parallel_loop3A_102, %parallel_loop3A_137 : vector<16xi32>
        %parallel_loop3A_139 = arith.mulf %parallel_loop3A_135, %parallel_loop3A_107 : vector<16xf32>
        tpu.vector_store_idx %arg6[%parallel_loop3A_138], %parallel_loop3A_139 {add = true} : memref<40960xf32, #tpu.memory_space<vmem>>[vector<16xi32>], vector<16xf32>,
        %parallel_loop3A_140 = arith.constant 1 : i32
        %parallel_loop3A_141 = arith.addi %parallel_loop3A_88, %parallel_loop3A_140 : i32
        %parallel_loop3A_142 = arith.constant 16 : i32
        %parallel_loop3A_143 = arith.muli %parallel_loop3A_141, %parallel_loop3A_142 : i32
        %parallel_loop3A_144 = arith.constant 0 : i32
        %parallel_loop3A_145 = arith.index_cast %parallel_loop3A_144 : i32 to index
        %parallel_loop3A_146 = arith.index_cast %parallel_loop3A_143 : i32 to index
        %parallel_loop3A_147 = tpu.vector_load %arg8[%parallel_loop3A_145, %parallel_loop3A_146] {strides = array<i32>} : memref<2x3200xi32, #tpu.memory_space<vmem>>, vector<16xi32>,
        %parallel_loop3A_148 = arith.constant 14 : i32
        %parallel_loop3A_149 = vector.broadcast %parallel_loop3A_148 : i32 to vector<16xi32>
        %parallel_loop3A_150 = arith.shrui %parallel_loop3A_147, %parallel_loop3A_149 : vector<16xi32>
        %parallel_loop3A_151 = arith.constant 16383 : i32
        %parallel_loop3A_152 = vector.broadcast %parallel_loop3A_151 : i32 to vector<16xi32>
        %parallel_loop3A_153 = arith.andi %parallel_loop3A_147, %parallel_loop3A_152 : vector<16xi32>
        %parallel_loop3A_154 = arith.constant 1 : i32
        %parallel_loop3A_155 = arith.index_cast %parallel_loop3A_154 : i32 to index
        %parallel_loop3A_156 = arith.index_cast %parallel_loop3A_143 : i32 to index
        %parallel_loop3A_157 = tpu.vector_load %arg8[%parallel_loop3A_155, %parallel_loop3A_156] {strides = array<i32>} : memref<2x3200xi32, #tpu.memory_space<vmem>>, vector<16xi32>,
        %parallel_loop3A_158 = vector.bitcast %parallel_loop3A_157 : vector<16xi32> to vector<16xf32>
        %parallel_loop3A_159 = arith.constant 0 : i32
        %parallel_loop3A_160 = vector.broadcast %parallel_loop3A_159 : i32 to vector<16xi32>
        %parallel_loop3A_161 = arith.addi %parallel_loop3A_150, %parallel_loop3A_160 : vector<16xi32>
        %parallel_loop3A_162 = tpu.vector_load_idx %arg5[%parallel_loop3A_161] : memref<40960xf32, #tpu.memory_space<vmem>>[vector<16xi32>], vector<16xf32>,
        %parallel_loop3A_163 = arith.constant 0 : i32
        %parallel_loop3A_164 = vector.broadcast %parallel_loop3A_163 : i32 to vector<16xi32>
        %parallel_loop3A_165 = arith.addi %parallel_loop3A_153, %parallel_loop3A_164 : vector<16xi32>
        %parallel_loop3A_166 = arith.mulf %parallel_loop3A_162, %parallel_loop3A_158 : vector<16xf32>
        tpu.vector_store_idx %arg6[%parallel_loop3A_165], %parallel_loop3A_166 {add = true} : memref<40960xf32, #tpu.memory_space<vmem>>[vector<16xi32>], vector<16xf32>,
        %parallel_loop3A_167 = arith.constant 10240 : i32
        %parallel_loop3A_168 = vector.broadcast %parallel_loop3A_167 : i32 to vector<16xi32>
        %parallel_loop3A_169 = arith.addi %parallel_loop3A_150, %parallel_loop3A_168 : vector<16xi32>
        %parallel_loop3A_170 = tpu.vector_load_idx %arg5[%parallel_loop3A_169] : memref<40960xf32, #tpu.memory_space<vmem>>[vector<16xi32>], vector<16xf32>,
        %parallel_loop3A_171 = arith.constant 10240 : i32
        %parallel_loop3A_172 = vector.broadcast %parallel_loop3A_171 : i32 to vector<16xi32>
        %parallel_loop3A_173 = arith.addi %parallel_loop3A_153, %parallel_loop3A_172 : vector<16xi32>
        %parallel_loop3A_174 = arith.mulf %parallel_loop3A_170, %parallel_loop3A_158 : vector<16xf32>
        tpu.vector_store_idx %arg6[%parallel_loop3A_173], %parallel_loop3A_174 {add = true} : memref<40960xf32, #tpu.memory_space<vmem>>[vector<16xi32>], vector<16xf32>,
        %parallel_loop3A_175 = arith.constant 20480 : i32
        %parallel_loop3A_176 = vector.broadcast %parallel_loop3A_175 : i32 to vector<16xi32>
        %parallel_loop3A_177 = arith.addi %parallel_loop3A_150, %parallel_loop3A_176 : vector<16xi32>
        %parallel_loop3A_178 = tpu.vector_load_idx %arg5[%parallel_loop3A_177] : memref<40960xf32, #tpu.memory_space<vmem>>[vector<16xi32>], vector<16xf32>,
        %parallel_loop3A_179 = arith.constant 20480 : i32
        %parallel_loop3A_180 = vector.broadcast %parallel_loop3A_179 : i32 to vector<16xi32>
        %parallel_loop3A_181 = arith.addi %parallel_loop3A_153, %parallel_loop3A_180 : vector<16xi32>
        %parallel_loop3A_182 = arith.mulf %parallel_loop3A_178, %parallel_loop3A_158 : vector<16xf32>
        tpu.vector_store_idx %arg6[%parallel_loop3A_181], %parallel_loop3A_182 {add = true} : memref<40960xf32, #tpu.memory_space<vmem>>[vector<16xi32>], vector<16xf32>,
        %parallel_loop3A_183 = arith.constant 30720 : i32
        %parallel_loop3A_184 = vector.broadcast %parallel_loop3A_183 : i32 to vector<16xi32>
        %parallel_loop3A_185 = arith.addi %parallel_loop3A_150, %parallel_loop3A_184 : vector<16xi32>
        %parallel_loop3A_186 = tpu.vector_load_idx %arg5[%parallel_loop3A_185] : memref<40960xf32, #tpu.memory_space<vmem>>[vector<16xi32>], vector<16xf32>,
        %parallel_loop3A_187 = arith.constant 30720 : i32
        %parallel_loop3A_188 = vector.broadcast %parallel_loop3A_187 : i32 to vector<16xi32>
        %parallel_loop3A_189 = arith.addi %parallel_loop3A_153, %parallel_loop3A_188 : vector<16xi32>
        %parallel_loop3A_190 = arith.mulf %parallel_loop3A_186, %parallel_loop3A_158 : vector<16xf32>
        tpu.vector_store_idx %arg6[%parallel_loop3A_189], %parallel_loop3A_190 {add = true} : memref<40960xf32, #tpu.memory_space<vmem>>[vector<16xi32>], vector<16xf32>,
      } {sc.loop_unroll_factor = 4 : i64, sc.parallel_access}
    }
    %scan3A_31 = arith.constant 50 : i32
    %mul3A_32 = arith.constant 4 : i32
    %mul3A_33 = arith.muli %add3A, %mul3A_32 : i32
    %add3A_34 = arith.constant 0 : i32
    %add3A_35 = arith.addi %mul3A_33, %add3A_34 : i32
    "tpu.region"() ({
      %run_scoped3A = tpu.sem_alloc : memref<!tpu.dma_semaphore, #tpu.memory_space<semaphore_mem>>
      %dma_start3A_48 = arith.constant 0 : i32
      %dma_start3A_49 = tpu.memref_slice %arg6[%dma_start3A_48] : memref<40960xf32, #tpu.memory_space<vmem>> -> memref<10240xf32, #tpu.memory_space<vmem>>
      %dma_start3A_50 = arith.constant 0 : i32
      %dma_start3A_51 = tpu.memref_slice %arg4[%add3A_35, %dma_start3A_50] : memref<128x10240xf32, #tpu.memory_space<hbm>> -> memref<1x10240xf32, #tpu.memory_space<hbm>>
      %dma_start3A_52 = tpu.memref_squeeze %dma_start3A_51 : memref<1x10240xf32, #tpu.memory_space<hbm>> -> memref<10240xf32, #tpu.memory_space<hbm>>
      %dma_start3A_53 = arith.constant 0 : i32
      %dma_start3A_54 = tpu.memref_slice %arg4[%add3A_35, %dma_start3A_53] : memref<128x10240xf32, #tpu.memory_space<hbm>> -> memref<1x10240xf32, #tpu.memory_space<hbm>>
      %dma_start3A_55 = tpu.memref_squeeze %dma_start3A_54 : memref<1x10240xf32, #tpu.memory_space<hbm>> -> memref<10240xf32, #tpu.memory_space<hbm>>
      %dma_start3A_56 = arith.constant 0 : i32
      %dma_start3A_57 = tpu.memref_slice %arg6[%dma_start3A_56] : memref<40960xf32, #tpu.memory_space<vmem>> -> memref<10240xf32, #tpu.memory_space<vmem>>
      tpu.enqueue_dma source(%dma_start3A_57 : memref<10240xf32, #tpu.memory_space<vmem>>) target(%dma_start3A_55 : memref<10240xf32, #tpu.memory_space<hbm>>) target_semaphore(%run_scoped3A : memref<!tpu.dma_semaphore, #tpu.memory_space<semaphore_mem>>)
      %dma_wait3A = arith.constant 0 : i32
      %dma_wait3A_58 = tpu.memref_slice %arg6[%dma_wait3A] : memref<40960xf32, #tpu.memory_space<vmem>> -> memref<10240xf32, #tpu.memory_space<vmem>>
      %dma_wait3A_59 = arith.constant 0 : i32
      %dma_wait3A_60 = tpu.memref_slice %arg4[%add3A_35, %dma_wait3A_59] : memref<128x10240xf32, #tpu.memory_space<hbm>> -> memref<1x10240xf32, #tpu.memory_space<hbm>>
      %dma_wait3A_61 = tpu.memref_squeeze %dma_wait3A_60 : memref<1x10240xf32, #tpu.memory_space<hbm>> -> memref<10240xf32, #tpu.memory_space<hbm>>
      %dma_wait3A_62 = arith.constant 0 : i32
      %dma_wait3A_63 = tpu.memref_slice %arg4[%add3A_35, %dma_wait3A_62] : memref<128x10240xf32, #tpu.memory_space<hbm>> -> memref<1x10240xf32, #tpu.memory_space<hbm>>
      %dma_wait3A_64 = tpu.memref_squeeze %dma_wait3A_63 : memref<1x10240xf32, #tpu.memory_space<hbm>> -> memref<10240xf32, #tpu.memory_space<hbm>>
      %dma_wait3A_65 = arith.constant 0 : i32
      %dma_wait3A_66 = tpu.memref_slice %arg6[%dma_wait3A_65] : memref<40960xf32, #tpu.memory_space<vmem>> -> memref<10240xf32, #tpu.memory_space<vmem>>
      tpu.wait_dma2 semaphore(%run_scoped3A : memref<!tpu.dma_semaphore, #tpu.memory_space<semaphore_mem>>) src(%dma_wait3A_66 : memref<10240xf32, #tpu.memory_space<vmem>>) dst(%dma_wait3A_64 : memref<10240xf32, #tpu.memory_space<hbm>>)
      tpu.yield
    }) : () -> ()
    %mul3A_36 = arith.constant 4 : i32
    %mul3A_37 = arith.muli %add3A, %mul3A_36 : i32
    %add3A_38 = arith.constant 1 : i32
    %add3A_39 = arith.addi %mul3A_37, %add3A_38 : i32
    "tpu.region"() ({
      %run_scoped3A = tpu.sem_alloc : memref<!tpu.dma_semaphore, #tpu.memory_space<semaphore_mem>>
      %dma_start3A_48 = arith.constant 10240 : i32
      %dma_start3A_49 = tpu.memref_slice %arg6[%dma_start3A_48] : memref<40960xf32, #tpu.memory_space<vmem>> -> memref<10240xf32, #tpu.memory_space<vmem>>
      %dma_start3A_50 = arith.constant 0 : i32
      %dma_start3A_51 = tpu.memref_slice %arg4[%add3A_39, %dma_start3A_50] : memref<128x10240xf32, #tpu.memory_space<hbm>> -> memref<1x10240xf32, #tpu.memory_space<hbm>>
      %dma_start3A_52 = tpu.memref_squeeze %dma_start3A_51 : memref<1x10240xf32, #tpu.memory_space<hbm>> -> memref<10240xf32, #tpu.memory_space<hbm>>
      %dma_start3A_53 = arith.constant 0 : i32
      %dma_start3A_54 = tpu.memref_slice %arg4[%add3A_39, %dma_start3A_53] : memref<128x10240xf32, #tpu.memory_space<hbm>> -> memref<1x10240xf32, #tpu.memory_space<hbm>>
      %dma_start3A_55 = tpu.memref_squeeze %dma_start3A_54 : memref<1x10240xf32, #tpu.memory_space<hbm>> -> memref<10240xf32, #tpu.memory_space<hbm>>
      %dma_start3A_56 = arith.constant 10240 : i32
      %dma_start3A_57 = tpu.memref_slice %arg6[%dma_start3A_56] : memref<40960xf32, #tpu.memory_space<vmem>> -> memref<10240xf32, #tpu.memory_space<vmem>>
      tpu.enqueue_dma source(%dma_start3A_57 : memref<10240xf32, #tpu.memory_space<vmem>>) target(%dma_start3A_55 : memref<10240xf32, #tpu.memory_space<hbm>>) target_semaphore(%run_scoped3A : memref<!tpu.dma_semaphore, #tpu.memory_space<semaphore_mem>>)
      %dma_wait3A = arith.constant 10240 : i32
      %dma_wait3A_58 = tpu.memref_slice %arg6[%dma_wait3A] : memref<40960xf32, #tpu.memory_space<vmem>> -> memref<10240xf32, #tpu.memory_space<vmem>>
      %dma_wait3A_59 = arith.constant 0 : i32
      %dma_wait3A_60 = tpu.memref_slice %arg4[%add3A_39, %dma_wait3A_59] : memref<128x10240xf32, #tpu.memory_space<hbm>> -> memref<1x10240xf32, #tpu.memory_space<hbm>>
      %dma_wait3A_61 = tpu.memref_squeeze %dma_wait3A_60 : memref<1x10240xf32, #tpu.memory_space<hbm>> -> memref<10240xf32, #tpu.memory_space<hbm>>
      %dma_wait3A_62 = arith.constant 0 : i32
      %dma_wait3A_63 = tpu.memref_slice %arg4[%add3A_39, %dma_wait3A_62] : memref<128x10240xf32, #tpu.memory_space<hbm>> -> memref<1x10240xf32, #tpu.memory_space<hbm>>
      %dma_wait3A_64 = tpu.memref_squeeze %dma_wait3A_63 : memref<1x10240xf32, #tpu.memory_space<hbm>> -> memref<10240xf32, #tpu.memory_space<hbm>>
      %dma_wait3A_65 = arith.constant 10240 : i32
      %dma_wait3A_66 = tpu.memref_slice %arg6[%dma_wait3A_65] : memref<40960xf32, #tpu.memory_space<vmem>> -> memref<10240xf32, #tpu.memory_space<vmem>>
      tpu.wait_dma2 semaphore(%run_scoped3A : memref<!tpu.dma_semaphore, #tpu.memory_space<semaphore_mem>>) src(%dma_wait3A_66 : memref<10240xf32, #tpu.memory_space<vmem>>) dst(%dma_wait3A_64 : memref<10240xf32, #tpu.memory_space<hbm>>)
      tpu.yield
    }) : () -> ()
    %mul3A_40 = arith.constant 4 : i32
    %mul3A_41 = arith.muli %add3A, %mul3A_40 : i32
    %add3A_42 = arith.constant 2 : i32
    %add3A_43 = arith.addi %mul3A_41, %add3A_42 : i32
    "tpu.region"() ({
      %run_scoped3A = tpu.sem_alloc : memref<!tpu.dma_semaphore, #tpu.memory_space<semaphore_mem>>
      %dma_start3A_48 = arith.constant 20480 : i32
      %dma_start3A_49 = tpu.memref_slice %arg6[%dma_start3A_48] : memref<40960xf32, #tpu.memory_space<vmem>> -> memref<10240xf32, #tpu.memory_space<vmem>>
      %dma_start3A_50 = arith.constant 0 : i32
      %dma_start3A_51 = tpu.memref_slice %arg4[%add3A_43, %dma_start3A_50] : memref<128x10240xf32, #tpu.memory_space<hbm>> -> memref<1x10240xf32, #tpu.memory_space<hbm>>
      %dma_start3A_52 = tpu.memref_squeeze %dma_start3A_51 : memref<1x10240xf32, #tpu.memory_space<hbm>> -> memref<10240xf32, #tpu.memory_space<hbm>>
      %dma_start3A_53 = arith.constant 0 : i32
      %dma_start3A_54 = tpu.memref_slice %arg4[%add3A_43, %dma_start3A_53] : memref<128x10240xf32, #tpu.memory_space<hbm>> -> memref<1x10240xf32, #tpu.memory_space<hbm>>
      %dma_start3A_55 = tpu.memref_squeeze %dma_start3A_54 : memref<1x10240xf32, #tpu.memory_space<hbm>> -> memref<10240xf32, #tpu.memory_space<hbm>>
      %dma_start3A_56 = arith.constant 20480 : i32
      %dma_start3A_57 = tpu.memref_slice %arg6[%dma_start3A_56] : memref<40960xf32, #tpu.memory_space<vmem>> -> memref<10240xf32, #tpu.memory_space<vmem>>
      tpu.enqueue_dma source(%dma_start3A_57 : memref<10240xf32, #tpu.memory_space<vmem>>) target(%dma_start3A_55 : memref<10240xf32, #tpu.memory_space<hbm>>) target_semaphore(%run_scoped3A : memref<!tpu.dma_semaphore, #tpu.memory_space<semaphore_mem>>)
      %dma_wait3A = arith.constant 20480 : i32
      %dma_wait3A_58 = tpu.memref_slice %arg6[%dma_wait3A] : memref<40960xf32, #tpu.memory_space<vmem>> -> memref<10240xf32, #tpu.memory_space<vmem>>
      %dma_wait3A_59 = arith.constant 0 : i32
      %dma_wait3A_60 = tpu.memref_slice %arg4[%add3A_43, %dma_wait3A_59] : memref<128x10240xf32, #tpu.memory_space<hbm>> -> memref<1x10240xf32, #tpu.memory_space<hbm>>
      %dma_wait3A_61 = tpu.memref_squeeze %dma_wait3A_60 : memref<1x10240xf32, #tpu.memory_space<hbm>> -> memref<10240xf32, #tpu.memory_space<hbm>>
      %dma_wait3A_62 = arith.constant 0 : i32
      %dma_wait3A_63 = tpu.memref_slice %arg4[%add3A_43, %dma_wait3A_62] : memref<128x10240xf32, #tpu.memory_space<hbm>> -> memref<1x10240xf32, #tpu.memory_space<hbm>>
      %dma_wait3A_64 = tpu.memref_squeeze %dma_wait3A_63 : memref<1x10240xf32, #tpu.memory_space<hbm>> -> memref<10240xf32, #tpu.memory_space<hbm>>
      %dma_wait3A_65 = arith.constant 20480 : i32
      %dma_wait3A_66 = tpu.memref_slice %arg6[%dma_wait3A_65] : memref<40960xf32, #tpu.memory_space<vmem>> -> memref<10240xf32, #tpu.memory_space<vmem>>
      tpu.wait_dma2 semaphore(%run_scoped3A : memref<!tpu.dma_semaphore, #tpu.memory_space<semaphore_mem>>) src(%dma_wait3A_66 : memref<10240xf32, #tpu.memory_space<vmem>>) dst(%dma_wait3A_64 : memref<10240xf32, #tpu.memory_space<hbm>>)
      tpu.yield
    }) : () -> ()
    %mul3A_44 = arith.constant 4 : i32
    %mul3A_45 = arith.muli %add3A, %mul3A_44 : i32
    %add3A_46 = arith.constant 3 : i32
    %add3A_47 = arith.addi %mul3A_45, %add3A_46 : i32
    "tpu.region"() ({
      %run_scoped3A = tpu.sem_alloc : memref<!tpu.dma_semaphore, #tpu.memory_space<semaphore_mem>>
      %dma_start3A_48 = arith.constant 30720 : i32
      %dma_start3A_49 = tpu.memref_slice %arg6[%dma_start3A_48] : memref<40960xf32, #tpu.memory_space<vmem>> -> memref<10240xf32, #tpu.memory_space<vmem>>
      %dma_start3A_50 = arith.constant 0 : i32
      %dma_start3A_51 = tpu.memref_slice %arg4[%add3A_47, %dma_start3A_50] : memref<128x10240xf32, #tpu.memory_space<hbm>> -> memref<1x10240xf32, #tpu.memory_space<hbm>>
      %dma_start3A_52 = tpu.memref_squeeze %dma_start3A_51 : memref<1x10240xf32, #tpu.memory_space<hbm>> -> memref<10240xf32, #tpu.memory_space<hbm>>
      %dma_start3A_53 = arith.constant 0 : i32
      %dma_start3A_54 = tpu.memref_slice %arg4[%add3A_47, %dma_start3A_53] : memref<128x10240xf32, #tpu.memory_space<hbm>> -> memref<1x10240xf32, #tpu.memory_space<hbm>>
      %dma_start3A_55 = tpu.memref_squeeze %dma_start3A_54 : memref<1x10240xf32, #tpu.memory_space<hbm>> -> memref<10240xf32, #tpu.memory_space<hbm>>
      %dma_start3A_56 = arith.constant 30720 : i32
      %dma_start3A_57 = tpu.memref_slice %arg6[%dma_start3A_56] : memref<40960xf32, #tpu.memory_space<vmem>> -> memref<10240xf32, #tpu.memory_space<vmem>>
      tpu.enqueue_dma source(%dma_start3A_57 : memref<10240xf32, #tpu.memory_space<vmem>>) target(%dma_start3A_55 : memref<10240xf32, #tpu.memory_space<hbm>>) target_semaphore(%run_scoped3A : memref<!tpu.dma_semaphore, #tpu.memory_space<semaphore_mem>>)
      %dma_wait3A = arith.constant 30720 : i32
      %dma_wait3A_58 = tpu.memref_slice %arg6[%dma_wait3A] : memref<40960xf32, #tpu.memory_space<vmem>> -> memref<10240xf32, #tpu.memory_space<vmem>>
      %dma_wait3A_59 = arith.constant 0 : i32
      %dma_wait3A_60 = tpu.memref_slice %arg4[%add3A_47, %dma_wait3A_59] : memref<128x10240xf32, #tpu.memory_space<hbm>> -> memref<1x10240xf32, #tpu.memory_space<hbm>>
      %dma_wait3A_61 = tpu.memref_squeeze %dma_wait3A_60 : memref<1x10240xf32, #tpu.memory_space<hbm>> -> memref<10240xf32, #tpu.memory_space<hbm>>
      %dma_wait3A_62 = arith.constant 0 : i32
      %dma_wait3A_63 = tpu.memref_slice %arg4[%add3A_47, %dma_wait3A_62] : memref<128x10240xf32, #tpu.memory_space<hbm>> -> memref<1x10240xf32, #tpu.memory_space<hbm>>
      %dma_wait3A_64 = tpu.memref_squeeze %dma_wait3A_63 : memref<1x10240xf32, #tpu.memory_space<hbm>> -> memref<10240xf32, #tpu.memory_space<hbm>>
      %dma_wait3A_65 = arith.constant 30720 : i32
      %dma_wait3A_66 = tpu.memref_slice %arg6[%dma_wait3A_65] : memref<40960xf32, #tpu.memory_space<vmem>> -> memref<10240xf32, #tpu.memory_space<vmem>>
      tpu.wait_dma2 semaphore(%run_scoped3A : memref<!tpu.dma_semaphore, #tpu.memory_space<semaphore_mem>>) src(%dma_wait3A_66 : memref<10240xf32, #tpu.memory_space<vmem>>) dst(%dma_wait3A_64 : memref<10240xf32, #tpu.memory_space<hbm>>)
      tpu.yield
    }) : () -> ()
    return
  }
}

#map = affine_map<(d0, d1) -> (0)>
#map1 = affine_map<(d0, d1) -> (0, 0)>
module attributes {stable_mosaic.version = 14 : i64} {
  func.func @_vocab_gather(%arg0: i32, %arg1: i32, %arg2: memref<10240xi32, #tpu.memory_space<hbm>>, %arg3: memref<100000x128xf32, #tpu.memory_space<hbm>>, %arg4: memref<10240x128xf32, #tpu.memory_space<hbm>>, %arg5: memref<320xi32, #tpu.memory_space<vmem>>, %arg6: memref<320x128xf32, #tpu.memory_space<vmem>>, %arg7: memref<!tpu.dma_semaphore, #tpu.memory_space<semaphore_mem>>) attributes {dimension_semantics = [#tpu.dimension_semantics<core_parallel>, #tpu.dimension_semantics<subcore_parallel>], iteration_bounds = array<i64: 2, 16>, scalar_prefetch = 0 : i64, scratch_operands = 3 : i64, tpu.core_type = #tpu.core_type<sc_vector_subcore>, window_params = [{transform_indices = #map}, {transform_indices = #map1}, {transform_indices = #map1}]} {
    %mul3A = arith.constant 2 : i32
    %mul3A_0 = arith.muli %arg1, %mul3A : i32
    %add3A = arith.addi %mul3A_0, %arg0 : i32
    %mul3A_1 = arith.constant 320 : i32
    %mul3A_2 = arith.muli %add3A, %mul3A_1 : i32
    "tpu.region"() ({
      %run_scoped3A = tpu.sem_alloc : memref<!tpu.dma_semaphore, #tpu.memory_space<semaphore_mem>>
      %dma_start3A_7 = tpu.memref_slice %arg2[%mul3A_2] : memref<10240xi32, #tpu.memory_space<hbm>> -> memref<320xi32, #tpu.memory_space<hbm>>
      %dma_start3A_8 = tpu.memref_slice %arg2[%mul3A_2] : memref<10240xi32, #tpu.memory_space<hbm>> -> memref<320xi32, #tpu.memory_space<hbm>>
      tpu.enqueue_dma source(%dma_start3A_8 : memref<320xi32, #tpu.memory_space<hbm>>) target(%arg5 : memref<320xi32, #tpu.memory_space<vmem>>) target_semaphore(%run_scoped3A : memref<!tpu.dma_semaphore, #tpu.memory_space<semaphore_mem>>)
      %dma_wait3A_9 = tpu.memref_slice %arg2[%mul3A_2] : memref<10240xi32, #tpu.memory_space<hbm>> -> memref<320xi32, #tpu.memory_space<hbm>>
      %dma_wait3A_10 = tpu.memref_slice %arg2[%mul3A_2] : memref<10240xi32, #tpu.memory_space<hbm>> -> memref<320xi32, #tpu.memory_space<hbm>>
      tpu.wait_dma2 semaphore(%run_scoped3A : memref<!tpu.dma_semaphore, #tpu.memory_space<semaphore_mem>>) src(%dma_wait3A_10 : memref<320xi32, #tpu.memory_space<hbm>>) dst(%arg5 : memref<320xi32, #tpu.memory_space<vmem>>)
      tpu.yield
    }) : () -> ()
    %dma_start3A = arith.constant 0 : i32
    %dma_start3A_3 = arith.constant 0 : i32
    %dma_start3A_4 = tpu.memref_slice %arg3[%dma_start3A, %dma_start3A_3] : memref<100000x128xf32, #tpu.memory_space<hbm>> -> memref<100000x128xf32, #tpu.memory_space<hbm>>
    tpu.enqueue_indirect_dma source(%dma_start3A_4 : memref<100000x128xf32, #tpu.memory_space<hbm>>) target(%arg6 : memref<320x128xf32, #tpu.memory_space<vmem>>) offsets(%arg5 : memref<320xi32, #tpu.memory_space<vmem>>) semaphore(%arg7 : memref<!tpu.dma_semaphore, #tpu.memory_space<semaphore_mem>>)
    %dma_wait3A = arith.constant 0 : i32
    %dma_wait3A_5 = arith.constant 0 : i32
    %dma_wait3A_6 = tpu.memref_slice %arg3[%dma_wait3A, %dma_wait3A_5] : memref<100000x128xf32, #tpu.memory_space<hbm>> -> memref<100000x128xf32, #tpu.memory_space<hbm>>
    tpu.wait_indirect_dma semaphore(%arg7 : memref<!tpu.dma_semaphore, #tpu.memory_space<semaphore_mem>>) src(%dma_wait3A_6 : memref<100000x128xf32, #tpu.memory_space<hbm>>) dst(%arg6 : memref<320x128xf32, #tpu.memory_space<vmem>>)
    "tpu.region"() ({
      %run_scoped3A = tpu.sem_alloc : memref<!tpu.dma_semaphore, #tpu.memory_space<semaphore_mem>>
      %dma_start3A_7 = arith.constant 0 : i32
      %dma_start3A_8 = tpu.memref_slice %arg4[%mul3A_2, %dma_start3A_7] : memref<10240x128xf32, #tpu.memory_space<hbm>> -> memref<320x128xf32, #tpu.memory_space<hbm>>
      %dma_start3A_9 = arith.constant 0 : i32
      %dma_start3A_10 = tpu.memref_slice %arg4[%mul3A_2, %dma_start3A_9] : memref<10240x128xf32, #tpu.memory_space<hbm>> -> memref<320x128xf32, #tpu.memory_space<hbm>>
      tpu.enqueue_dma source(%arg6 : memref<320x128xf32, #tpu.memory_space<vmem>>) target(%dma_start3A_10 : memref<320x128xf32, #tpu.memory_space<hbm>>) target_semaphore(%run_scoped3A : memref<!tpu.dma_semaphore, #tpu.memory_space<semaphore_mem>>)
      %dma_wait3A_11 = arith.constant 0 : i32
      %dma_wait3A_12 = tpu.memref_slice %arg4[%mul3A_2, %dma_wait3A_11] : memref<10240x128xf32, #tpu.memory_space<hbm>> -> memref<320x128xf32, #tpu.memory_space<hbm>>
      %dma_wait3A_13 = arith.constant 0 : i32
      %dma_wait3A_14 = tpu.memref_slice %arg4[%mul3A_2, %dma_wait3A_13] : memref<10240x128xf32, #tpu.memory_space<hbm>> -> memref<320x128xf32, #tpu.memory_space<hbm>>
      tpu.wait_dma2 semaphore(%run_scoped3A : memref<!tpu.dma_semaphore, #tpu.memory_space<semaphore_mem>>) src(%arg6 : memref<320x128xf32, #tpu.memory_space<vmem>>) dst(%dma_wait3A_14 : memref<320x128xf32, #tpu.memory_space<hbm>>)
      tpu.yield
    }) : () -> ()
    return
  }
}

module attributes {stable_mosaic.version = 14 : i64} {
  func.func @_d1_body(%arg0: memref<128x10240xf32, #tpu.memory_space<vmem>>, %arg1: memref<128x10240xf32, #tpu.memory_space<vmem>>, %arg2: memref<1x10240xf32, #tpu.memory_space<vmem>>, %arg3: memref<128x128xf32, #tpu.memory_space<vmem>>, %arg4: memref<128x128xf32, #tpu.memory_space<vmem>>, %arg5: memref<384x1xf32, #tpu.memory_space<vmem>>, %arg6: memref<256x10240xf32, #tpu.memory_space<vmem>>) attributes {dimension_semantics = [], scalar_prefetch = 0 : i64, scratch_operands = 0 : i64, tpu.core_type = #tpu.core_type<tc>} {
    %get3A = arith.constant 0 : index
    %get3A_0 = arith.constant 0 : index
    %get3A_1 = vector.load %arg5[%get3A, %get3A_0] : memref<384x1xf32, #tpu.memory_space<vmem>>, vector<128x1xf32>
    %get3A_2 = arith.constant 128 : index
    %get3A_3 = arith.constant 0 : index
    %get3A_4 = vector.load %arg5[%get3A_2, %get3A_3] : memref<384x1xf32, #tpu.memory_space<vmem>>, vector<128x1xf32>
    %get3A_5 = arith.constant 256 : index
    %get3A_6 = arith.constant 0 : index
    %get3A_7 = vector.load %arg5[%get3A_5, %get3A_6] : memref<384x1xf32, #tpu.memory_space<vmem>>, vector<128x1xf32>
    %get3A_8 = arith.constant 0 : index
    %get3A_9 = arith.constant 0 : index
    %get3A_10 = vector.load %arg0[%get3A_8, %get3A_9] : memref<128x10240xf32, #tpu.memory_space<vmem>>, vector<128x10240xf32>
    %get3A_11 = arith.constant 0 : index
    %get3A_12 = arith.constant 0 : index
    %get3A_13 = vector.load %arg1[%get3A_11, %get3A_12] : memref<128x10240xf32, #tpu.memory_space<vmem>>, vector<128x10240xf32>
    %get3A_14 = arith.constant 0 : index
    %get3A_15 = arith.constant 0 : index
    %get3A_16 = vector.load %arg2[%get3A_14, %get3A_15] : memref<1x10240xf32, #tpu.memory_space<vmem>>, vector<1x10240xf32>
    %mul3A = vector.broadcast %get3A_16 : vector<1x10240xf32> to vector<128x10240xf32>
    %mul3A_17 = arith.mulf %get3A_10, %mul3A : vector<128x10240xf32>
    %add3A = arith.addf %get3A_13, %mul3A_17 : vector<128x10240xf32>
    %get3A_18 = arith.constant 0 : index
    %get3A_19 = arith.constant 0 : index
    %get3A_20 = vector.load %arg3[%get3A_18, %get3A_19] : memref<128x128xf32, #tpu.memory_space<vmem>>, vector<128x128xf32>
    %dot_general3A = arith.constant dense<0.000000e+00> : vector<128x10240xf32>
    %dot_general3A_21 = tpu.matmul %get3A_20, %add3A, %dot_general3A {dimension_numbers = #tpu.dot_dimension_numbers<[1], [0], [0], [1], [0, 0, 1, 1], [], []>, transpose_lhs_hint = false} : vector<128x128xf32>, vector<128x10240xf32>, vector<128x10240xf32> -> vector<128x10240xf32>
    %add3A_22 = vector.broadcast %get3A_1 : vector<128x1xf32> to vector<128x10240xf32>
    %add3A_23 = arith.addf %dot_general3A_21, %add3A_22 : vector<128x10240xf32>
    %get3A_24 = arith.constant 0 : index
    %get3A_25 = arith.constant 0 : index
    %get3A_26 = vector.load %arg4[%get3A_24, %get3A_25] : memref<128x128xf32, #tpu.memory_space<vmem>>, vector<128x128xf32>
    %dot_general3A_27 = arith.constant dense<0.000000e+00> : vector<128x10240xf32>
    %dot_general3A_28 = tpu.matmul %get3A_26, %get3A_10, %dot_general3A_27 {dimension_numbers = #tpu.dot_dimension_numbers<[1], [0], [0], [1], [0, 0, 1, 1], [], []>, transpose_lhs_hint = false} : vector<128x128xf32>, vector<128x10240xf32>, vector<128x10240xf32> -> vector<128x10240xf32>
    %add3A_29 = arith.addf %add3A_23, %dot_general3A_28 : vector<128x10240xf32>
    %iota3A = tpu.iota {dimensions = array<i32: 0>} : vector<10240x1xi32>
    %lt3A = arith.constant 10000 : i32
    %lt3A_30 = vector.broadcast %lt3A : i32 to vector<10240x1xi32>
    %lt3A_31 = arith.cmpi slt, %iota3A, %lt3A_30 : vector<10240x1xi32>
    %convert_element_type3A = arith.extui %lt3A_31 : vector<10240x1xi1> to vector<10240x1xi32>
    %convert_element_type3A_32 = arith.sitofp %convert_element_type3A : vector<10240x1xi32> to vector<10240x1xf32>
    %dot_general3A_33 = arith.constant dense<0.000000e+00> : vector<128x1xf32>
    %dot_general3A_34 = tpu.matmul %add3A_29, %convert_element_type3A_32, %dot_general3A_33 {dimension_numbers = #tpu.dot_dimension_numbers<[1], [0], [0], [1], [0, 0, 1, 1], [], []>, transpose_lhs_hint = false} : vector<128x10240xf32>, vector<10240x1xf32>, vector<128x1xf32> -> vector<128x1xf32>
    %div3A = arith.constant 1.000000e+04 : f32
    %div3A_35 = vector.broadcast %div3A : f32 to vector<128x1xf32>
    %div3A_36 = arith.divf %dot_general3A_34, %div3A_35 : vector<128x1xf32>
    %sub3A = vector.broadcast %div3A_36 : vector<128x1xf32> to vector<128x10240xf32>
    %sub3A_37 = arith.subf %add3A_29, %sub3A : vector<128x10240xf32>
    %mul3A_38 = arith.mulf %sub3A_37, %sub3A_37 : vector<128x10240xf32>
    %dot_general3A_39 = arith.constant dense<0.000000e+00> : vector<128x1xf32>
    %dot_general3A_40 = tpu.matmul %mul3A_38, %convert_element_type3A_32, %dot_general3A_39 {dimension_numbers = #tpu.dot_dimension_numbers<[1], [0], [0], [1], [0, 0, 1, 1], [], []>, transpose_lhs_hint = false} : vector<128x10240xf32>, vector<10240x1xf32>, vector<128x1xf32> -> vector<128x1xf32>
    %div3A_41 = arith.constant 1.000000e+04 : f32
    %div3A_42 = vector.broadcast %div3A_41 : f32 to vector<128x1xf32>
    %div3A_43 = arith.divf %dot_general3A_40, %div3A_42 : vector<128x1xf32>
    %add3A_44 = arith.constant 9.99999974E-6 : f32
    %add3A_45 = vector.broadcast %add3A_44 : f32 to vector<128x1xf32>
    %add3A_46 = arith.addf %div3A_43, %add3A_45 : vector<128x1xf32>
    %rsqrt3A = math.rsqrt %add3A_46 : vector<128x1xf32>
    %mul3A_47 = vector.broadcast %rsqrt3A : vector<128x1xf32> to vector<128x10240xf32>
    %mul3A_48 = arith.mulf %sub3A_37, %mul3A_47 : vector<128x10240xf32>
    %mul3A_49 = vector.broadcast %get3A_4 : vector<128x1xf32> to vector<128x10240xf32>
    %mul3A_50 = arith.mulf %mul3A_48, %mul3A_49 : vector<128x10240xf32>
    %add3A_51 = vector.broadcast %get3A_7 : vector<128x1xf32> to vector<128x10240xf32>
    %add3A_52 = arith.addf %mul3A_50, %add3A_51 : vector<128x10240xf32>
    %tanh3A = math.tanh %add3A_52 : vector<128x10240xf32>
    %swap3A = arith.constant 0 : index
    %swap3A_53 = arith.constant 0 : index
    %swap3A_54 = vector.load %arg6[%swap3A, %swap3A_53] : memref<256x10240xf32, #tpu.memory_space<vmem>>, vector<128x10240xf32>
    tpu.vector_store %arg6[%swap3A, %swap3A_53], %tanh3A {strides = array<i32>} : memref<256x10240xf32, #tpu.memory_space<vmem>>, vector<128x10240xf32>,
    %swap3A_55 = arith.constant 128 : index
    %swap3A_56 = arith.constant 0 : index
    %swap3A_57 = vector.load %arg6[%swap3A_55, %swap3A_56] : memref<256x10240xf32, #tpu.memory_space<vmem>>, vector<128x10240xf32>
    tpu.vector_store %arg6[%swap3A_55, %swap3A_56], %get3A_10 {strides = array<i32>} : memref<256x10240xf32, #tpu.memory_space<vmem>>, vector<128x10240xf32>,
    return
  }
}

module attributes {stable_mosaic.version = 14 : i64} {
  func.func @_d23_body(%arg0: i32, %arg1: memref<256x2048xf32, #tpu.memory_space<vmem>>, %arg2: memref<512x256xf32, #tpu.memory_space<vmem>>, %arg3: memref<512x256xf32, #tpu.memory_space<vmem>>, %arg4: memref<1024x1xf32, #tpu.memory_space<vmem>>, %arg5: memref<1x2048xi32, #tpu.memory_space<vmem>>, %arg6: memref<512x512xf32, #tpu.memory_space<vmem>>) attributes {dimension_semantics = [#tpu.dimension_semantics<arbitrary>], iteration_bounds = array<i64: 5>, scalar_prefetch = 0 : i64, scratch_operands = 0 : i64, tpu.core_type = #tpu.core_type<tc>, window_params = [{transform_indices = @transform_0, window_bounds = array<i64: 256, 2048>}, {pipeline_mode = #tpu.pipeline_mode<synchronous>, transform_indices = @transform_1, window_bounds = array<i64: 512, 256>}, {pipeline_mode = #tpu.pipeline_mode<synchronous>, transform_indices = @transform_2, window_bounds = array<i64: 512, 256>}, {pipeline_mode = #tpu.pipeline_mode<synchronous>, transform_indices = @transform_3, window_bounds = array<i64: 1024, 1>}, {transform_indices = @transform_4, window_bounds = array<i64: 1, 2048>}, {pipeline_mode = #tpu.pipeline_mode<synchronous>, transform_indices = @transform_5, window_bounds = array<i64: 512, 512>}]} {
    %get3A = arith.constant 0 : index
    %get3A_0 = arith.constant 0 : index
    %get3A_1 = vector.load %arg4[%get3A, %get3A_0] : memref<1024x1xf32, #tpu.memory_space<vmem>>, vector<512x1xf32>
    %get3A_2 = arith.constant 512 : index
    %get3A_3 = arith.constant 0 : index
    %get3A_4 = vector.load %arg4[%get3A_2, %get3A_3] : memref<1024x1xf32, #tpu.memory_space<vmem>>, vector<512x1xf32>
    %get3A_5 = arith.constant 0 : index
    %get3A_6 = arith.constant 0 : index
    %get3A_7 = vector.load %arg1[%get3A_5, %get3A_6] : memref<256x2048xf32, #tpu.memory_space<vmem>>, vector<256x2048xf32>
    %get3A_8 = arith.constant 0 : index
    %get3A_9 = arith.constant 0 : index
    %get3A_10 = vector.load %arg2[%get3A_8, %get3A_9] : memref<512x256xf32, #tpu.memory_space<vmem>>, vector<512x256xf32>
    %dot_general3A = arith.constant dense<0.000000e+00> : vector<512x2048xf32>
    %dot_general3A_11 = tpu.matmul %get3A_10, %get3A_7, %dot_general3A {dimension_numbers = #tpu.dot_dimension_numbers<[1], [0], [0], [1], [0, 0, 1, 1], [], []>, transpose_lhs_hint = false} : vector<512x256xf32>, vector<256x2048xf32>, vector<512x2048xf32> -> vector<512x2048xf32>
    %add3A = vector.broadcast %get3A_1 : vector<512x1xf32> to vector<512x2048xf32>
    %add3A_12 = arith.addf %dot_general3A_11, %add3A : vector<512x2048xf32>
    %get3A_13 = arith.constant 0 : index
    %get3A_14 = arith.constant 0 : index
    %get3A_15 = vector.load %arg3[%get3A_13, %get3A_14] : memref<512x256xf32, #tpu.memory_space<vmem>>, vector<512x256xf32>
    %dot_general3A_16 = arith.constant dense<0.000000e+00> : vector<512x2048xf32>
    %dot_general3A_17 = tpu.matmul %get3A_15, %get3A_7, %dot_general3A_16 {dimension_numbers = #tpu.dot_dimension_numbers<[1], [0], [0], [1], [0, 0, 1, 1], [], []>, transpose_lhs_hint = false} : vector<512x256xf32>, vector<256x2048xf32>, vector<512x2048xf32> -> vector<512x2048xf32>
    %add3A_18 = vector.broadcast %get3A_4 : vector<512x1xf32> to vector<512x2048xf32>
    %add3A_19 = arith.addf %dot_general3A_17, %add3A_18 : vector<512x2048xf32>
    %logistic3A = arith.negf %add3A_12 : vector<512x2048xf32>
    %logistic3A_20 = math.exp %logistic3A : vector<512x2048xf32>
    %logistic3A_21 = arith.constant 1.000000e+00 : f32
    %logistic3A_22 = vector.broadcast %logistic3A_21 : f32 to vector<512x2048xf32>
    %logistic3A_23 = arith.addf %logistic3A_22, %logistic3A_20 : vector<512x2048xf32>
    %logistic3A_24 = arith.divf %logistic3A_22, %logistic3A_23 : vector<512x2048xf32>
    %tanh3A = math.tanh %add3A_19 : vector<512x2048xf32>
    %mul3A = arith.mulf %logistic3A_24, %tanh3A : vector<512x2048xf32>
    %get3A_25 = arith.constant 0 : index
    %get3A_26 = arith.constant 0 : index
    %get3A_27 = vector.load %arg5[%get3A_25, %get3A_26] : memref<1x2048xi32, #tpu.memory_space<vmem>>, vector<1x2048xi32>
    %reshape3A = vector.shape_cast %get3A_27 : vector<1x2048xi32> to vector<2048x1xi32>
    %iota3A = tpu.iota {dimensions = array<i32: 1>} : vector<2048x512xi32>
    %eq3A = vector.broadcast %reshape3A : vector<2048x1xi32> to vector<2048x512xi32>
    %eq3A_28 = arith.cmpi eq, %eq3A, %iota3A : vector<2048x512xi32>
    %convert_element_type3A = arith.extui %eq3A_28 : vector<2048x512xi1> to vector<2048x512xi32>
    %convert_element_type3A_29 = arith.sitofp %convert_element_type3A : vector<2048x512xi32> to vector<2048x512xf32>
    %dot_general3A_30 = arith.constant dense<0.000000e+00> : vector<512x512xf32>
    %dot_general3A_31 = tpu.matmul %mul3A, %convert_element_type3A_29, %dot_general3A_30 {dimension_numbers = #tpu.dot_dimension_numbers<[1], [0], [0], [1], [0, 0, 1, 1], [], []>, transpose_lhs_hint = false} : vector<512x2048xf32>, vector<2048x512xf32>, vector<512x512xf32> -> vector<512x512xf32>
    %eq3A_32 = arith.constant 0 : i32
    %eq3A_33 = arith.cmpi eq, %arg0, %eq3A_32 : i32
    %convert_element_type3A_34 = arith.extui %eq3A_33 : i1 to i32
    %cond3A = arith.constant 0 : i32
    %cond3A_35 = arith.cmpi ne, %convert_element_type3A_34, %cond3A : i32
    scf.if %cond3A_35 {
      %swap3A = arith.constant 0 : index
      %swap3A_40 = arith.constant 0 : index
      %swap3A_41 = vector.load %arg6[%swap3A, %swap3A_40] : memref<512x512xf32, #tpu.memory_space<vmem>>, vector<512x512xf32>
      tpu.vector_store %arg6[%swap3A, %swap3A_40], %dot_general3A_31 {strides = array<i32>} : memref<512x512xf32, #tpu.memory_space<vmem>>, vector<512x512xf32>,
    } else {
    }
    %gt3A = arith.constant 0 : i32
    %gt3A_36 = arith.cmpi sgt, %arg0, %gt3A : i32
    %convert_element_type3A_37 = arith.extui %gt3A_36 : i1 to i32
    %cond3A_38 = arith.constant 0 : i32
    %cond3A_39 = arith.cmpi ne, %convert_element_type3A_37, %cond3A_38 : i32
    scf.if %cond3A_39 {
      %get3A_40 = arith.constant 0 : index
      %get3A_41 = arith.constant 0 : index
      %get3A_42 = vector.load %arg6[%get3A_40, %get3A_41] : memref<512x512xf32, #tpu.memory_space<vmem>>, vector<512x512xf32>
      %add3A_43 = arith.addf %get3A_42, %dot_general3A_31 : vector<512x512xf32>
      %swap3A = arith.constant 0 : index
      %swap3A_44 = arith.constant 0 : index
      %swap3A_45 = vector.load %arg6[%swap3A, %swap3A_44] : memref<512x512xf32, #tpu.memory_space<vmem>>, vector<512x512xf32>
      tpu.vector_store %arg6[%swap3A, %swap3A_44], %add3A_43 {strides = array<i32>} : memref<512x512xf32, #tpu.memory_space<vmem>>, vector<512x512xf32>,
    } else {
    }
    return
  }
  func.func @transform_0(%arg0: i32) -> (i32, i32) {
    %c0_i32 = arith.constant 0 : i32
    %c0_i32_0 = arith.constant 0 : i32
    return %c0_i32, %arg0 : i32, i32
  }
  func.func @transform_1(%arg0: i32) -> (i32, i32) {
    %c0_i32 = arith.constant 0 : i32
    %c0_i32_0 = arith.constant 0 : i32
    %c0_i32_1 = arith.constant 0 : i32
    return %c0_i32, %c0_i32_0 : i32, i32
  }
  func.func @transform_2(%arg0: i32) -> (i32, i32) {
    %c0_i32 = arith.constant 0 : i32
    %c0_i32_0 = arith.constant 0 : i32
    %c0_i32_1 = arith.constant 0 : i32
    return %c0_i32, %c0_i32_0 : i32, i32
  }
  func.func @transform_3(%arg0: i32) -> (i32, i32) {
    %c0_i32 = arith.constant 0 : i32
    %c0_i32_0 = arith.constant 0 : i32
    %c0_i32_1 = arith.constant 0 : i32
    return %c0_i32, %c0_i32_0 : i32, i32
  }
  func.func @transform_4(%arg0: i32) -> (i32, i32) {
    %c0_i32 = arith.constant 0 : i32
    %c0_i32_0 = arith.constant 0 : i32
    return %c0_i32, %arg0 : i32, i32
  }
  func.func @transform_5(%arg0: i32) -> (i32, i32) {
    %c0_i32 = arith.constant 0 : i32
    %c0_i32_0 = arith.constant 0 : i32
    %c0_i32_1 = arith.constant 0 : i32
    return %c0_i32, %c0_i32_0 : i32, i32
  }
}

module attributes {stable_mosaic.version = 14 : i64} {
  func.func @_d4_body(%arg0: memref<256x10240xf32, #tpu.memory_space<vmem>>, %arg1: memref<1x10240xi32, #tpu.memory_space<vmem>>, %arg2: memref<512x512xf32, #tpu.memory_space<vmem>>, %arg3: memref<128x512xf32, #tpu.memory_space<vmem>>, %arg4: memref<128x512xf32, #tpu.memory_space<vmem>>, %arg5: memref<128x256xf32, #tpu.memory_space<vmem>>, %arg6: memref<128x512xf32, #tpu.memory_space<vmem>>, %arg7: memref<640x1xf32, #tpu.memory_space<vmem>>, %arg8: memref<128x512xf32, #tpu.memory_space<vmem>>, %arg9: memref<128x512xf32, #tpu.memory_space<vmem>>, %arg10: memref<128x10240xf32, #tpu.memory_space<vmem>>) attributes {dimension_semantics = [], scalar_prefetch = 0 : i64, scratch_operands = 0 : i64, tpu.core_type = #tpu.core_type<tc>} {
    %get3A = arith.constant 0 : index
    %get3A_0 = arith.constant 0 : index
    %get3A_1 = vector.load %arg7[%get3A, %get3A_0] : memref<640x1xf32, #tpu.memory_space<vmem>>, vector<128x1xf32>
    %get3A_2 = arith.constant 128 : index
    %get3A_3 = arith.constant 0 : index
    %get3A_4 = vector.load %arg7[%get3A_2, %get3A_3] : memref<640x1xf32, #tpu.memory_space<vmem>>, vector<128x1xf32>
    %get3A_5 = arith.constant 256 : index
    %get3A_6 = arith.constant 0 : index
    %get3A_7 = vector.load %arg7[%get3A_5, %get3A_6] : memref<640x1xf32, #tpu.memory_space<vmem>>, vector<128x1xf32>
    %get3A_8 = arith.constant 384 : index
    %get3A_9 = arith.constant 0 : index
    %get3A_10 = vector.load %arg7[%get3A_8, %get3A_9] : memref<640x1xf32, #tpu.memory_space<vmem>>, vector<128x1xf32>
    %get3A_11 = arith.constant 512 : index
    %get3A_12 = arith.constant 0 : index
    %get3A_13 = vector.load %arg7[%get3A_11, %get3A_12] : memref<640x1xf32, #tpu.memory_space<vmem>>, vector<128x1xf32>
    %get3A_14 = arith.constant 0 : index
    %get3A_15 = arith.constant 0 : index
    %get3A_16 = vector.load %arg2[%get3A_14, %get3A_15] : memref<512x512xf32, #tpu.memory_space<vmem>>, vector<512x512xf32>
    %get3A_17 = arith.constant 0 : index
    %get3A_18 = arith.constant 0 : index
    %get3A_19 = vector.load %arg3[%get3A_17, %get3A_18] : memref<128x512xf32, #tpu.memory_space<vmem>>, vector<128x512xf32>
    %dot_general3A = arith.constant dense<0.000000e+00> : vector<128x512xf32>
    %dot_general3A_20 = tpu.matmul %get3A_19, %get3A_16, %dot_general3A {dimension_numbers = #tpu.dot_dimension_numbers<[1], [0], [0], [1], [0, 0, 1, 1], [], []>, transpose_lhs_hint = false} : vector<128x512xf32>, vector<512x512xf32>, vector<128x512xf32> -> vector<128x512xf32>
    %add3A = vector.broadcast %get3A_1 : vector<128x1xf32> to vector<128x512xf32>
    %add3A_21 = arith.addf %dot_general3A_20, %add3A : vector<128x512xf32>
    %swap3A = arith.constant 0 : index
    %swap3A_22 = arith.constant 0 : index
    %swap3A_23 = vector.load %arg8[%swap3A, %swap3A_22] : memref<128x512xf32, #tpu.memory_space<vmem>>, vector<128x512xf32>
    tpu.vector_store %arg8[%swap3A, %swap3A_22], %add3A_21 {strides = array<i32>} : memref<128x512xf32, #tpu.memory_space<vmem>>, vector<128x512xf32>,
    %get3A_24 = arith.constant 0 : index
    %get3A_25 = arith.constant 0 : index
    %get3A_26 = vector.load %arg4[%get3A_24, %get3A_25] : memref<128x512xf32, #tpu.memory_space<vmem>>, vector<128x512xf32>
    %dot_general3A_27 = arith.constant dense<0.000000e+00> : vector<128x512xf32>
    %dot_general3A_28 = tpu.matmul %get3A_26, %get3A_16, %dot_general3A_27 {dimension_numbers = #tpu.dot_dimension_numbers<[1], [0], [0], [1], [0, 0, 1, 1], [], []>, transpose_lhs_hint = false} : vector<128x512xf32>, vector<512x512xf32>, vector<128x512xf32> -> vector<128x512xf32>
    %add3A_29 = vector.broadcast %get3A_4 : vector<128x1xf32> to vector<128x512xf32>
    %add3A_30 = arith.addf %dot_general3A_28, %add3A_29 : vector<128x512xf32>
    %swap3A_31 = arith.constant 0 : index
    %swap3A_32 = arith.constant 0 : index
    %swap3A_33 = vector.load %arg9[%swap3A_31, %swap3A_32] : memref<128x512xf32, #tpu.memory_space<vmem>>, vector<128x512xf32>
    tpu.vector_store %arg9[%swap3A_31, %swap3A_32], %add3A_30 {strides = array<i32>} : memref<128x512xf32, #tpu.memory_space<vmem>>, vector<128x512xf32>,
    %get3A_34 = arith.constant 0 : index
    %get3A_35 = arith.constant 0 : index
    %get3A_36 = vector.load %arg6[%get3A_34, %get3A_35] : memref<128x512xf32, #tpu.memory_space<vmem>>, vector<128x512xf32>
    %dot_general3A_37 = arith.constant dense<0.000000e+00> : vector<128x512xf32>
    %dot_general3A_38 = tpu.matmul %get3A_36, %get3A_16, %dot_general3A_37 {dimension_numbers = #tpu.dot_dimension_numbers<[1], [0], [0], [1], [0, 0, 1, 1], [], []>, transpose_lhs_hint = false} : vector<128x512xf32>, vector<512x512xf32>, vector<128x512xf32> -> vector<128x512xf32>
    %get3A_39 = arith.constant 0 : index
    %get3A_40 = arith.constant 0 : index
    %get3A_41 = vector.load %arg1[%get3A_39, %get3A_40] : memref<1x10240xi32, #tpu.memory_space<vmem>>, vector<1x10240xi32>
    %reshape3A = vector.shape_cast %get3A_41 : vector<1x10240xi32> to vector<10240x1xi32>
    %iota3A = tpu.iota {dimensions = array<i32: 1>} : vector<10240x512xi32>
    %eq3A = vector.broadcast %reshape3A : vector<10240x1xi32> to vector<10240x512xi32>
    %eq3A_42 = arith.cmpi eq, %eq3A, %iota3A : vector<10240x512xi32>
    %convert_element_type3A = arith.extui %eq3A_42 : vector<10240x512xi1> to vector<10240x512xi32>
    %convert_element_type3A_43 = arith.sitofp %convert_element_type3A : vector<10240x512xi32> to vector<10240x512xf32>
    %get3A_44 = arith.constant 0 : index
    %get3A_45 = arith.constant 0 : index
    %get3A_46 = vector.load %arg5[%get3A_44, %get3A_45] : memref<128x256xf32, #tpu.memory_space<vmem>>, vector<128x256xf32>
    %get3A_47 = arith.constant 0 : index
    %get3A_48 = arith.constant 0 : index
    %get3A_49 = vector.load %arg0[%get3A_47, %get3A_48] : memref<256x10240xf32, #tpu.memory_space<vmem>>, vector<256x10240xf32>
    %dot_general3A_50 = arith.constant dense<0.000000e+00> : vector<128x10240xf32>
    %dot_general3A_51 = tpu.matmul %get3A_46, %get3A_49, %dot_general3A_50 {dimension_numbers = #tpu.dot_dimension_numbers<[1], [0], [0], [1], [0, 0, 1, 1], [], []>, transpose_lhs_hint = false} : vector<128x256xf32>, vector<256x10240xf32>, vector<128x10240xf32> -> vector<128x10240xf32>
    %dot_general3A_52 = arith.constant dense<0.000000e+00> : vector<128x10240xf32>
    %dot_general3A_53 = tpu.matmul %dot_general3A_38, %convert_element_type3A_43, %dot_general3A_52 {dimension_numbers = #tpu.dot_dimension_numbers<[1], [1], [0], [0], [0, 0, 1, 0], [], []>, transpose_lhs_hint = false} : vector<128x512xf32>, vector<10240x512xf32>, vector<128x10240xf32> -> vector<128x10240xf32>
    %add3A_54 = arith.addf %dot_general3A_51, %dot_general3A_53 : vector<128x10240xf32>
    %add3A_55 = vector.broadcast %get3A_7 : vector<128x1xf32> to vector<128x10240xf32>
    %add3A_56 = arith.addf %add3A_54, %add3A_55 : vector<128x10240xf32>
    %iota3A_57 = tpu.iota {dimensions = array<i32: 0>} : vector<10240x1xi32>
    %lt3A = arith.constant 10000 : i32
    %lt3A_58 = vector.broadcast %lt3A : i32 to vector<10240x1xi32>
    %lt3A_59 = arith.cmpi slt, %iota3A_57, %lt3A_58 : vector<10240x1xi32>
    %convert_element_type3A_60 = arith.extui %lt3A_59 : vector<10240x1xi1> to vector<10240x1xi32>
    %convert_element_type3A_61 = arith.sitofp %convert_element_type3A_60 : vector<10240x1xi32> to vector<10240x1xf32>
    %dot_general3A_62 = arith.constant dense<0.000000e+00> : vector<128x1xf32>
    %dot_general3A_63 = tpu.matmul %add3A_56, %convert_element_type3A_61, %dot_general3A_62 {dimension_numbers = #tpu.dot_dimension_numbers<[1], [0], [0], [1], [0, 0, 1, 1], [], []>, transpose_lhs_hint = false} : vector<128x10240xf32>, vector<10240x1xf32>, vector<128x1xf32> -> vector<128x1xf32>
    %div3A = arith.constant 1.000000e+04 : f32
    %div3A_64 = vector.broadcast %div3A : f32 to vector<128x1xf32>
    %div3A_65 = arith.divf %dot_general3A_63, %div3A_64 : vector<128x1xf32>
    %sub3A = vector.broadcast %div3A_65 : vector<128x1xf32> to vector<128x10240xf32>
    %sub3A_66 = arith.subf %add3A_56, %sub3A : vector<128x10240xf32>
    %mul3A = arith.mulf %sub3A_66, %sub3A_66 : vector<128x10240xf32>
    %dot_general3A_67 = arith.constant dense<0.000000e+00> : vector<128x1xf32>
    %dot_general3A_68 = tpu.matmul %mul3A, %convert_element_type3A_61, %dot_general3A_67 {dimension_numbers = #tpu.dot_dimension_numbers<[1], [0], [0], [1], [0, 0, 1, 1], [], []>, transpose_lhs_hint = false} : vector<128x10240xf32>, vector<10240x1xf32>, vector<128x1xf32> -> vector<128x1xf32>
    %div3A_69 = arith.constant 1.000000e+04 : f32
    %div3A_70 = vector.broadcast %div3A_69 : f32 to vector<128x1xf32>
    %div3A_71 = arith.divf %dot_general3A_68, %div3A_70 : vector<128x1xf32>
    %add3A_72 = arith.constant 9.99999974E-6 : f32
    %add3A_73 = vector.broadcast %add3A_72 : f32 to vector<128x1xf32>
    %add3A_74 = arith.addf %div3A_71, %add3A_73 : vector<128x1xf32>
    %rsqrt3A = math.rsqrt %add3A_74 : vector<128x1xf32>
    %mul3A_75 = vector.broadcast %rsqrt3A : vector<128x1xf32> to vector<128x10240xf32>
    %mul3A_76 = arith.mulf %sub3A_66, %mul3A_75 : vector<128x10240xf32>
    %mul3A_77 = vector.broadcast %get3A_10 : vector<128x1xf32> to vector<128x10240xf32>
    %mul3A_78 = arith.mulf %mul3A_76, %mul3A_77 : vector<128x10240xf32>
    %add3A_79 = vector.broadcast %get3A_13 : vector<128x1xf32> to vector<128x10240xf32>
    %add3A_80 = arith.addf %mul3A_78, %add3A_79 : vector<128x10240xf32>
    %reduce_max3A = arith.constant dense<0xFF800000> : vector<10240xf32>
    %reduce_max3A_81 = vector.multi_reduction <maximumf>, %add3A_80, %reduce_max3A [0] : vector<128x10240xf32> to vector<10240xf32>
    %broadcast_in_dim3A = vector.shape_cast %reduce_max3A_81 : vector<10240xf32> to vector<1x10240xf32>
    %sub3A_82 = vector.broadcast %broadcast_in_dim3A : vector<1x10240xf32> to vector<128x10240xf32>
    %sub3A_83 = arith.subf %add3A_80, %sub3A_82 : vector<128x10240xf32>
    %exp3A = math.exp %sub3A_83 : vector<128x10240xf32>
    %reduce_sum3A = arith.constant dense<0.000000e+00> : vector<10240xf32>
    %reduce_sum3A_84 = vector.multi_reduction <add>, %exp3A, %reduce_sum3A [0] : vector<128x10240xf32> to vector<10240xf32>
    %broadcast_in_dim3A_85 = vector.shape_cast %reduce_sum3A_84 : vector<10240xf32> to vector<1x10240xf32>
    %div3A_86 = vector.broadcast %broadcast_in_dim3A_85 : vector<1x10240xf32> to vector<128x10240xf32>
    %div3A_87 = arith.divf %exp3A, %div3A_86 : vector<128x10240xf32>
    %swap3A_88 = arith.constant 0 : index
    %swap3A_89 = arith.constant 0 : index
    %swap3A_90 = vector.load %arg10[%swap3A_88, %swap3A_89] : memref<128x10240xf32, #tpu.memory_space<vmem>>, vector<128x10240xf32>
    tpu.vector_store %arg10[%swap3A_88, %swap3A_89], %div3A_87 {strides = array<i32>} : memref<128x10240xf32, #tpu.memory_space<vmem>>, vector<128x10240xf32>,
    return
  }
}

</mosaic_0001>

<sc_bundles>
// kernel: kernel.10.cloned.1.call-start
scs
__scs_entry_jumppad:
0x0: {  	(pc) =	sbr.rel $0x88, $3  }
0x1: {  	(tag) =	ssettag $0x0;
	lr =	simm.s32 $0x1  }
0x2: {  	[smem:$0x3F8A] =	sst lr;
	_ =	strace $0xD0000000  }
0x3: {  	_ = 	snop  }
0x4: {  	_ = 	snop  }
0x5: {  	_ = 	snop  }
0x6: {  	_ = 	snop  }
0x7: {  	_ = 	snop  }
__scs_overlays_trampoline_lowered:
0x8: {  	[smem:$0x3F99] =	sst s0  }
0x9: {  	[smem:$0x3F9A] =	sst s1  }
0xa: {  	[smem:$0x3F9B] =	sst s2  }
0xb: {  	[smem:$0x3F9C] =	sst s3  }
0xc: {  	[smem:$0x3F9D] =	sst s4  }
0xd: {  	[smem:$0x3F9E] =	sst s5  }
0xe: {  	[smem:$0x3F9F] =	sst s6  }
0xf: {  	[smem:$0x3FA0] =	sst s7  }
0x10: {  	[smem:$0x3FA1] =	sst s8  }
0x11: {  	[smem:$0x3FA2] =	sst s9;
	s0 =	simm.s32 @!p0 $0x0  }
0x12: {  	s1 =	sld [smem:$0x3F88];
	s0 =	simm.s32 @p0 $0x1  }
0x13: {  	[smem:$0x3FA3] =	sst s0;
	s0 =	simm.s32 @!p1 $0x0  }
0x14: {  	s2 =	sld [smem:$0x3F87];
	s0 =	simm.s32 @p1 $0x1  }
0x15: {  	[smem:$0x3FA4] =	sst s0;
	s0 =	simm.s32 @!p2 $0x0  }
0x16: {  	s3 =	sld [smem:$0x3FDB];
	s0 =	simm.s32 @p2 $0x1  }
0x17: {  	s4 =	simm.s32 $0x1BF5;
	[smem:$0x3FA6] =	sst s0  }
0x18: {  	s0 =	sld [smem:$0x3F89];
	_ =	swait.ge [sflag:s4], $0x0  }
0x19: {  	s7 =	sld [smem:$0x3F8A]  }
0x1a: {  	s8 =	sadd.s32 $0xFFFFE003, lr  }
0x1b: {  	s9 =	sadd.s32 $0xFFFFFEF7, lr;
	s5 =	simm.s32 $0xFFFFFFFF;
	p2 =	slt.u32 s8, $0xFFFFF086  }
0x1c: {  	p1 =	slt.u32 s9, $0xF7A;
	s5 =	simm.s32 @!p2 $0x0  }
0x1d: {  	s5 =	simm.s32 @p1 $0x1;
	p0 =	seq.s32 s7, s2  }
0x1e: {  	s7 =	smul.u32 @!p0 $0xF7A, s2;
	p2 =	seq.s32 @!p0 s5, $0x0  }
0x1f: {  	s9 =	smul.u32 $0xF7A, s1;
	s8 =	simm.s32 @!p0 $0x1BF5;
	p2 =	por !p2, p0  }
0x20: {  	[sflag:s8] =	ssyncset.s32 @!p0 $0xFFFFF086;
	s6 =	sadd.s32 @!p0 s3, s7;
	s7 =	simm.s32 @!p0 $0x108  }
0x21: {  	s3 =	sadd.s32 s3, s9;
	s6 =	sadd.s32 @!p0 $0x88, s6;
	s7 =	simm.s32 @p2 $0x1082  }
0x22: {  	[simem:s7], [sflag:s8] =	dma.local @!p0 [hbm:s6], $0xF7A  }
0x23: {  	s9 =	sor.u32 $0xD0000000, s2;
	s6 =	simm.s32 $0x108;
	_ =	swait.ge @!p0 [sflag:s8], $0x0  }
0x24: {  	s3 =	sadd.s32 $0x88, s3;
	s6 =	simm.s32 @!p1 $0x1082;
	[sflag:s4] =	ssyncset.s32 $0xFFFFF086  }
0x25: {  	[simem:s6], [sflag:s4] =	dma.local [hbm:s3], $0xF7A  }
0x26: {  	[smem:$0x3F8A] =	sst s1;
	(tag) =	ssettag s2;
	_ =	strace s9  }
0x27: {  	s1 =	sld [smem:$0x3F9A]  }
0x28: {  	s2 =	sld [smem:$0x3F9B]  }
0x29: {  	s4 =	sld [smem:$0x3F9D]  }
0x2a: {  	p0 =	seq.s32 s5, $0x0;
	s5 =	sld [smem:$0x3F9E]  }
0x2b: {  	s6 =	sld [smem:$0x3F9F]  }
0x2c: {  	s7 =	sld [smem:$0x3FA0]  }
0x2d: {  	s3 =	simm.s32 $0x108;
	s8 =	sld [smem:$0x3FA1]  }
0x2e: {  	s3 =	simm.s32 @!p0 $0x1082;
	s9 =	sld [smem:$0x3FA2]  }
0x2f: {  	lr =	sadd.s32 s0, s3;
	s0 =	sld [smem:$0x3F99]  }
0x30: {  	s3 =	sld [smem:$0x3F9C]  }
0x31: {  	[smem:$0x3FA5] =	sst s10  }
0x32: {  	s10 =	sld [smem:$0x3FA3];
	_ =	sdelay $0x3  }
0x33: {  	p0 =	seq.s32 s10, $0x1;
	s10 =	sld [smem:$0x3FA5];
	_ =	sdelay $0x3  }
0x34: {  	[smem:$0x3FA5] =	sst s10  }
0x35: {  	s10 =	sld [smem:$0x3FA4];
	_ =	sdelay $0x3  }
0x36: {  	p1 =	seq.s32 s10, $0x1;
	s10 =	sld [smem:$0x3FA5];
	_ =	sdelay $0x3  }
0x37: {  	[smem:$0x3FA5] =	sst s10  }
0x38: {  	s10 =	sld [smem:$0x3FA6]  }
0x39: {  	_ = 	snop;
	(pc) =	sbr.ind lr, $3  }
0x3a: {  	_ = 	snop  }
0x3b: {  	_ = 	snop  }
0x3c: {  	p2 =	seq.s32 s10, $0x1;
	s10 =	sld [smem:$0x3FA5]  }
0x3d: {  	_ =	shalt  }
0x3e: {  	_ =	shalt  }
0x3f: {  	_ =	shalt  }
0x40: {  	_ =	shalt  }
0x41: {  	_ =	shalt  }
0x42: {  	_ =	shalt  }
0x43: {  	_ =	shalt  }
0x44: {  	_ =	shalt  }
0x45: {  	_ =	shalt  }
0x46: {  	_ =	shalt  }
0x47: {  	_ =	shalt  }
0x48: {  	_ =	shalt  }
0x49: {  	_ =	shalt  }
0x4a: {  	_ =	shalt  }
0x4b: {  	_ =	shalt  }
0x4c: {  	_ =	shalt  }
0x4d: {  	_ =	shalt  }
0x4e: {  	_ =	shalt  }
0x4f: {  	_ =	shalt  }
0x50: {  	_ =	shalt  }
0x51: {  	_ =	shalt  }
0x52: {  	_ =	shalt  }
0x53: {  	_ =	shalt  }
0x54: {  	_ =	shalt  }
0x55: {  	_ =	shalt  }
0x56: {  	_ =	shalt  }
0x57: {  	_ =	shalt  }
0x58: {  	_ =	shalt  }
0x59: {  	_ =	shalt  }
0x5a: {  	_ =	shalt  }
0x5b: {  	_ =	shalt  }
0x5c: {  	_ =	shalt  }
0x5d: {  	_ =	shalt  }
0x5e: {  	_ =	shalt  }
0x5f: {  	_ =	shalt  }
0x60: {  	_ =	shalt  }
0x61: {  	_ =	shalt  }
0x62: {  	_ =	shalt  }
0x63: {  	_ =	shalt  }
0x64: {  	_ =	shalt  }
0x65: {  	_ =	shalt  }
0x66: {  	_ =	shalt  }
0x67: {  	_ =	shalt  }
0x68: {  	_ =	shalt  }
0x69: {  	_ =	shalt  }
0x6a: {  	_ =	shalt  }
0x6b: {  	_ =	shalt  }
0x6c: {  	_ =	shalt  }
0x6d: {  	_ =	shalt  }
0x6e: {  	_ =	shalt  }
0x6f: {  	_ =	shalt  }
0x70: {  	_ =	shalt  }
0x71: {  	_ =	shalt  }
0x72: {  	_ =	shalt  }
0x73: {  	_ =	shalt  }
0x74: {  	_ =	shalt  }
0x75: {  	_ =	shalt  }
0x76: {  	_ =	shalt  }
0x77: {  	_ =	shalt  }
0x78: {  	_ =	shalt  }
0x79: {  	_ =	shalt  }
0x7a: {  	_ =	shalt  }
0x7b: {  	_ =	shalt  }
0x7c: {  	_ =	shalt  }
0x7d: {  	_ =	shalt  }
0x7e: {  	_ =	shalt  }
0x7f: {  	_ =	shalt  }
0x80: {  	_ =	shalt  }
0x81: {  	_ =	shalt  }
0x82: {  	_ =	shalt  }
0x83: {  	_ =	shalt  }
0x84: {  	_ =	shalt  }
0x85: {  	_ =	shalt  }
0x86: {  	_ =	shalt  }
0x87: {  	_ =	shalt  }
.Lfunc_end0:
.L_simem_size_0:
called_computation.1_lowered:
.L_overlay_start_0:
0x88: {  	s2 =	sld [smem:$0x3FD9]  }
0x89: {  	s3 =	sld [smem:$0x3FFE];
	_ =	sdelay $0x1  }
0x8a: {  	s1 =	srdreg.scid  }
0x8b: {  	s0 =	sand.u32 $0x1, s1  }
0x8c: {  	s14 =	sshll.u32 s0, $0xA;
	s2 =	sadd.s32 s3, s2  }
0x8d: {  	s2 =	sadd.s32 s2, s14  }
0x8e: {  	[smem:$0x3FB1] =	sst s2  }
0x8f: {  	_ = 	snop  }
0x90: {  	s2 =	sld [smem:$0x3FD0];
	_ =	sdelay $0x2  }
0x91: {  	s15 =	simm.s32 $0xA;
	s4 =	simm.s32 $0x10  }
0x92: {  	[smem:s4], [sflag:s15] =	dma.local [hbm:s2], $0x1  }
0x93: {  	_ =	swait.eq [sflag:s15], $0x1  }
0x94: {  	[sflag:s15] =	ssyncset.done $0x0  }
0x95: {  	[sflag:s15] =	ssyncadd.s32 $0xFFFFFFFF  }
0x96: {  	s16 =	sld [smem:$0x12];
	(tm) =	ssettm $0x1  }
0x97: {  	s17 =	sld [smem:$0x3FFB];
	_ =	sdelay $0x3  }
0x98: {  	_ =	strace s17  }
0x99: {  	s3 =	sld [smem:$0x3FFC];
	_ =	sdelay $0x3  }
0x9a: {  	_ =	strace s3  }
0x9b: {  	s3 =	sld [smem:$0x3FFD];
	_ =	sdelay $0x3  }
0x9c: {  	_ =	strace s3  }
0x9d: {  	_ =	strace $0x8FFFFFFF  }
0x9e: {  	s18 =	sld [smem:$0x3FDB];
	_ =	sdelay $0x1  }
0x9f: {  	s19 =	simm.s32 $_scs_section_size  }
0xa0: {  	s5 =	simm.s32 $_size__tile_overlayer_lowered;
	s6 =	simm.s32 $_tile_overlayer_lowered  }
0xa1: {  	s22 =	simm.s32 $0x1BFF;
	s21 =	sshll.u32 s6, $0x1;
	s3 =	sadd.s32 s19, s18  }
0xa2: {  	s7 =	simm.s32 $0x0;
	s20 =	sshll.u32 s5, $0x1;
	s5 =	sadd.s32 s21, s3  }
0xa3: {  	[timem:s7], [sflag:s22] =	dma.local [hbm:s5], s20  }
0xa4: {  	_ =	swait.ge [sflag:s22], s20  }
0xa5: {  	s4 =	ssub.s32 $0x0, s20;
	[sflag:s22] =	ssyncset.done $0x0  }
0xa6: {  	[sflag:s22] =	ssyncadd.s32 s4;
	_ =	sdelay $0x1  }
0xa7: {  	s23 =	simm.s32 $0x1B8B  }
0xa8: {  	_ =	swait.ge [sflag:s23], $0x1  }
0xa9: {  	[sflag:s23] =	ssyncset.done $0x0  }
0xaa: {  	s25 =	simm.s32 $0x1B8E;
	s24 =	sld [smem:$0x3FFE];
	[sflag:s23] =	ssyncadd.s32 $0xFFFFFFFF  }
0xab: {  	s26 =	simm.s32 $execute0_lowered;
	[smem:$0x3FD2] =	sst s25  }
0xac: {  	s5 =	sshll.u32 s26, $0x1;
	_ =	strace $0x80000049;
	[dreg:$0x1] =	wrdreg $0xFFFFFFFF  }
0xad: {  	s28 =	simm.s32 $_size_execute0_lowered;
	s3 =	sadd.s32 s3, s5;
	[dreg:$0x0] =	wrdreg $0x0  }
0xae: {  	s5 =	sshll.u32 s28, $0x1;
	[dreg:$0x2] =	wrdreg s3  }
0xaf: {  	[dreg:$0x3] =	wrdreg s5  }
0xb0: {  	[dreg:$0x4] =	wrdreg $0xC0  }
0xb1: {  	_ =	task [dreg:s7], $0x5FFFF  }
0xb2: {  	[dreg:$0x1] =	wrdreg $0xFFFFFFFF  }
0xb3: {  	[dreg:$0x0] =	wrdreg $0x60  }
0xb4: {  	[dreg:$0x2] =	wrdreg s16  }
0xb5: {  	[dreg:$0x3] =	wrdreg s24  }
0xb6: {  	[dreg:$0x4] =	wrdreg $0x9  }
0xb7: {  	_ =	task.clear_ibuf [dreg:s7], $0x5FFFF;
	_ =	strace $0x90000049  }
0xb8: {  	s29 =	simm.s32 $0x9;
	_ =	strace $0x8000004B  }
0xb9: {  	_ =	swait.ge [sflag:s29], $0x1  }
0xba: {  	[sflag:s29] =	ssyncadd.s32 $0xFFFFFFFF  }
0xbb: {  	_ =	strace $0x9000004B  }
0xbc: {  	_ =	sfence  }
0xbd: {  	s30 =	sld [smem:$0x0];
	_ =	sdelay $0x2  }
0xbe: {  	s31 =	sshll.u32 s1, $0xD;
	s1 =	sshrl.u32 s1, $0x2  }
0xbf: {  	s3 =	sand.u32 $0x4000, s31;
	s1 =	sadd.s32 s1, s30  }
0xc0: {  	s0 =	sor.u32 s3, s0;
	s1 =	sshll.u32 s1, $0x11  }
0xc1: {  	s0 =	sor.u32 s1, s0  }
0xc2: {  	s0 =	sadd.s32 $0x8F2B, s0  }
0xc3: {  	[sflag:s0] =	ssyncadd.remote.s32 $0x1  }
0xc4: {  	_ =	sfence.sel $0xFFFF  }
0xc5: {  	[dreg:$0x0] =	wrdreg $0xFFFFFFFF;
	(pc) =	sbr.abs _section_cstart, $3  }
0xc6: {  	[dreg:$0x1] =	wrdreg $0xFFFFFFFF  }
0xc7: {  	_ =	task.clear_ibuf [dreg:s7], $0x2FFFF;
	_ =	strace $0x9FFFFFFF  }
0xc8: {  	(tm) =	ssettm $0x7FFFFFFF  }
0xc9: {  	_ =	shalt  }
tec
execute0_lowered:
.L_overlay_start_1:
0x0: {  	(tag) =	ssettag $0x1  }
0x1: {  	s1 =	srdreg.scid  }
0x2: {  	s2 =	rddreg [dreg:$0x0];
	s0 =	stileid.u32  }
0x3: {  	s5 =	rddreg [dreg:$0x1];
	s3 =	simm.s32 $0x0;
	s14 =	simm.s32 $0x2800  }
0x4: {  	s15 =	simm.s32 $0x5000;
	s16 =	simm.s32 $0x7800;
	s17 =	simm.s32 $0x14000  }
0x5: {  	s18 =	simm.s32 $0x1;
	s19 =	simm.s32 $0x15900;
	s20 =	simm.s32 $0xA000  }
0x6: {  	s21 =	simm.s32 $0x2;
	s22 =	simm.s32 $0xC800;
	s4 =	sand.u32 $0x1, s1  }
0x7: {  	s23 =	simm.s32 $0xF000;
	s6 =	sshll.u32 s0, $0x3;
	s7 =	sshll.u32 s4, $0x2  }
0x8: {  	s24 =	simm.s32 $0x11800;
	s25 =	simm.s32 $0x0;
	s6 =	sor.u32 s7, s6  }
0x9: {  	s1 =	rddreg [dreg:$0x2];
	s4 =	ssub.s32 $0x2, s4;
	s8 =	smul.u32 $0x500, s6  }
0xa: {  	[smem:$0x7FF] =	sst s3;
	s30 =	sshrl.u32 s4, $0x1;
	s6 =	smul.u32 $0x2800, s6  }
0xb: {  	s29 =	sadd.s32 $0x3400, s5;
	s11 =	sadd.s32 $0x2B400, s5;
	s12 =	ssub.s32 s4, s30  }
0xc: {  	_ =	strace $0x8000004A;
	s12 =	smax.u32 s12, $0x1;
	s31 =	sshrl.u32 s6, $0x3  }
0xd: {  	s4 =	sadd.s32 s29, s8;
	s8 =	sadd.s32 s11, s8;
	s9 =	sadd.s32 $0x500, s31  }
0xe: {  	s10 =	sadd.s32 $0xA00, s31;
	s13 =	sadd.s32 $0xF00, s31;
	s5 =	sadd.s32 s29, s9  }
0xf: {  	s6 =	sadd.s32 s29, s10;
	s7 =	sadd.s32 s29, s13;
	s9 =	sadd.s32 s11, s9  }
0x10: {  	v0 =	vimm.f32 $0.0e+00;
	s10 =	sadd.s32 s11, s10;
	s11 =	sadd.s32 s11, s13;
	s13 =	simm.s32 $0x3  }
.LBB2_1:
0x11: {  	[tilespmem:s3], [sflag:$0x3] =	stream.linear.gather [hbm4b:s4+s3], $0x2800, $0x38;
	[tilespmem:$0x17200] =	vst v63  }
0x12: {  	_ =	swait.ge [sflag:s13], $0x2800  }
0x13: {  	[sflag:s13] =	ssyncset.done $0x0  }
0x14: {  	[sflag:s13] =	ssyncadd.s32 $0xFFFFD800  }
0x15: {  	[tilespmem:s14], [sflag:$0x3] =	stream.linear.gather [hbm4b:s5+s3], $0x2800, $0x38;
	[tilespmem:$0x17200] =	vst v63  }
0x16: {  	_ =	swait.ge [sflag:s13], $0x2800  }
0x17: {  	[sflag:s13] =	ssyncset.done $0x0  }
0x18: {  	[sflag:s13] =	ssyncadd.s32 $0xFFFFD800  }
0x19: {  	[tilespmem:s15], [sflag:$0x3] =	stream.linear.gather [hbm4b:s6+s3], $0x2800, $0x38;
	[tilespmem:$0x17200] =	vst v63  }
0x1a: {  	_ =	swait.ge [sflag:s13], $0x2800  }
0x1b: {  	[sflag:s13] =	ssyncset.done $0x0  }
0x1c: {  	[sflag:s13] =	ssyncadd.s32 $0xFFFFD800  }
0x1d: {  	[tilespmem:s16], [sflag:$0x3] =	stream.linear.gather [hbm4b:s7+s3], $0x2800, $0x38;
	[tilespmem:$0x17200] =	vst v63  }
0x1e: {  	_ =	swait.ge [sflag:s13], $0x2800  }
0x1f: {  	[sflag:s13] =	ssyncset.done $0x0  }
0x20: {  	s26 =	simm.s32 $0xA040;
	[sflag:s13] =	ssyncadd.s32 $0xFFFFD800  }
0x21: {  	[tilespmem:s26+$0xFFFFFFC0] =	vst v0  }
0x22: {  	[tilespmem:s26+$0x30] =	vst v0  }
0x23: {  	[tilespmem:s26+$0x20] =	vst v0  }
0x24: {  	[tilespmem:s26+$0x10] =	vst v0  }
0x25: {  	[tilespmem:s26+$0x0] =	vst v0  }
0x26: {  	[tilespmem:s26+$0xFFFFFFF0] =	vst v0  }
0x27: {  	s28 =	simm.s32 $0x0;
	[tilespmem:s26+$0xFFFFFFE0] =	vst v0  }
.LBB2_2:
0x28: {  	s28 =	sadd.s32 $0x8, s28;
	[tilespmem:s26+$0xFFFFFFD0] =	vst v0;
	s26 =	sadd.s32 $0x80, s26  }
0x29: {  	[tilespmem:s26+$0xFFFFFFC0] =	vst v0;
	p0 =	slt.u32 s28, $0x9F8  }
0x2a: {  	[tilespmem:s26+$0x30] =	vst v0  }
.Ltmp0:
0x2b: {  	[tilespmem:s26+$0x20] =	vst v0;
	(pc) =	sbr.rel @p0 .LBB2_2-.Ltmp0, $4  }
0x2c: {  	[tilespmem:s26+$0x10] =	vst v0  }
0x2d: {  	[tilespmem:s26+$0x0] =	vst v0  }
0x2e: {  	[tilespmem:s26+$0xFFFFFFF0] =	vst v0  }
0x2f: {  	[tilespmem:s26+$0xFFFFFFE0] =	vst v0  }
0x30: {  	[tilespmem:s26+$0xFFFFFFD0] =	vst v0;
	s26 =	simm.s32 $0x0  }
0x31: {  	[tilespmem:s17], [sflag:$0x1] =	stream.linear.gather [hbm4b:s2+s26], $0x1900, $0x38;
	[tilespmem:$0x17200] =	vst v63  }
.LBB2_4:
0x32: {  	s28 =	smul.u32 $0x3200, s26;
	_ =	sdelay $0x1  }
0x33: {  	_ =	swait.ge [sflag:s18], $0x1900;
	s29 =	sshrl.u32 s28, $0x3  }
0x34: {  	[sflag:s18] =	ssyncset.done $0x0;
	s29 =	sadd.s32 s2, s29  }
0x35: {  	[sflag:s18] =	ssyncadd.s32 $0xFFFFE700;
	s29 =	sadd.s32 $0x320, s29  }
0x36: {  	[tilespmem:s19], [sflag:$0x2] =	stream.linear.gather [hbm4b:s29+s3], $0x1900, $0x38;
	[tilespmem:$0x17200] =	vst v63  }
0x37: {  	s29 =	simm.s32 $0x14CF0  }
0x38: {  	v1 =	vld [tilespmem:s29+$0xFFFFF370]  }
0x39: {  	v2 =	vld [tilespmem:s29+$0xFFFFF330];
	_ =	sdelay $0x2  }
0x3a: {  	v3 =	vld [tilespmem:s29+$0xFFFFF350]  }
0x3b: {  	v4 =	vld [tilespmem:s29+$0xFFFFF310];
	v5 =	vshrl.u32 v1, $0xE  }
0x3c: {  	v6 =	vshrl.u32 v2, $0xE;
	_ =	sdelay $0x1  }
0x3d: {  	v10 =	vld [tilespmem:s29+$0xFFFFFFB0]  }
0x3e: {  	v15 =	vld [tilespmem:s29+$0xFFFFFFF0];
	v7 =	vand.u32 $0x3FFF, v2;
	v12 =	vshrl.u32 v3, $0xE;
	v14 =	vand.u32 $0x3FFF, v3  }
0x3f: {  	v16 =	vshrl.u32 v4, $0xE;
	v25 =	vand.u32 $0x3FFF, v1;
	v28 =	vand.u32 $0x3FFF, v4;
	v19 =	vld.idx.msk [tilespmem:v5+s3+$0x0], $0xffff  }
0x40: {  	v4 =	vand.u32 $0x7, v4;
	v1 =	vand.u32 $0x7, v1;
	v2 =	vand.u32 $0x7, v2;
	v24 =	vld.idx.msk [tilespmem:v6+s3+$0x0], $0xffff  }
0x41: {  	v20 =	vld [tilespmem:s29+$0xFFFFFFD0];
	v3 =	vand.u32 $0x7, v3;
	v8 =	vand.u32 $0x7, v6;
	v23 =	vadd.s32 $0x2800, v5  }
0x42: {  	v29 =	vld [tilespmem:s29+$0xFFFFFF90];
	v9 =	vadd.s32 $0x2800, v6;
	v26 =	vand.u32 $0x7, v5;
	v23 =	vand.u32 $0x7FFF8, v23  }
0x43: {  	v11 =	vadd.s32 $0x2800, v7;
	v9 =	vand.u32 $0x7FFF8, v9;
	v23 =	vor.u32 v26, v23;
	v27 =	vld.idx.msk [tilespmem:v12+s3+$0x0], $0xffff  }
0x44: {  	v13 =	vadd.s32 $0x5000, v6;
	v9 =	vor.u32 v8, v9;
	v32 =	vld.idx.msk [tilespmem:v16+s3+$0x0], $0xffff;
	v19 =	vmul.f32 v19, v15  }
0x45: {  	v17 =	vand.u32 $0x7, v12;
	v18 =	vadd.s32 $0x2800, v12;
	v24 =	vmul.f32 v24, v10  }
0x46: {  	v21 =	vand.u32 $0x7, v16;
	v22 =	vadd.s32 $0x2800, v16;
	v18 =	vand.u32 $0x7FFF8, v18;
	[tilespmem:v25+s20+$0x0] =	vst.idx.add.f32.msk $0xffff, v19  }
0x47: {  	v30 =	vadd.s32 $0x2800, v28;
	v22 =	vand.u32 $0x7FFF8, v22;
	v18 =	vor.u32 v17, v18;
	[tilespmem:v7+s20+$0x0] =	vst.idx.add.f32.msk $0xffff, v24  }
0x48: {  	v34 =	vadd.s32 $0x2800, v25;
	v22 =	vor.u32 v21, v22;
	v27 =	vmul.f32 v27, v20;
	v23 =	vld.idx.msk [tilespmem:v23+s3+$0x0], $0xffff  }
0x49: {  	v31 =	vadd.s32 $0x2800, v14;
	v32 =	vmul.f32 v32, v29;
	v24 =	vand.u32 $0x7FF8, v34;
	v9 =	vld.idx.msk [tilespmem:v9+s3+$0x0], $0xffff  }
0x4a: {  	v50 =	vadd.s32 $0x5000, v5;
	v11 =	vand.u32 $0x7FF8, v11;
	[tilespmem:v14+s20+$0x0] =	vst.idx.add.f32.msk $0xffff, v27;
	v24 =	vor.u32 v1, v24  }
0x4b: {  	v33 =	vadd.s32 $0x5000, v16;
	v11 =	vor.u32 v2, v11;
	v34 =	vand.u32 $0x7FFF8, v50;
	[tilespmem:v28+s20+$0x0] =	vst.idx.add.f32.msk $0xffff, v32  }
0x4c: {  	v52 =	vadd.s32 $0x5000, v7;
	v13 =	vand.u32 $0x7FFF8, v13;
	v27 =	vor.u32 v26, v34;
	v18 =	vld.idx.msk [tilespmem:v18+s3+$0x0], $0xffff  }
0x4d: {  	v53 =	vadd.s32 $0x5000, v25;
	v13 =	vor.u32 v8, v13;
	v22 =	vld.idx.msk [tilespmem:v22+s3+$0x0], $0xffff;
	v23 =	vmul.f32 v23, v15  }
0x4e: {  	v30 =	vand.u32 $0x7FF8, v30;
	v31 =	vand.u32 $0x7FF8, v31;
	v9 =	vmul.f32 v9, v10  }
0x4f: {  	v33 =	vand.u32 $0x7FFF8, v33;
	v31 =	vor.u32 v3, v31;
	v19 =	vadd.s32 $0x5000, v12;
	[tilespmem:v24+s20+$0x0] =	vst.idx.add.f32.msk $0xffff, v23  }
0x50: {  	v30 =	vor.u32 v4, v30;
	v51 =	vor.u32 v21, v33;
	v19 =	vand.u32 $0x7FFF8, v19;
	[tilespmem:v11+s20+$0x0] =	vst.idx.add.f32.msk $0xffff, v9  }
0x51: {  	v5 =	vadd.s32 $0x7800, v5;
	v6 =	vadd.s32 $0x7800, v6;
	v19 =	vor.u32 v17, v19;
	v27 =	vld.idx.msk [tilespmem:v27+s3+$0x0], $0xffff  }
0x52: {  	v22 =	vmul.f32 v22, v29;
	v9 =	vmul.f32 v18, v20;
	v11 =	vand.u32 $0xFFF8, v53;
	v13 =	vld.idx.msk [tilespmem:v13+s3+$0x0], $0xffff  }
0x53: {  	v24 =	vand.u32 $0xFFF8, v52;
	v18 =	vadd.s32 $0x5000, v14;
	v11 =	vor.u32 v1, v11  }
0x54: {  	v5 =	vand.u32 $0x7FFF8, v5;
	[tilespmem:v31+s20+$0x0] =	vst.idx.add.f32.msk $0xffff, v9;
	v9 =	vand.u32 $0xFFF8, v18;
	v18 =	vor.u32 v2, v24  }
0x55: {  	v6 =	vand.u32 $0x7FFF8, v6;
	v5 =	vor.u32 v26, v5;
	[tilespmem:v30+s20+$0x0] =	vst.idx.add.f32.msk $0xffff, v22  }
0x56: {  	v6 =	vor.u32 v8, v6;
	v23 =	vadd.s32 $0x5000, v28;
	v19 =	vld.idx.msk [tilespmem:v19+s3+$0x0], $0xffff;
	v8 =	vmul.f32 v27, v15  }
0x57: {  	v12 =	vadd.s32 $0x7800, v12;
	v22 =	vand.u32 $0xFFF8, v23;
	v23 =	vld.idx.msk [tilespmem:v51+s3+$0x0], $0xffff;
	v13 =	vmul.f32 v13, v10  }
0x58: {  	v12 =	vand.u32 $0x7FFF8, v12;
	v9 =	vor.u32 v3, v9;
	[tilespmem:v11+s20+$0x0] =	vst.idx.add.f32.msk $0xffff, v8  }
0x59: {  	v16 =	vadd.s32 $0x7800, v16;
	v7 =	vadd.s32 $0x7800, v7;
	v12 =	vor.u32 v17, v12;
	[tilespmem:v18+s20+$0x0] =	vst.idx.add.f32.msk $0xffff, v13  }
0x5a: {  	v8 =	vor.u32 v4, v22;
	v11 =	vand.u32 $0x7FFF8, v16;
	v16 =	vadd.s32 $0x7800, v25;
	v5 =	vld.idx.msk [tilespmem:v5+s3+$0x0], $0xffff  }
0x5b: {  	v13 =	vmul.f32 v19, v20;
	v11 =	vor.u32 v21, v11;
	v16 =	vand.u32 $0xFFF8, v16;
	v6 =	vld.idx.msk [tilespmem:v6+s3+$0x0], $0xffff  }
0x5c: {  	v7 =	vand.u32 $0xFFF8, v7;
	v1 =	vor.u32 v1, v16  }
0x5d: {  	v2 =	vor.u32 v2, v7;
	v16 =	vmul.f32 v23, v29;
	[tilespmem:v9+s20+$0x0] =	vst.idx.add.f32.msk $0xffff, v13  }
0x5e: {  	v7 =	vld.idx.msk [tilespmem:v12+s3+$0x0], $0xffff  }
0x5f: {  	v9 =	vadd.s32 $0x7800, v14;
	[tilespmem:v8+s20+$0x0] =	vst.idx.add.f32.msk $0xffff, v16;
	v5 =	vmul.f32 v5, v15  }
0x60: {  	v9 =	vand.u32 $0xFFF8, v9;
	v8 =	vld.idx.msk [tilespmem:v11+s3+$0x0], $0xffff;
	v6 =	vmul.f32 v6, v10  }
0x61: {  	v3 =	vor.u32 v3, v9;
	v9 =	vadd.s32 $0x7800, v28;
	[tilespmem:v1+s20+$0x0] =	vst.idx.add.f32.msk $0xffff, v5  }
0x62: {  	v1 =	vand.u32 $0xFFF8, v9;
	[tilespmem:v2+s20+$0x0] =	vst.idx.add.f32.msk $0xffff, v6  }
0x63: {  	v10 =	vld [tilespmem:s29+$0xFFFFF380];
	v1 =	vor.u32 v4, v1  }
0x64: {  	v2 =	vmul.f32 v7, v20;
	v4 =	vld [tilespmem:s29+$0xFFFFF340];
	_ =	sdelay $0x1  }
0x65: {  	[tilespmem:v3+s20+$0x0] =	vst.idx.add.f32.msk $0xffff, v2;
	v2 =	vmul.f32 v8, v29  }
0x66: {  	v11 =	vld [tilespmem:s29+$0xFFFFF360]  }
0x67: {  	v12 =	vshrl.u32 v10, $0xE;
	[tilespmem:v1+s20+$0x0] =	vst.idx.add.f32.msk $0xffff, v2  }
0x68: {  	v14 =	vshrl.u32 v4, $0xE;
	v13 =	vld [tilespmem:s29+$0xFFFFF320];
	_ =	sdelay $0x1  }
0x69: {  	v18 =	vld [tilespmem:s29+$0x0]  }
0x6a: {  	v3 =	vld [tilespmem:s29+$0xFFFFFFC0];
	v15 =	vshrl.u32 v11, $0xE  }
0x6b: {  	v2 =	vand.u32 $0x3FFF, v4;
	v4 =	vand.u32 $0x7, v4;
	v9 =	vld.idx.msk [tilespmem:v12+s3+$0x0], $0xffff  }
0x6c: {  	v20 =	vand.u32 $0x3FFF, v10;
	v1 =	vadd.s32 $0x2800, v14;
	v19 =	vld.idx.msk [tilespmem:v14+s3+$0x0], $0xffff;
	v7 =	vshrl.u32 v13, $0xE  }
0x6d: {  	v16 =	vand.u32 $0x7, v14;
	v17 =	vadd.s32 $0x2800, v2;
	v8 =	vadd.s32 $0x2800, v12  }
0x6e: {  	v5 =	vld [tilespmem:s29+$0xFFFFFFE0];
	v21 =	vand.u32 $0x7, v12;
	v1 =	vand.u32 $0x7FFF8, v1;
	v8 =	vand.u32 $0x7FFF8, v8  }
0x6f: {  	v22 =	vor.u32 v16, v1;
	v1 =	vadd.s32 $0x2800, v15;
	v24 =	vor.u32 v21, v8;
	v23 =	vld.idx.msk [tilespmem:v15+s3+$0x0], $0xffff  }
0x70: {  	v54 =	vadd.s32 $0x5000, v14;
	v26 =	vand.u32 $0x7FFF8, v1;
	v1 =	vld [tilespmem:s29+$0xFFFFFFA0];
	v28 =	vmul.f32 v9, v18  }
0x71: {  	v6 =	vand.u32 $0x3FFF, v11;
	v25 =	vand.u32 $0x7, v15;
	v19 =	vmul.f32 v19, v3;
	v29 =	vld.idx.msk [tilespmem:v7+s3+$0x0], $0xffff  }
0x72: {  	v17 =	vand.u32 $0x7FF8, v17;
	v26 =	vor.u32 v25, v26;
	v27 =	vadd.s32 $0x2800, v7;
	[tilespmem:v20+s20+$0x0] =	vst.idx.add.f32.msk $0xffff, v28  }
0x73: {  	v32 =	vand.u32 $0x7FFF8, v54;
	v8 =	vand.u32 $0x7, v7;
	v27 =	vand.u32 $0x7FFF8, v27;
	[tilespmem:v2+s20+$0x0] =	vst.idx.add.f32.msk $0xffff, v19  }
0x74: {  	v9 =	vand.u32 $0x3FFF, v13;
	v23 =	vmul.f32 v23, v5;
	v28 =	vadd.s32 $0x2800, v20;
	v24 =	vld.idx.msk [tilespmem:v24+s3+$0x0], $0xffff  }
0x75: {  	v27 =	vor.u32 v8, v27;
	v19 =	vand.u32 $0x7FF8, v28;
	v28 =	vand.u32 $0x7, v10;
	v22 =	vld.idx.msk [tilespmem:v22+s3+$0x0], $0xffff  }
0x76: {  	v31 =	vadd.s32 $0x2800, v6;
	v10 =	vadd.s32 $0x5000, v12;
	v19 =	vor.u32 v28, v19;
	[tilespmem:v6+s20+$0x0] =	vst.idx.add.f32.msk $0xffff, v23  }
0x77: {  	v17 =	vor.u32 v4, v17;
	v10 =	vand.u32 $0x7FFF8, v10;
	v26 =	vld.idx.msk [tilespmem:v26+s3+$0x0], $0xffff;
	v29 =	vmul.f32 v29, v1  }
0x78: {  	v31 =	vand.u32 $0x7FF8, v31;
	v23 =	vor.u32 v21, v10;
	v10 =	vand.u32 $0x7, v11  }
0x79: {  	v55 =	vadd.s32 $0x5000, v15;
	v31 =	vor.u32 v10, v31;
	[tilespmem:v9+s20+$0x0] =	vst.idx.add.f32.msk $0xffff, v29;
	v24 =	vmul.f32 v24, v18  }
0x7a: {  	v56 =	vand.u32 $0x7FFF8, v55;
	v30 =	vadd.s32 $0x2800, v9;
	v22 =	vmul.f32 v22, v3;
	v27 =	vld.idx.msk [tilespmem:v27+s3+$0x0], $0xffff  }
0x7b: {  	v14 =	vadd.s32 $0x7800, v14;
	v30 =	vand.u32 $0x7FF8, v30;
	v29 =	vor.u32 v16, v32;
	[tilespmem:v19+s20+$0x0] =	vst.idx.add.f32.msk $0xffff, v24  }
0x7c: {  	v11 =	vand.u32 $0x7, v13;
	v13 =	vor.u32 v25, v56;
	[tilespmem:v17+s20+$0x0] =	vst.idx.add.f32.msk $0xffff, v22;
	v17 =	vmul.f32 v26, v5  }
0x7d: {  	v19 =	vor.u32 v11, v30;
	v22 =	vadd.s32 $0x5000, v20;
	v20 =	vadd.s32 $0x7800, v20;
	v23 =	vld.idx.msk [tilespmem:v23+s3+$0x0], $0xffff  }
0x7e: {  	s29 =	simm.s32 $0x14D70;
	v12 =	vadd.s32 $0x7800, v12;
	v22 =	vand.u32 $0xFFF8, v22;
	v20 =	vand.u32 $0xFFF8, v20;
	[tilespmem:v31+s20+$0x0] =	vst.idx.add.f32.msk $0xffff, v17  }
0x7f: {  	v17 =	vor.u32 v28, v22;
	v20 =	vor.u32 v28, v20;
	v28 =	vand.u32 $0x7FFF8, v14;
	v14 =	vld [tilespmem:s29+$0xFFFFFFB0]  }
0x80: {  	v12 =	vand.u32 $0x7FFF8, v12;
	v24 =	vld.idx.msk [tilespmem:v29+s3+$0x0], $0xffff;
	v26 =	vmul.f32 v27, v1  }
0x81: {  	v12 =	vor.u32 v21, v12;
	v22 =	vld.idx.msk [tilespmem:v13+s3+$0x0], $0xffff  }
0x82: {  	[tilespmem:v19+s20+$0x0] =	vst.idx.add.f32.msk $0xffff, v26  }
0x83: {  	v19 =	vld [tilespmem:s29+$0xFFFFF370];
	v13 =	vmul.f32 v23, v18  }
0x84: {  	v23 =	vld [tilespmem:s29+$0xFFFFF330]  }
0x85: {  	v21 =	vadd.s32 $0x5000, v7;
	[tilespmem:v17+s20+$0x0] =	vst.idx.add.f32.msk $0xffff, v13;
	v13 =	vadd.s32 $0x5000, v2  }
0x86: {  	v21 =	vand.u32 $0x7FFF8, v21;
	v28 =	vor.u32 v16, v28;
	v26 =	vld.idx.msk [tilespmem:v12+s3+$0x0], $0xffff;
	v12 =	vand.u32 $0xFFF8, v13  }
0x87: {  	v16 =	vld [tilespmem:s29+$0xFFFFFFF0];
	v17 =	vor.u32 v8, v21;
	v21 =	vadd.s32 $0x5000, v6;
	v30 =	vor.u32 v4, v12  }
0x88: {  	v15 =	vadd.s32 $0x7800, v15;
	v13 =	vand.u32 $0xFFF8, v21;
	v21 =	vld [tilespmem:s29+$0xFFFFF350];
	v29 =	vshrl.u32 v19, $0xE  }
0x89: {  	v15 =	vand.u32 $0x7FFF8, v15;
	v27 =	vld [tilespmem:s29+$0xFFFFF310];
	v6 =	vadd.s32 $0x7800, v6;
	v31 =	vshrl.u32 v23, $0xE  }
0x8a: {  	v25 =	vor.u32 v25, v15;
	v24 =	vmul.f32 v24, v3;
	v6 =	vand.u32 $0xFFF8, v6;
	v12 =	vld [tilespmem:s29+$0xFFFFFF90]  }
0x8b: {  	v57 =	vor.u32 v10, v13;
	v13 =	vld [tilespmem:s29+$0xFFFFFFD0];
	v6 =	vor.u32 v10, v6;
	v38 =	vand.u32 $0x3FFF, v19  }
0x8c: {  	v19 =	vand.u32 $0x7, v19;
	v35 =	vand.u32 $0x7, v31;
	v36 =	vadd.s32 $0x2800, v31;
	[tilespmem:v30+s20+$0x0] =	vst.idx.add.f32.msk $0xffff, v24  }
0x8d: {  	v39 =	vand.u32 $0x7, v29;
	v33 =	vshrl.u32 v21, $0xE;
	v15 =	vmul.f32 v26, v18;
	v58 =	vld.idx.msk [tilespmem:v29+s3+$0x0], $0xffff  }
0x8e: {  	v50 =	vadd.s32 $0x5000, v29;
	v18 =	vmul.f32 v22, v5;
	v26 =	vshrl.u32 v27, $0xE;
	v60 =	vld.idx.msk [tilespmem:v31+s3+$0x0], $0xffff  }
0x8f: {  	v49 =	vadd.s32 $0x2800, v38;
	v52 =	vand.u32 $0x7FFF8, v50;
	[tilespmem:v20+s20+$0x0] =	vst.idx.add.f32.msk $0xffff, v15;
	v15 =	vadd.s32 $0x2800, v29  }
0x90: {  	v22 =	vand.u32 $0x3FFF, v23;
	v41 =	vand.u32 $0x3FFF, v21;
	[tilespmem:v57+s20+$0x0] =	vst.idx.add.f32.msk $0xffff, v18;
	v40 =	vand.u32 $0x7FFF8, v15  }
0x91: {  	v23 =	vand.u32 $0x7, v23;
	v20 =	vand.u32 $0x7FFF8, v36;
	v28 =	vld.idx.msk [tilespmem:v28+s3+$0x0], $0xffff;
	v40 =	vor.u32 v39, v40  }
0x92: {  	v21 =	vand.u32 $0x7, v21;
	v20 =	vor.u32 v35, v20;
	v42 =	vld.idx.msk [tilespmem:v33+s3+$0x0], $0xffff;
	v34 =	vmul.f32 v58, v16  }
0x93: {  	v37 =	vadd.s32 $0x2800, v22;
	v44 =	vadd.s32 $0x2800, v33;
	v46 =	vld.idx.msk [tilespmem:v26+s3+$0x0], $0xffff;
	v62 =	vmul.f32 v60, v14  }
0x94: {  	v43 =	vand.u32 $0x7, v33;
	v45 =	vand.u32 $0x7, v26;
	v24 =	vand.u32 $0x7FFF8, v44;
	[tilespmem:v38+s20+$0x0] =	vst.idx.add.f32.msk $0xffff, v34  }
0x95: {  	v47 =	vadd.s32 $0x2800, v26;
	v30 =	vand.u32 $0x3FFF, v27;
	v24 =	vor.u32 v43, v24;
	[tilespmem:v22+s20+$0x0] =	vst.idx.add.f32.msk $0xffff, v62  }
0x96: {  	v27 =	vand.u32 $0x7, v27;
	v53 =	vadd.s32 $0x5000, v33;
	v61 =	vand.u32 $0x7FFF8, v47;
	v40 =	vld.idx.msk [tilespmem:v40+s3+$0x0], $0xffff  }
0x97: {  	v63 =	vor.u32 v45, v61;
	v48 =	vmul.f32 v42, v13;
	v20 =	vld.idx.msk [tilespmem:v20+s3+$0x0], $0xffff;
	v42 =	vand.u32 $0x7FF8, v49  }
0x98: {  	v54 =	vadd.s32 $0x5000, v26;
	v59 =	vand.u32 $0x7FF8, v37;
	v15 =	vld.idx.msk [tilespmem:v17+s3+$0x0], $0xffff;
	v51 =	vor.u32 v19, v42  }
0x99: {  	v17 =	vadd.s32 $0x5000, v31;
	v36 =	vor.u32 v23, v59;
	v46 =	vmul.f32 v46, v12;
	[tilespmem:v41+s20+$0x0] =	vst.idx.add.f32.msk $0xffff, v48  }
0x9a: {  	v47 =	vadd.s32 $0x2800, v41;
	v17 =	vand.u32 $0x7FFF8, v17;
	v42 =	vor.u32 v39, v52;
	v24 =	vld.idx.msk [tilespmem:v24+s3+$0x0], $0xffff  }
0x9b: {  	v37 =	vand.u32 $0x7FF8, v47;
	v17 =	vor.u32 v35, v17;
	[tilespmem:v30+s20+$0x0] =	vst.idx.add.f32.msk $0xffff, v46;
	v40 =	vmul.f32 v40, v16  }
0x9c: {  	v18 =	vadd.s32 $0x2800, v30;
	v37 =	vor.u32 v21, v37;
	v34 =	vld.idx.msk [tilespmem:v63+s3+$0x0], $0xffff;
	v20 =	vmul.f32 v20, v14  }
0x9d: {  	v44 =	vand.u32 $0x7FFF8, v53;
	v56 =	vadd.s32 $0x5000, v30;
	v18 =	vand.u32 $0x7FF8, v18;
	[tilespmem:v51+s20+$0x0] =	vst.idx.add.f32.msk $0xffff, v40  }
0x9e: {  	v57 =	vadd.s32 $0x5000, v22;
	v44 =	vor.u32 v43, v44;
	v18 =	vor.u32 v27, v18;
	[tilespmem:v36+s20+$0x0] =	vst.idx.add.f32.msk $0xffff, v20  }
0x9f: {  	v46 =	vand.u32 $0x7FFF8, v54;
	v42 =	vld.idx.msk [tilespmem:v42+s3+$0x0], $0xffff;
	v20 =	vmul.f32 v24, v13;
	v24 =	vadd.s32 $0x5000, v38  }
0xa0: {  	v29 =	vadd.s32 $0x7800, v29;
	v55 =	vor.u32 v45, v46;
	v17 =	vld.idx.msk [tilespmem:v17+s3+$0x0], $0xffff;
	v24 =	vand.u32 $0xFFF8, v24  }
0xa1: {  	v58 =	vand.u32 $0xFFF8, v57;
	v34 =	vmul.f32 v34, v12;
	[tilespmem:v37+s20+$0x0] =	vst.idx.add.f32.msk $0xffff, v20;
	v20 =	vor.u32 v19, v24  }
0xa2: {  	v31 =	vadd.s32 $0x7800, v31;
	v25 =	vld.idx.msk [tilespmem:v25+s3+$0x0], $0xffff;
	v36 =	vor.u32 v23, v58;
	v24 =	vand.u32 $0x7FFF8, v29  }
0xa3: {  	v61 =	vadd.s32 $0x7800, v38;
	v31 =	vand.u32 $0x7FFF8, v31;
	[tilespmem:v18+s20+$0x0] =	vst.idx.add.f32.msk $0xffff, v34;
	v24 =	vor.u32 v39, v24  }
0xa4: {  	v31 =	vor.u32 v35, v31;
	v29 =	vadd.s32 $0x5000, v41;
	v37 =	vld.idx.msk [tilespmem:v44+s3+$0x0], $0xffff;
	v59 =	vmul.f32 v42, v16  }
0xa5: {  	v18 =	vadd.s32 $0x7800, v33;
	v29 =	vand.u32 $0xFFF8, v29;
	v32 =	vld.idx.msk [tilespmem:v55+s3+$0x0], $0xffff;
	v17 =	vmul.f32 v17, v14  }
0xa6: {  	v26 =	vadd.s32 $0x7800, v26;
	v18 =	vand.u32 $0x7FFF8, v18;
	v29 =	vor.u32 v21, v29;
	[tilespmem:v20+s20+$0x0] =	vst.idx.add.f32.msk $0xffff, v59  }
0xa7: {  	v26 =	vand.u32 $0x7FFF8, v26;
	v60 =	vand.u32 $0xFFF8, v56;
	v18 =	vor.u32 v43, v18;
	[tilespmem:v36+s20+$0x0] =	vst.idx.add.f32.msk $0xffff, v17  }
0xa8: {  	v26 =	vor.u32 v45, v26;
	v5 =	vmul.f32 v25, v5;
	v20 =	vor.u32 v27, v60;
	v24 =	vld.idx.msk [tilespmem:v24+s3+$0x0], $0xffff  }
0xa9: {  	v22 =	vadd.s32 $0x7800, v22;
	v33 =	vand.u32 $0xFFF8, v61;
	v17 =	vmul.f32 v37, v13;
	v31 =	vld.idx.msk [tilespmem:v31+s3+$0x0], $0xffff  }
0xaa: {  	v22 =	vand.u32 $0xFFF8, v22;
	[tilespmem:v6+s20+$0x0] =	vst.idx.add.f32.msk $0xffff, v5;
	v19 =	vor.u32 v19, v33  }
0xab: {  	v22 =	vor.u32 v23, v22;
	v32 =	vmul.f32 v32, v12;
	[tilespmem:v29+s20+$0x0] =	vst.idx.add.f32.msk $0xffff, v17  }
0xac: {  	v17 =	vadd.s32 $0x7800, v41;
	v18 =	vld.idx.msk [tilespmem:v18+s3+$0x0], $0xffff  }
0xad: {  	v17 =	vand.u32 $0xFFF8, v17;
	[tilespmem:v20+s20+$0x0] =	vst.idx.add.f32.msk $0xffff, v32;
	v16 =	vmul.f32 v24, v16  }
0xae: {  	v17 =	vor.u32 v21, v17;
	v21 =	vld.idx.msk [tilespmem:v26+s3+$0x0], $0xffff;
	v14 =	vmul.f32 v31, v14  }
0xaf: {  	v20 =	vadd.s32 $0x7800, v30;
	[tilespmem:v19+s20+$0x0] =	vst.idx.add.f32.msk $0xffff, v16  }
0xb0: {  	v7 =	vadd.s32 $0x7800, v7;
	v23 =	vadd.s32 $0x5000, v9;
	v20 =	vand.u32 $0xFFF8, v20;
	[tilespmem:v22+s20+$0x0] =	vst.idx.add.f32.msk $0xffff, v14  }
0xb1: {  	v7 =	vand.u32 $0x7FFF8, v7;
	v16 =	vand.u32 $0xFFF8, v23;
	v19 =	vor.u32 v27, v20;
	v23 =	vld [tilespmem:s29+$0xFFFFF380]  }
0xb2: {  	v14 =	vor.u32 v8, v7;
	v7 =	vadd.s32 $0x7800, v9;
	v13 =	vmul.f32 v18, v13;
	v9 =	vld [tilespmem:s29+$0xFFFFF340]  }
0xb3: {  	v10 =	vmul.f32 v28, v3;
	v16 =	vor.u32 v11, v16;
	v3 =	vld [tilespmem:s29+$0xFFFFFFC0]  }
0xb4: {  	v8 =	vadd.s32 $0x7800, v2;
	v2 =	vand.u32 $0xFFF8, v7;
	v7 =	vmul.f32 v21, v12;
	[tilespmem:v17+s20+$0x0] =	vst.idx.add.f32.msk $0xffff, v13  }
0xb5: {  	v8 =	vand.u32 $0xFFF8, v8;
	v2 =	vor.u32 v11, v2;
	v13 =	vld [tilespmem:s29+$0xFFFFF360]  }
0xb6: {  	v12 =	vor.u32 v4, v8;
	v4 =	vmul.f32 v15, v1;
	[tilespmem:v19+s20+$0x0] =	vst.idx.add.f32.msk $0xffff, v7;
	v26 =	vshrl.u32 v23, $0xE  }
0xb7: {  	v21 =	vld [tilespmem:s29+$0xFFFFF320];
	v24 =	vshrl.u32 v9, $0xE;
	v11 =	vand.u32 $0x3FFF, v9;
	v8 =	vand.u32 $0x7, v9  }
0xb8: {  	[tilespmem:v16+s20+$0x0] =	vst.idx.add.f32.msk $0xffff, v4;
	v19 =	vand.u32 $0x3FFF, v23;
	v16 =	vand.u32 $0x7, v24;
	v4 =	vadd.s32 $0x2800, v24  }
0xb9: {  	v7 =	vld [tilespmem:s29+$0xFFFFFFA0];
	v22 =	vadd.s32 $0x2800, v11;
	v18 =	vadd.s32 $0x2800, v26;
	v34 =	vand.u32 $0x7, v26  }
0xba: {  	v9 =	vld [tilespmem:s29+$0x0];
	v50 =	vadd.s32 $0x5000, v24;
	v60 =	vadd.s32 $0x5000, v11;
	v25 =	vshrl.u32 v13, $0xE  }
0xbb: {  	v4 =	vand.u32 $0x7FFF8, v4;
	v43 =	vand.u32 $0x7FFF8, v18;
	v22 =	vand.u32 $0x7FF8, v22;
	v28 =	vld.idx.msk [tilespmem:v26+s3+$0x0], $0xffff  }
0xbc: {  	v56 =	vand.u32 $0x7FFF8, v50;
	v6 =	vand.u32 $0xFFF8, v60;
	v29 =	vshrl.u32 v21, $0xE;
	v63 =	vld.idx.msk [tilespmem:v24+s3+$0x0], $0xffff  }
0xbd: {  	v18 =	vld.idx.msk [tilespmem:v14+s3+$0x0], $0xffff;
	v15 =	vand.u32 $0x3FFF, v13;
	v27 =	vor.u32 v16, v4;
	v4 =	vadd.s32 $0x2800, v25  }
0xbe: {  	v44 =	vor.u32 v34, v43;
	v58 =	vor.u32 v16, v56;
	v30 =	vand.u32 $0x7FFF8, v4;
	v4 =	vld [tilespmem:s29+$0xFFFFFFE0]  }
0xbf: {  	v20 =	vand.u32 $0x7, v25;
	v47 =	vadd.s32 $0x2800, v15;
	v51 =	vadd.s32 $0x5000, v25;
	v45 =	vld.idx.msk [tilespmem:v25+s3+$0x0], $0xffff  }
0xc0: {  	[tilespmem:v12+s20+$0x0] =	vst.idx.add.f32.msk $0xffff, v10;
	v61 =	vadd.s32 $0x5000, v15;
	v17 =	vand.u32 $0x3FFF, v21;
	v28 =	vmul.f32 v28, v9  }
0xc1: {  	v37 =	vand.u32 $0x7FF8, v47;
	v12 =	vand.u32 $0x7, v21;
	v48 =	vld.idx.msk [tilespmem:v29+s3+$0x0], $0xffff;
	v10 =	vmul.f32 v63, v3  }
0xc2: {  	v21 =	vand.u32 $0x7, v13;
	v33 =	vand.u32 $0x7FFF8, v51;
	v62 =	vadd.s32 $0x2800, v29;
	[tilespmem:v19+s20+$0x0] =	vst.idx.add.f32.msk $0xffff, v28  }
0xc3: {  	v31 =	vand.u32 $0x7, v29;
	v30 =	vor.u32 v20, v30;
	v14 =	vand.u32 $0x7FFF8, v62;
	[tilespmem:v11+s20+$0x0] =	vst.idx.add.f32.msk $0xffff, v10  }
0xc4: {  	v28 =	vor.u32 v8, v22;
	v22 =	vadd.s32 $0x2800, v19;
	v13 =	vld.idx.msk [tilespmem:v44+s3+$0x0], $0xffff;
	v10 =	vmul.f32 v45, v4  }
0xc5: {  	v14 =	vor.u32 v31, v14;
	v27 =	vld.idx.msk [tilespmem:v27+s3+$0x0], $0xffff;
	v53 =	vand.u32 $0x7FF8, v22;
	v22 =	vand.u32 $0x7, v23  }
0xc6: {  	v46 =	vadd.s32 $0x2800, v17;
	v23 =	vadd.s32 $0x5000, v26;
	[tilespmem:v15+s20+$0x0] =	vst.idx.add.f32.msk $0xffff, v10;
	v10 =	vor.u32 v22, v53  }
0xc7: {  	v49 =	vadd.s32 $0x5000, v29;
	v23 =	vand.u32 $0x7FFF8, v23;
	v54 =	vmul.f32 v48, v7  }
0xc8: {  	v52 =	vor.u32 v21, v37;
	v59 =	vadd.s32 $0x5000, v17;
	v57 =	vor.u32 v34, v23;
	v30 =	vld.idx.msk [tilespmem:v30+s3+$0x0], $0xffff  }
0xc9: {  	v33 =	vor.u32 v20, v33;
	v36 =	vand.u32 $0x7FF8, v46;
	[tilespmem:v17+s20+$0x0] =	vst.idx.add.f32.msk $0xffff, v54;
	v13 =	vmul.f32 v13, v9  }
0xca: {  	v55 =	vand.u32 $0x7FFF8, v49;
	v37 =	vand.u32 $0xFFF8, v59;
	v14 =	vld.idx.msk [tilespmem:v14+s3+$0x0], $0xffff;
	v5 =	vmul.f32 v27, v3  }
0xcb: {  	v62 =	vand.u32 $0xFFF8, v61;
	v36 =	vor.u32 v12, v36;
	v63 =	vadd.s32 $0x7800, v25;
	[tilespmem:v10+s20+$0x0] =	vst.idx.add.f32.msk $0xffff, v13  }
0xcc: {  	v26 =	vadd.s32 $0x7800, v26;
	v23 =	vor.u32 v31, v55;
	v27 =	vadd.s32 $0x7800, v29;
	[tilespmem:v28+s20+$0x0] =	vst.idx.add.f32.msk $0xffff, v5  }
0xcd: {  	v29 =	vadd.s32 $0x7800, v24;
	v28 =	vadd.s32 $0x5000, v19;
	v13 =	vld.idx.msk [tilespmem:v57+s3+$0x0], $0xffff;
	v25 =	vmul.f32 v30, v4  }
0xce: {  	v24 =	vor.u32 v8, v6;
	v10 =	vor.u32 v12, v37;
	v5 =	vld.idx.msk [tilespmem:v58+s3+$0x0], $0xffff;
	v6 =	vand.u32 $0xFFF8, v28  }
0xcf: {  	v30 =	vmul.f32 v14, v7;
	[tilespmem:v52+s20+$0x0] =	vst.idx.add.f32.msk $0xffff, v25;
	v14 =	vor.u32 v22, v6;
	v6 =	vand.u32 $0x7FFF8, v26  }
0xd0: {  	v25 =	vand.u32 $0x7FFF8, v27;
	v26 =	vor.u32 v21, v62;
	v27 =	vld.idx.msk [tilespmem:v33+s3+$0x0], $0xffff;
	v28 =	vor.u32 v34, v6  }
0xd1: {  	s30 =	simm.s32 $0x14DF0;
	s29 =	simm.s32 $0x8;
	v6 =	vor.u32 v31, v25;
	v25 =	vand.u32 $0x7FFF8, v29;
	v29 =	vand.u32 $0x7FFF8, v63;
	[tilespmem:v36+s20+$0x0] =	vst.idx.add.f32.msk $0xffff, v30  }
.LBB2_5:
0xd2: {  	v30 =	vld [tilespmem:s30+$0xFFFFF370];
	s29 =	sadd.s32 $0x8, s29;
	v25 =	vor.u32 v16, v25;
	v16 =	vor.u32 v20, v29;
	v13 =	vmul.f32 v13, v9  }
0xd3: {  	v17 =	vadd.s32 $0x7800, v17;
	v11 =	vadd.s32 $0x7800, v11;
	v15 =	vadd.s32 $0x7800, v15;
	v20 =	vld [tilespmem:s30+$0xFFFFF330];
	p0 =	slt.u32 s29, $0xC0  }
0xd4: {  	v17 =	vand.u32 $0xFFF8, v17;
	v29 =	vmul.f32 v5, v3;
	[tilespmem:v14+s20+$0x0] =	vst.idx.add.f32.msk $0xffff, v13;
	v13 =	vmul.f32 v18, v1  }
0xd5: {  	v5 =	vand.u32 $0xFFF8, v11;
	v11 =	vand.u32 $0xFFF8, v15;
	v14 =	vor.u32 v12, v17;
	v1 =	vmovc v7;
	v28 =	vld.idx.msk [tilespmem:v28+s3+$0x0], $0xffff  }
0xd6: {  	v12 =	vor.u32 v8, v5;
	v7 =	vadd.s32 $0x7800, v19;
	v27 =	vmul.f32 v27, v4;
	v31 =	vld [tilespmem:s30+$0xFFFFF350]  }
0xd7: {  	v5 =	vor.u32 v21, v11;
	v8 =	vand.u32 $0xFFF8, v7;
	v32 =	vld [tilespmem:s30+$0xFFFFF310];
	v33 =	vshrl.u32 v30, $0xE  }
0xd8: {  	v22 =	vor.u32 v22, v8;
	v7 =	vld [tilespmem:s30+$0xFFFFFF90];
	v21 =	vshrl.u32 v20, $0xE;
	v17 =	vand.u32 $0x3FFF, v20  }
0xd9: {  	v8 =	vld [tilespmem:s30+$0xFFFFFFB0];
	v18 =	vand.u32 $0x7, v21;
	v11 =	vadd.s32 $0x2800, v21;
	v15 =	vadd.s32 $0x2800, v17  }
0xda: {  	v36 =	vadd.s32 $0x5000, v21;
	v34 =	vand.u32 $0x7FFF8, v11;
	v35 =	vand.u32 $0x7FF8, v15;
	v11 =	vld [tilespmem:s30+$0xFFFFFFD0]  }
0xdb: {  	v9 =	vmul.f32 v28, v9;
	v37 =	vshrl.u32 v31, $0xE;
	v19 =	vand.u32 $0x3FFF, v31;
	v15 =	vld [tilespmem:s30+$0xFFFFFFF0]  }
0xdc: {  	v28 =	vshrl.u32 v32, $0xE;
	v38 =	vand.u32 $0x7, v37;
	v39 =	vadd.s32 $0x2800, v37;
	v40 =	vld.idx.msk [tilespmem:v33+s3+$0x0], $0xffff  }
0xdd: {  	v41 =	vand.u32 $0x7, v28;
	v42 =	vadd.s32 $0x2800, v28;
	v39 =	vand.u32 $0x7FFF8, v39;
	[tilespmem:v22+s20+$0x0] =	vst.idx.add.f32.msk $0xffff, v9  }
0xde: {  	v43 =	vadd.s32 $0x2800, v33;
	v9 =	vand.u32 $0x3FFF, v32;
	v22 =	vand.u32 $0x7FFF8, v42;
	v42 =	vld.idx.msk [tilespmem:v21+s3+$0x0], $0xffff  }
0xdf: {  	v44 =	vand.u32 $0x3FFF, v30;
	v45 =	vand.u32 $0x7, v33;
	v43 =	vand.u32 $0x7FFF8, v43;
	v23 =	vld.idx.msk [tilespmem:v23+s3+$0x0], $0xffff  }
0xe0: {  	v43 =	vor.u32 v45, v43;
	v34 =	vor.u32 v18, v34;
	v22 =	vor.u32 v41, v22;
	v46 =	vld.idx.msk [tilespmem:v37+s3+$0x0], $0xffff  }
0xe1: {  	v49 =	vadd.s32 $0x2800, v19;
	v48 =	vadd.s32 $0x2800, v9;
	v39 =	vor.u32 v38, v39;
	v47 =	vld.idx.msk [tilespmem:v28+s3+$0x0], $0xffff  }
0xe2: {  	v49 =	vand.u32 $0x7FF8, v49;
	v48 =	vand.u32 $0x7FF8, v48;
	v40 =	vmul.f32 v40, v15;
	[tilespmem:v24+s20+$0x0] =	vst.idx.add.f32.msk $0xffff, v29  }
0xe3: {  	v24 =	vand.u32 $0x7, v32;
	v29 =	vadd.s32 $0x5000, v28;
	v32 =	vadd.s32 $0x5000, v37;
	[tilespmem:v26+s20+$0x0] =	vst.idx.add.f32.msk $0xffff, v27  }
0xe4: {  	v20 =	vand.u32 $0x7, v20;
	v26 =	vmul.f32 v42, v8;
	v27 =	vand.u32 $0x7, v31;
	[tilespmem:v44+s20+$0x0] =	vst.idx.add.f32.msk $0xffff, v40  }
0xe5: {  	v35 =	vor.u32 v20, v35;
	v31 =	vor.u32 v24, v48;
	v40 =	vor.u32 v27, v49;
	v42 =	vld.idx.msk [tilespmem:v43+s3+$0x0], $0xffff  }
0xe6: {  	v29 =	vand.u32 $0x7FFF8, v29;
	v43 =	vadd.s32 $0x2800, v44;
	[tilespmem:v17+s20+$0x0] =	vst.idx.add.f32.msk $0xffff, v26;
	v26 =	vmul.f32 v46, v11  }
0xe7: {  	v30 =	vand.u32 $0x7, v30;
	v43 =	vand.u32 $0x7FF8, v43;
	v46 =	vadd.s32 $0x5000, v33;
	v34 =	vld.idx.msk [tilespmem:v34+s3+$0x0], $0xffff  }
0xe8: {  	v47 =	vmul.f32 v47, v7;
	[tilespmem:v19+s20+$0x0] =	vst.idx.add.f32.msk $0xffff, v26;
	v26 =	vor.u32 v30, v43;
	v43 =	vand.u32 $0x7FFF8, v46  }
0xe9: {  	v36 =	vand.u32 $0x7FFF8, v36;
	v32 =	vand.u32 $0x7FFF8, v32;
	v39 =	vld.idx.msk [tilespmem:v39+s3+$0x0], $0xffff;
	v43 =	vor.u32 v45, v43  }
0xea: {  	v36 =	vor.u32 v18, v36;
	v29 =	vor.u32 v41, v29;
	v46 =	vadd.s32 $0x5000, v9;
	[tilespmem:v9+s20+$0x0] =	vst.idx.add.f32.msk $0xffff, v47  }
0xeb: {  	v32 =	vor.u32 v38, v32;
	v47 =	vadd.s32 $0x5000, v17;
	v42 =	vmul.f32 v42, v15;
	v22 =	vld.idx.msk [tilespmem:v22+s3+$0x0], $0xffff  }
0xec: {  	v48 =	vadd.s32 $0x5000, v19;
	v46 =	vand.u32 $0xFFF8, v46;
	v47 =	vand.u32 $0xFFF8, v47;
	v25 =	vld.idx.msk [tilespmem:v25+s3+$0x0], $0xffff  }
0xed: {  	v28 =	vadd.s32 $0x7800, v28;
	v48 =	vand.u32 $0xFFF8, v48;
	v34 =	vmul.f32 v34, v8;
	[tilespmem:v26+s20+$0x0] =	vst.idx.add.f32.msk $0xffff, v42  }
0xee: {  	v21 =	vadd.s32 $0x7800, v21;
	v37 =	vadd.s32 $0x7800, v37;
	v26 =	vor.u32 v24, v46;
	v42 =	vld.idx.msk [tilespmem:v43+s3+$0x0], $0xffff  }
0xef: {  	[tilespmem:v35+s20+$0x0] =	vst.idx.add.f32.msk $0xffff, v34;
	v34 =	vor.u32 v20, v47;
	v35 =	vmul.f32 v39, v11;
	v39 =	vadd.s32 $0x5000, v44  }
0xf0: {  	v33 =	vadd.s32 $0x7800, v33;
	v43 =	vor.u32 v27, v48;
	v36 =	vld.idx.msk [tilespmem:v36+s3+$0x0], $0xffff;
	v39 =	vand.u32 $0xFFF8, v39  }
0xf1: {  	v33 =	vand.u32 $0x7FFF8, v33;
	v22 =	vmul.f32 v22, v7;
	[tilespmem:v40+s20+$0x0] =	vst.idx.add.f32.msk $0xffff, v35;
	v35 =	vor.u32 v30, v39  }
0xf2: {  	v21 =	vand.u32 $0x7FFF8, v21;
	v28 =	vand.u32 $0x7FFF8, v28;
	v33 =	vor.u32 v45, v33;
	v32 =	vld.idx.msk [tilespmem:v32+s3+$0x0], $0xffff  }
0xf3: {  	v18 =	vor.u32 v18, v21;
	v21 =	vand.u32 $0x7FFF8, v37;
	[tilespmem:v31+s20+$0x0] =	vst.idx.add.f32.msk $0xffff, v22;
	v22 =	vor.u32 v41, v28  }
0xf4: {  	v21 =	vor.u32 v38, v21;
	v9 =	vadd.s32 $0x7800, v9;
	v28 =	vld.idx.msk [tilespmem:v29+s3+$0x0], $0xffff;
	v29 =	vmul.f32 v42, v15  }
0xf5: {  	v19 =	vadd.s32 $0x7800, v19;
	v17 =	vadd.s32 $0x7800, v17;
	v9 =	vand.u32 $0xFFF8, v9;
	v16 =	vld.idx.msk [tilespmem:v16+s3+$0x0], $0xffff  }
0xf6: {  	v19 =	vand.u32 $0xFFF8, v19;
	v17 =	vand.u32 $0xFFF8, v17;
	v31 =	vmul.f32 v36, v8;
	[tilespmem:v35+s20+$0x0] =	vst.idx.add.f32.msk $0xffff, v29  }
0xf7: {  	v19 =	vor.u32 v27, v19;
	v9 =	vor.u32 v24, v9;
	v17 =	vor.u32 v20, v17;
	v20 =	vld.idx.msk [tilespmem:v33+s3+$0x0], $0xffff  }
0xf8: {  	v23 =	vmul.f32 v23, v1;
	v27 =	vadd.s32 $0x7800, v44;
	v24 =	vmul.f32 v32, v11;
	[tilespmem:v34+s20+$0x0] =	vst.idx.add.f32.msk $0xffff, v31  }
0xf9: {  	v27 =	vand.u32 $0xFFF8, v27;
	v25 =	vmul.f32 v25, v3;
	v18 =	vld.idx.msk [tilespmem:v18+s3+$0x0], $0xffff  }
0xfa: {  	v3 =	vmul.f32 v28, v7;
	[tilespmem:v43+s20+$0x0] =	vst.idx.add.f32.msk $0xffff, v24;
	v24 =	vor.u32 v30, v27  }
0xfb: {  	v27 =	vmul.f32 v16, v4;
	v21 =	vld.idx.msk [tilespmem:v21+s3+$0x0], $0xffff  }
0xfc: {  	[tilespmem:v26+s20+$0x0] =	vst.idx.add.f32.msk $0xffff, v3  }
0xfd: {  	v4 =	vmul.f32 v20, v15;
	v3 =	vld.idx.msk [tilespmem:v22+s3+$0x0], $0xffff  }
0xfe: {  	[tilespmem:v10+s20+$0x0] =	vst.idx.add.f32.msk $0xffff, v23  }
0xff: {  	v8 =	vmul.f32 v18, v8;
	[tilespmem:v24+s20+$0x0] =	vst.idx.add.f32.msk $0xffff, v4  }
0x100: {  	v10 =	vld [tilespmem:s30+$0xFFFFF380]  }
0x101: {  	v4 =	vmul.f32 v21, v11;
	[tilespmem:v17+s20+$0x0] =	vst.idx.add.f32.msk $0xffff, v8  }
0x102: {  	v8 =	vld [tilespmem:s30+$0xFFFFF340]  }
0x103: {  	v3 =	vmul.f32 v3, v7;
	[tilespmem:v19+s20+$0x0] =	vst.idx.add.f32.msk $0xffff, v4  }
0x104: {  	v21 =	vld [tilespmem:s30+$0xFFFFF360]  }
0x105: {  	[tilespmem:v9+s20+$0x0] =	vst.idx.add.f32.msk $0xffff, v3;
	v26 =	vshrl.u32 v10, $0xE  }
0x106: {  	v22 =	vld [tilespmem:s30+$0xFFFFF320]  }
0x107: {  	v7 =	vld [tilespmem:s30+$0xFFFFFFA0];
	v24 =	vshrl.u32 v8, $0xE;
	v11 =	vand.u32 $0x3FFF, v8;
	v8 =	vand.u32 $0x7, v8  }
0x108: {  	v3 =	vld [tilespmem:s30+$0xFFFFFFC0];
	v16 =	vand.u32 $0x7, v24;
	v4 =	vadd.s32 $0x2800, v24;
	v23 =	vadd.s32 $0x2800, v11  }
0x109: {  	v9 =	vand.u32 $0x7FFF8, v4;
	v28 =	vshrl.u32 v21, $0xE;
	v15 =	vand.u32 $0x3FFF, v21;
	v4 =	vld [tilespmem:s30+$0xFFFFFFE0]  }
0x10a: {  	v29 =	vor.u32 v16, v9;
	v20 =	vand.u32 $0x7, v28;
	v9 =	vadd.s32 $0x2800, v28;
	v30 =	vld.idx.msk [tilespmem:v26+s3+$0x0], $0xffff  }
0x10b: {  	v31 =	vshrl.u32 v22, $0xE;
	v17 =	vand.u32 $0x3FFF, v22;
	v32 =	vand.u32 $0x7FFF8, v9;
	v9 =	vld [tilespmem:s30+$0x0]  }
0x10c: {  	v18 =	vadd.s32 $0x2800, v26;
	v33 =	vand.u32 $0x7, v31;
	v34 =	vadd.s32 $0x2800, v31;
	v35 =	vld.idx.msk [tilespmem:v24+s3+$0x0], $0xffff  }
0x10d: {  	v19 =	vand.u32 $0x3FFF, v10;
	v36 =	vand.u32 $0x7, v26;
	v37 =	vand.u32 $0x7FFF8, v18;
	v18 =	vld.idx.msk [tilespmem:v6+s3+$0x0], $0xffff  }
0x10e: {  	v37 =	vor.u32 v36, v37;
	v32 =	vor.u32 v20, v32;
	v6 =	vand.u32 $0x7FFF8, v34;
	v34 =	vld.idx.msk [tilespmem:v28+s3+$0x0], $0xffff  }
0x10f: {  	v39 =	vadd.s32 $0x2800, v15;
	v38 =	vadd.s32 $0x2800, v17;
	v6 =	vor.u32 v33, v6;
	[tilespmem:v2+s20+$0x0] =	vst.idx.add.f32.msk $0xffff, v13;
	v2 =	vmovc v14  }
0x110: {  	v23 =	vand.u32 $0x7FF8, v23;
	v14 =	vand.u32 $0x7FF8, v38;
	v13 =	vld.idx.msk [tilespmem:v31+s3+$0x0], $0xffff;
	v30 =	vmul.f32 v30, v9  }
0x111: {  	v40 =	vadd.s32 $0x5000, v24;
	v39 =	vand.u32 $0x7FF8, v39;
	v38 =	vadd.s32 $0x5000, v31;
	[tilespmem:v12+s20+$0x0] =	vst.idx.add.f32.msk $0xffff, v25  }
0x112: {  	v12 =	vand.u32 $0x7, v22;
	v22 =	vmul.f32 v35, v3;
	v25 =	vadd.s32 $0x5000, v28;
	[tilespmem:v19+s20+$0x0] =	vst.idx.add.f32.msk $0xffff, v30  }
0x113: {  	v21 =	vand.u32 $0x7, v21;
	v30 =	vor.u32 v12, v14;
	v14 =	vor.u32 v8, v23;
	v35 =	vld.idx.msk [tilespmem:v37+s3+$0x0], $0xffff  }
0x114: {  	v23 =	vmul.f32 v34, v4;
	v34 =	vor.u32 v21, v39;
	[tilespmem:v11+s20+$0x0] =	vst.idx.add.f32.msk $0xffff, v22;
	v22 =	vadd.s32 $0x2800, v19  }
0x115: {  	v29 =	vld.idx.msk [tilespmem:v29+s3+$0x0], $0xffff;
	v37 =	vand.u32 $0x7FF8, v22;
	v22 =	vand.u32 $0x7, v10;
	v10 =	vadd.s32 $0x5000, v26  }
0x116: {  	v13 =	vmul.f32 v13, v7;
	[tilespmem:v15+s20+$0x0] =	vst.idx.add.f32.msk $0xffff, v23;
	v37 =	vor.u32 v22, v37;
	v10 =	vand.u32 $0x7FFF8, v10  }
0x117: {  	v23 =	vand.u32 $0x7FFF8, v38;
	v38 =	vand.u32 $0x7FFF8, v40;
	v32 =	vld.idx.msk [tilespmem:v32+s3+$0x0], $0xffff;
	v10 =	vor.u32 v36, v10  }
0x118: {  	v23 =	vor.u32 v33, v23;
	v38 =	vor.u32 v16, v38;
	[tilespmem:v17+s20+$0x0] =	vst.idx.add.f32.msk $0xffff, v13;
	v13 =	vand.u32 $0x7FFF8, v25  }
0x119: {  	v25 =	vadd.s32 $0x5000, v17;
	v6 =	vld.idx.msk [tilespmem:v6+s3+$0x0], $0xffff;
	v39 =	vor.u32 v20, v13;
	v13 =	vmul.f32 v35, v9  }
0x11a: {  	v40 =	vadd.s32 $0x5000, v15;
	v25 =	vand.u32 $0xFFF8, v25;
	v35 =	vadd.s32 $0x5000, v11;
	[tilespmem:v5+s20+$0x0] =	vst.idx.add.f32.msk $0xffff, v27  }
0x11b: {  	v5 =	vmul.f32 v29, v3;
	v27 =	vand.u32 $0xFFF8, v35;
	v29 =	vand.u32 $0xFFF8, v40;
	[tilespmem:v37+s20+$0x0] =	vst.idx.add.f32.msk $0xffff, v13  }
0x11c: {  	v31 =	vadd.s32 $0x7800, v31;
	v35 =	vadd.s32 $0x7800, v24;
	v37 =	vadd.s32 $0x7800, v28;
	v13 =	vld.idx.msk [tilespmem:v10+s3+$0x0], $0xffff  }
.Ltmp1:
0x11d: {  	v10 =	vor.u32 v12, v25;
	v25 =	vadd.s32 $0x5000, v19;
	[tilespmem:v14+s20+$0x0] =	vst.idx.add.f32.msk $0xffff, v5;
	v14 =	vmul.f32 v32, v4;
	(pc) =	sbr.rel @p0 .LBB2_5-.Ltmp1, $4  }
0x11e: {  	v26 =	vadd.s32 $0x7800, v26;
	v24 =	vor.u32 v8, v27;
	v25 =	vand.u32 $0xFFF8, v25;
	v5 =	vld.idx.msk [tilespmem:v38+s3+$0x0], $0xffff  }
0x11f: {  	v6 =	vmul.f32 v6, v7;
	[tilespmem:v34+s20+$0x0] =	vst.idx.add.f32.msk $0xffff, v14;
	v14 =	vor.u32 v22, v25;
	v25 =	vand.u32 $0x7FFF8, v26  }
0x120: {  	v31 =	vand.u32 $0x7FFF8, v31;
	v26 =	vor.u32 v21, v29;
	v27 =	vld.idx.msk [tilespmem:v39+s3+$0x0], $0xffff;
	v28 =	vor.u32 v36, v25  }
0x121: {  	s30 =	sadd.s32 $0x80, s30;
	v29 =	vand.u32 $0x7FFF8, v37;
	v25 =	vand.u32 $0x7FFF8, v35;
	[tilespmem:v30+s20+$0x0] =	vst.idx.add.f32.msk $0xffff, v6;
	v6 =	vor.u32 v33, v31  }
0x122: {  	_ =	sdelay $0x2  }
0x123: {  	v13 =	vmul.f32 v13, v9  }
0x124: {  	v16 =	vor.u32 v16, v25;
	v23 =	vld.idx.msk [tilespmem:v23+s3+$0x0], $0xffff  }
0x125: {  	v20 =	vor.u32 v20, v29;
	v5 =	vmul.f32 v5, v3;
	[tilespmem:v14+s20+$0x0] =	vst.idx.add.f32.msk $0xffff, v13  }
0x126: {  	v13 =	vld.idx.msk [tilespmem:v28+s3+$0x0], $0xffff;
	v14 =	vmul.f32 v27, v4  }
0x127: {  	[tilespmem:v24+s20+$0x0] =	vst.idx.add.f32.msk $0xffff, v5  }
0x128: {  	[tilespmem:v26+s20+$0x0] =	vst.idx.add.f32.msk $0xffff, v14  }
0x129: {  	v5 =	vadd.s32 $0x7800, v19;
	v14 =	vld.idx.msk [tilespmem:v16+s3+$0x0], $0xffff;
	v16 =	vmul.f32 v23, v7  }
0x12a: {  	v11 =	vadd.s32 $0x7800, v11;
	v5 =	vand.u32 $0xFFF8, v5;
	v19 =	vld.idx.msk [tilespmem:v20+s3+$0x0], $0xffff  }
0x12b: {  	v15 =	vadd.s32 $0x7800, v15;
	v11 =	vand.u32 $0xFFF8, v11;
	v5 =	vor.u32 v22, v5;
	[tilespmem:v10+s20+$0x0] =	vst.idx.add.f32.msk $0xffff, v16  }
0x12c: {  	v15 =	vand.u32 $0xFFF8, v15;
	v8 =	vor.u32 v8, v11;
	v10 =	vadd.s32 $0x7800, v17;
	v6 =	vld.idx.msk [tilespmem:v6+s3+$0x0], $0xffff  }
0x12d: {  	v1 =	vmul.f32 v18, v1;
	v11 =	vor.u32 v21, v15;
	v10 =	vand.u32 $0xFFF8, v10  }
0x12e: {  	v9 =	vmul.f32 v13, v9;
	v10 =	vor.u32 v12, v10  }
0x12f: {  	[tilespmem:v2+s20+$0x0] =	vst.idx.add.f32.msk $0xffff, v1;
	v3 =	vmul.f32 v14, v3  }
0x130: {  	[tilespmem:v5+s20+$0x0] =	vst.idx.add.f32.msk $0xffff, v9;
	v4 =	vmul.f32 v19, v4  }
0x131: {  	[tilespmem:v8+s20+$0x0] =	vst.idx.add.f32.msk $0xffff, v3;
	v1 =	vmul.f32 v6, v7  }
0x132: {  	[tilespmem:v11+s20+$0x0] =	vst.idx.add.f32.msk $0xffff, v4  }
0x133: {  	p0 =	seq.s32 s26, $0x31;
	[tilespmem:v10+s20+$0x0] =	vst.idx.add.f32.msk $0xffff, v1  }
0x134: {  	s28 =	sshrl.u32 @!p0 s28, $0x3;
	_ =	swait.ge [sflag:s21], $0x1900  }
0x135: {  	s29 =	simm.s32 @!p0 $0x0;
	s28 =	sadd.s32 @!p0 s2, s28;
	[sflag:s21] =	ssyncset.done $0x0  }
0x136: {  	s30 =	simm.s32 @!p0 $0x14000;
	s28 =	sadd.s32 @!p0 $0x640, s28;
	[sflag:s21] =	ssyncadd.s32 $0xFFFFE700  }
0x137: {  	[tilespmem:s30], [sflag:$0x1] =	stream.linear.gather @!p0 [hbm4b:s28+s29], $0x1900, $0x38;
	[tilespmem:$0x17200] =	vst v63  }
0x138: {  	s28 =	simm.s32 $0x165F0  }
0x139: {  	v1 =	vld [tilespmem:s28+$0xFFFFF370]  }
0x13a: {  	v2 =	vld [tilespmem:s28+$0xFFFFF330];
	_ =	sdelay $0x2  }
0x13b: {  	v3 =	vld [tilespmem:s28+$0xFFFFF350]  }
0x13c: {  	v4 =	vld [tilespmem:s28+$0xFFFFF310];
	v5 =	vshrl.u32 v1, $0xE  }
0x13d: {  	v6 =	vshrl.u32 v2, $0xE;
	_ =	sdelay $0x1  }
0x13e: {  	v10 =	vld [tilespmem:s28+$0xFFFFFFB0]  }
0x13f: {  	v15 =	vld [tilespmem:s28+$0xFFFFFFF0];
	v7 =	vand.u32 $0x3FFF, v2;
	v12 =	vshrl.u32 v3, $0xE;
	v14 =	vand.u32 $0x3FFF, v3  }
0x140: {  	v16 =	vshrl.u32 v4, $0xE;
	v25 =	vand.u32 $0x3FFF, v1;
	v28 =	vand.u32 $0x3FFF, v4;
	v19 =	vld.idx.msk [tilespmem:v5+s3+$0x0], $0xffff  }
0x141: {  	v4 =	vand.u32 $0x7, v4;
	v1 =	vand.u32 $0x7, v1;
	v2 =	vand.u32 $0x7, v2;
	v24 =	vld.idx.msk [tilespmem:v6+s3+$0x0], $0xffff  }
0x142: {  	v20 =	vld [tilespmem:s28+$0xFFFFFFD0];
	v3 =	vand.u32 $0x7, v3;
	v8 =	vand.u32 $0x7, v6;
	v23 =	vadd.s32 $0x2800, v5  }
0x143: {  	v29 =	vld [tilespmem:s28+$0xFFFFFF90];
	v9 =	vadd.s32 $0x2800, v6;
	v26 =	vand.u32 $0x7, v5;
	v23 =	vand.u32 $0x7FFF8, v23  }
0x144: {  	v11 =	vadd.s32 $0x2800, v7;
	v9 =	vand.u32 $0x7FFF8, v9;
	v23 =	vor.u32 v26, v23;
	v27 =	vld.idx.msk [tilespmem:v12+s3+$0x0], $0xffff  }
0x145: {  	v13 =	vadd.s32 $0x5000, v6;
	v9 =	vor.u32 v8, v9;
	v32 =	vld.idx.msk [tilespmem:v16+s3+$0x0], $0xffff;
	v19 =	vmul.f32 v19, v15  }
0x146: {  	v17 =	vand.u32 $0x7, v12;
	v18 =	vadd.s32 $0x2800, v12;
	v24 =	vmul.f32 v24, v10  }
0x147: {  	v21 =	vand.u32 $0x7, v16;
	v22 =	vadd.s32 $0x2800, v16;
	v18 =	vand.u32 $0x7FFF8, v18;
	[tilespmem:v25+s20+$0x0] =	vst.idx.add.f32.msk $0xffff, v19  }
0x148: {  	v30 =	vadd.s32 $0x2800, v28;
	v22 =	vand.u32 $0x7FFF8, v22;
	v18 =	vor.u32 v17, v18;
	[tilespmem:v7+s20+$0x0] =	vst.idx.add.f32.msk $0xffff, v24  }
0x149: {  	v34 =	vadd.s32 $0x2800, v25;
	v22 =	vor.u32 v21, v22;
	v27 =	vmul.f32 v27, v20;
	v23 =	vld.idx.msk [tilespmem:v23+s3+$0x0], $0xffff  }
0x14a: {  	v31 =	vadd.s32 $0x2800, v14;
	v32 =	vmul.f32 v32, v29;
	v24 =	vand.u32 $0x7FF8, v34;
	v9 =	vld.idx.msk [tilespmem:v9+s3+$0x0], $0xffff  }
0x14b: {  	v50 =	vadd.s32 $0x5000, v5;
	v11 =	vand.u32 $0x7FF8, v11;
	[tilespmem:v14+s20+$0x0] =	vst.idx.add.f32.msk $0xffff, v27;
	v24 =	vor.u32 v1, v24  }
0x14c: {  	v33 =	vadd.s32 $0x5000, v16;
	v11 =	vor.u32 v2, v11;
	v34 =	vand.u32 $0x7FFF8, v50;
	[tilespmem:v28+s20+$0x0] =	vst.idx.add.f32.msk $0xffff, v32  }
0x14d: {  	v52 =	vadd.s32 $0x5000, v7;
	v13 =	vand.u32 $0x7FFF8, v13;
	v27 =	vor.u32 v26, v34;
	v18 =	vld.idx.msk [tilespmem:v18+s3+$0x0], $0xffff  }
0x14e: {  	v53 =	vadd.s32 $0x5000, v25;
	v13 =	vor.u32 v8, v13;
	v22 =	vld.idx.msk [tilespmem:v22+s3+$0x0], $0xffff;
	v23 =	vmul.f32 v23, v15  }
0x14f: {  	v30 =	vand.u32 $0x7FF8, v30;
	v31 =	vand.u32 $0x7FF8, v31;
	v9 =	vmul.f32 v9, v10  }
0x150: {  	v33 =	vand.u32 $0x7FFF8, v33;
	v31 =	vor.u32 v3, v31;
	v19 =	vadd.s32 $0x5000, v12;
	[tilespmem:v24+s20+$0x0] =	vst.idx.add.f32.msk $0xffff, v23  }
0x151: {  	v30 =	vor.u32 v4, v30;
	v51 =	vor.u32 v21, v33;
	v19 =	vand.u32 $0x7FFF8, v19;
	[tilespmem:v11+s20+$0x0] =	vst.idx.add.f32.msk $0xffff, v9  }
0x152: {  	v5 =	vadd.s32 $0x7800, v5;
	v6 =	vadd.s32 $0x7800, v6;
	v19 =	vor.u32 v17, v19;
	v27 =	vld.idx.msk [tilespmem:v27+s3+$0x0], $0xffff  }
0x153: {  	v22 =	vmul.f32 v22, v29;
	v9 =	vmul.f32 v18, v20;
	v11 =	vand.u32 $0xFFF8, v53;
	v13 =	vld.idx.msk [tilespmem:v13+s3+$0x0], $0xffff  }
0x154: {  	v24 =	vand.u32 $0xFFF8, v52;
	v18 =	vadd.s32 $0x5000, v14;
	v11 =	vor.u32 v1, v11  }
0x155: {  	v5 =	vand.u32 $0x7FFF8, v5;
	[tilespmem:v31+s20+$0x0] =	vst.idx.add.f32.msk $0xffff, v9;
	v9 =	vand.u32 $0xFFF8, v18;
	v18 =	vor.u32 v2, v24  }
0x156: {  	v6 =	vand.u32 $0x7FFF8, v6;
	v5 =	vor.u32 v26, v5;
	[tilespmem:v30+s20+$0x0] =	vst.idx.add.f32.msk $0xffff, v22  }
0x157: {  	v6 =	vor.u32 v8, v6;
	v23 =	vadd.s32 $0x5000, v28;
	v19 =	vld.idx.msk [tilespmem:v19+s3+$0x0], $0xffff;
	v8 =	vmul.f32 v27, v15  }
0x158: {  	v12 =	vadd.s32 $0x7800, v12;
	v22 =	vand.u32 $0xFFF8, v23;
	v23 =	vld.idx.msk [tilespmem:v51+s3+$0x0], $0xffff;
	v13 =	vmul.f32 v13, v10  }
0x159: {  	v12 =	vand.u32 $0x7FFF8, v12;
	v9 =	vor.u32 v3, v9;
	[tilespmem:v11+s20+$0x0] =	vst.idx.add.f32.msk $0xffff, v8  }
0x15a: {  	v16 =	vadd.s32 $0x7800, v16;
	v7 =	vadd.s32 $0x7800, v7;
	v12 =	vor.u32 v17, v12;
	[tilespmem:v18+s20+$0x0] =	vst.idx.add.f32.msk $0xffff, v13  }
0x15b: {  	v8 =	vor.u32 v4, v22;
	v11 =	vand.u32 $0x7FFF8, v16;
	v16 =	vadd.s32 $0x7800, v25;
	v5 =	vld.idx.msk [tilespmem:v5+s3+$0x0], $0xffff  }
0x15c: {  	v13 =	vmul.f32 v19, v20;
	v11 =	vor.u32 v21, v11;
	v16 =	vand.u32 $0xFFF8, v16;
	v6 =	vld.idx.msk [tilespmem:v6+s3+$0x0], $0xffff  }
0x15d: {  	v7 =	vand.u32 $0xFFF8, v7;
	v1 =	vor.u32 v1, v16  }
0x15e: {  	v2 =	vor.u32 v2, v7;
	v16 =	vmul.f32 v23, v29;
	[tilespmem:v9+s20+$0x0] =	vst.idx.add.f32.msk $0xffff, v13  }
0x15f: {  	v7 =	vld.idx.msk [tilespmem:v12+s3+$0x0], $0xffff  }
0x160: {  	v9 =	vadd.s32 $0x7800, v14;
	[tilespmem:v8+s20+$0x0] =	vst.idx.add.f32.msk $0xffff, v16;
	v5 =	vmul.f32 v5, v15  }
0x161: {  	v9 =	vand.u32 $0xFFF8, v9;
	v8 =	vld.idx.msk [tilespmem:v11+s3+$0x0], $0xffff;
	v6 =	vmul.f32 v6, v10  }
0x162: {  	v3 =	vor.u32 v3, v9;
	v9 =	vadd.s32 $0x7800, v28;
	[tilespmem:v1+s20+$0x0] =	vst.idx.add.f32.msk $0xffff, v5  }
0x163: {  	v1 =	vand.u32 $0xFFF8, v9;
	[tilespmem:v2+s20+$0x0] =	vst.idx.add.f32.msk $0xffff, v6  }
0x164: {  	v10 =	vld [tilespmem:s28+$0xFFFFF380];
	v1 =	vor.u32 v4, v1  }
0x165: {  	v2 =	vmul.f32 v7, v20;
	v4 =	vld [tilespmem:s28+$0xFFFFF340];
	_ =	sdelay $0x1  }
0x166: {  	[tilespmem:v3+s20+$0x0] =	vst.idx.add.f32.msk $0xffff, v2;
	v2 =	vmul.f32 v8, v29  }
0x167: {  	v11 =	vld [tilespmem:s28+$0xFFFFF360]  }
0x168: {  	v12 =	vshrl.u32 v10, $0xE;
	[tilespmem:v1+s20+$0x0] =	vst.idx.add.f32.msk $0xffff, v2  }
0x169: {  	v14 =	vshrl.u32 v4, $0xE;
	v13 =	vld [tilespmem:s28+$0xFFFFF320];
	_ =	sdelay $0x1  }
0x16a: {  	v18 =	vld [tilespmem:s28+$0x0]  }
0x16b: {  	v3 =	vld [tilespmem:s28+$0xFFFFFFC0];
	v15 =	vshrl.u32 v11, $0xE  }
0x16c: {  	v2 =	vand.u32 $0x3FFF, v4;
	v4 =	vand.u32 $0x7, v4;
	v9 =	vld.idx.msk [tilespmem:v12+s3+$0x0], $0xffff  }
0x16d: {  	v20 =	vand.u32 $0x3FFF, v10;
	v1 =	vadd.s32 $0x2800, v14;
	v19 =	vld.idx.msk [tilespmem:v14+s3+$0x0], $0xffff;
	v7 =	vshrl.u32 v13, $0xE  }
0x16e: {  	v16 =	vand.u32 $0x7, v14;
	v17 =	vadd.s32 $0x2800, v2;
	v8 =	vadd.s32 $0x2800, v12  }
0x16f: {  	v5 =	vld [tilespmem:s28+$0xFFFFFFE0];
	v21 =	vand.u32 $0x7, v12;
	v1 =	vand.u32 $0x7FFF8, v1;
	v8 =	vand.u32 $0x7FFF8, v8  }
0x170: {  	v22 =	vor.u32 v16, v1;
	v1 =	vadd.s32 $0x2800, v15;
	v24 =	vor.u32 v21, v8;
	v23 =	vld.idx.msk [tilespmem:v15+s3+$0x0], $0xffff  }
0x171: {  	v54 =	vadd.s32 $0x5000, v14;
	v26 =	vand.u32 $0x7FFF8, v1;
	v1 =	vld [tilespmem:s28+$0xFFFFFFA0];
	v28 =	vmul.f32 v9, v18  }
0x172: {  	v6 =	vand.u32 $0x3FFF, v11;
	v25 =	vand.u32 $0x7, v15;
	v19 =	vmul.f32 v19, v3;
	v29 =	vld.idx.msk [tilespmem:v7+s3+$0x0], $0xffff  }
0x173: {  	v17 =	vand.u32 $0x7FF8, v17;
	v26 =	vor.u32 v25, v26;
	v27 =	vadd.s32 $0x2800, v7;
	[tilespmem:v20+s20+$0x0] =	vst.idx.add.f32.msk $0xffff, v28  }
0x174: {  	v32 =	vand.u32 $0x7FFF8, v54;
	v8 =	vand.u32 $0x7, v7;
	v27 =	vand.u32 $0x7FFF8, v27;
	[tilespmem:v2+s20+$0x0] =	vst.idx.add.f32.msk $0xffff, v19  }
0x175: {  	v9 =	vand.u32 $0x3FFF, v13;
	v23 =	vmul.f32 v23, v5;
	v28 =	vadd.s32 $0x2800, v20;
	v24 =	vld.idx.msk [tilespmem:v24+s3+$0x0], $0xffff  }
0x176: {  	v27 =	vor.u32 v8, v27;
	v19 =	vand.u32 $0x7FF8, v28;
	v28 =	vand.u32 $0x7, v10;
	v22 =	vld.idx.msk [tilespmem:v22+s3+$0x0], $0xffff  }
0x177: {  	v31 =	vadd.s32 $0x2800, v6;
	v10 =	vadd.s32 $0x5000, v12;
	v19 =	vor.u32 v28, v19;
	[tilespmem:v6+s20+$0x0] =	vst.idx.add.f32.msk $0xffff, v23  }
0x178: {  	v17 =	vor.u32 v4, v17;
	v10 =	vand.u32 $0x7FFF8, v10;
	v26 =	vld.idx.msk [tilespmem:v26+s3+$0x0], $0xffff;
	v29 =	vmul.f32 v29, v1  }
0x179: {  	v31 =	vand.u32 $0x7FF8, v31;
	v23 =	vor.u32 v21, v10;
	v10 =	vand.u32 $0x7, v11  }
0x17a: {  	v55 =	vadd.s32 $0x5000, v15;
	v31 =	vor.u32 v10, v31;
	[tilespmem:v9+s20+$0x0] =	vst.idx.add.f32.msk $0xffff, v29;
	v24 =	vmul.f32 v24, v18  }
0x17b: {  	v56 =	vand.u32 $0x7FFF8, v55;
	v30 =	vadd.s32 $0x2800, v9;
	v22 =	vmul.f32 v22, v3;
	v27 =	vld.idx.msk [tilespmem:v27+s3+$0x0], $0xffff  }
0x17c: {  	v14 =	vadd.s32 $0x7800, v14;
	v30 =	vand.u32 $0x7FF8, v30;
	v29 =	vor.u32 v16, v32;
	[tilespmem:v19+s20+$0x0] =	vst.idx.add.f32.msk $0xffff, v24  }
0x17d: {  	v11 =	vand.u32 $0x7, v13;
	v13 =	vor.u32 v25, v56;
	[tilespmem:v17+s20+$0x0] =	vst.idx.add.f32.msk $0xffff, v22;
	v17 =	vmul.f32 v26, v5  }
0x17e: {  	v19 =	vor.u32 v11, v30;
	v22 =	vadd.s32 $0x5000, v20;
	v20 =	vadd.s32 $0x7800, v20;
	v23 =	vld.idx.msk [tilespmem:v23+s3+$0x0], $0xffff  }
0x17f: {  	s28 =	simm.s32 $0x16670;
	v12 =	vadd.s32 $0x7800, v12;
	v22 =	vand.u32 $0xFFF8, v22;
	v20 =	vand.u32 $0xFFF8, v20;
	[tilespmem:v31+s20+$0x0] =	vst.idx.add.f32.msk $0xffff, v17  }
0x180: {  	v17 =	vor.u32 v28, v22;
	v20 =	vor.u32 v28, v20;
	v28 =	vand.u32 $0x7FFF8, v14;
	v14 =	vld [tilespmem:s28+$0xFFFFFFB0]  }
0x181: {  	v12 =	vand.u32 $0x7FFF8, v12;
	v24 =	vld.idx.msk [tilespmem:v29+s3+$0x0], $0xffff;
	v26 =	vmul.f32 v27, v1  }
0x182: {  	v12 =	vor.u32 v21, v12;
	v22 =	vld.idx.msk [tilespmem:v13+s3+$0x0], $0xffff  }
0x183: {  	[tilespmem:v19+s20+$0x0] =	vst.idx.add.f32.msk $0xffff, v26  }
0x184: {  	v19 =	vld [tilespmem:s28+$0xFFFFF370];
	v13 =	vmul.f32 v23, v18  }
0x185: {  	v23 =	vld [tilespmem:s28+$0xFFFFF330]  }
0x186: {  	v21 =	vadd.s32 $0x5000, v7;
	[tilespmem:v17+s20+$0x0] =	vst.idx.add.f32.msk $0xffff, v13;
	v13 =	vadd.s32 $0x5000, v2  }
0x187: {  	v21 =	vand.u32 $0x7FFF8, v21;
	v28 =	vor.u32 v16, v28;
	v26 =	vld.idx.msk [tilespmem:v12+s3+$0x0], $0xffff;
	v12 =	vand.u32 $0xFFF8, v13  }
0x188: {  	v16 =	vld [tilespmem:s28+$0xFFFFFFF0];
	v17 =	vor.u32 v8, v21;
	v21 =	vadd.s32 $0x5000, v6;
	v30 =	vor.u32 v4, v12  }
0x189: {  	v15 =	vadd.s32 $0x7800, v15;
	v13 =	vand.u32 $0xFFF8, v21;
	v21 =	vld [tilespmem:s28+$0xFFFFF350];
	v29 =	vshrl.u32 v19, $0xE  }
0x18a: {  	v15 =	vand.u32 $0x7FFF8, v15;
	v27 =	vld [tilespmem:s28+$0xFFFFF310];
	v6 =	vadd.s32 $0x7800, v6;
	v31 =	vshrl.u32 v23, $0xE  }
0x18b: {  	v25 =	vor.u32 v25, v15;
	v24 =	vmul.f32 v24, v3;
	v6 =	vand.u32 $0xFFF8, v6;
	v12 =	vld [tilespmem:s28+$0xFFFFFF90]  }
0x18c: {  	v57 =	vor.u32 v10, v13;
	v13 =	vld [tilespmem:s28+$0xFFFFFFD0];
	v6 =	vor.u32 v10, v6;
	v38 =	vand.u32 $0x3FFF, v19  }
0x18d: {  	v19 =	vand.u32 $0x7, v19;
	v35 =	vand.u32 $0x7, v31;
	v36 =	vadd.s32 $0x2800, v31;
	[tilespmem:v30+s20+$0x0] =	vst.idx.add.f32.msk $0xffff, v24  }
0x18e: {  	v39 =	vand.u32 $0x7, v29;
	v33 =	vshrl.u32 v21, $0xE;
	v15 =	vmul.f32 v26, v18;
	v58 =	vld.idx.msk [tilespmem:v29+s3+$0x0], $0xffff  }
0x18f: {  	v50 =	vadd.s32 $0x5000, v29;
	v18 =	vmul.f32 v22, v5;
	v26 =	vshrl.u32 v27, $0xE;
	v60 =	vld.idx.msk [tilespmem:v31+s3+$0x0], $0xffff  }
0x190: {  	v49 =	vadd.s32 $0x2800, v38;
	v52 =	vand.u32 $0x7FFF8, v50;
	[tilespmem:v20+s20+$0x0] =	vst.idx.add.f32.msk $0xffff, v15;
	v15 =	vadd.s32 $0x2800, v29  }
0x191: {  	v22 =	vand.u32 $0x3FFF, v23;
	v41 =	vand.u32 $0x3FFF, v21;
	[tilespmem:v57+s20+$0x0] =	vst.idx.add.f32.msk $0xffff, v18;
	v40 =	vand.u32 $0x7FFF8, v15  }
0x192: {  	v23 =	vand.u32 $0x7, v23;
	v20 =	vand.u32 $0x7FFF8, v36;
	v28 =	vld.idx.msk [tilespmem:v28+s3+$0x0], $0xffff;
	v40 =	vor.u32 v39, v40  }
0x193: {  	v21 =	vand.u32 $0x7, v21;
	v20 =	vor.u32 v35, v20;
	v42 =	vld.idx.msk [tilespmem:v33+s3+$0x0], $0xffff;
	v34 =	vmul.f32 v58, v16  }
0x194: {  	v37 =	vadd.s32 $0x2800, v22;
	v44 =	vadd.s32 $0x2800, v33;
	v46 =	vld.idx.msk [tilespmem:v26+s3+$0x0], $0xffff;
	v62 =	vmul.f32 v60, v14  }
0x195: {  	v43 =	vand.u32 $0x7, v33;
	v45 =	vand.u32 $0x7, v26;
	v24 =	vand.u32 $0x7FFF8, v44;
	[tilespmem:v38+s20+$0x0] =	vst.idx.add.f32.msk $0xffff, v34  }
0x196: {  	v47 =	vadd.s32 $0x2800, v26;
	v30 =	vand.u32 $0x3FFF, v27;
	v24 =	vor.u32 v43, v24;
	[tilespmem:v22+s20+$0x0] =	vst.idx.add.f32.msk $0xffff, v62  }
0x197: {  	v27 =	vand.u32 $0x7, v27;
	v53 =	vadd.s32 $0x5000, v33;
	v61 =	vand.u32 $0x7FFF8, v47;
	v40 =	vld.idx.msk [tilespmem:v40+s3+$0x0], $0xffff  }
0x198: {  	v63 =	vor.u32 v45, v61;
	v48 =	vmul.f32 v42, v13;
	v20 =	vld.idx.msk [tilespmem:v20+s3+$0x0], $0xffff;
	v42 =	vand.u32 $0x7FF8, v49  }
0x199: {  	v54 =	vadd.s32 $0x5000, v26;
	v59 =	vand.u32 $0x7FF8, v37;
	v15 =	vld.idx.msk [tilespmem:v17+s3+$0x0], $0xffff;
	v51 =	vor.u32 v19, v42  }
0x19a: {  	v17 =	vadd.s32 $0x5000, v31;
	v36 =	vor.u32 v23, v59;
	v46 =	vmul.f32 v46, v12;
	[tilespmem:v41+s20+$0x0] =	vst.idx.add.f32.msk $0xffff, v48  }
0x19b: {  	v47 =	vadd.s32 $0x2800, v41;
	v17 =	vand.u32 $0x7FFF8, v17;
	v42 =	vor.u32 v39, v52;
	v24 =	vld.idx.msk [tilespmem:v24+s3+$0x0], $0xffff  }
0x19c: {  	v37 =	vand.u32 $0x7FF8, v47;
	v17 =	vor.u32 v35, v17;
	[tilespmem:v30+s20+$0x0] =	vst.idx.add.f32.msk $0xffff, v46;
	v40 =	vmul.f32 v40, v16  }
0x19d: {  	v18 =	vadd.s32 $0x2800, v30;
	v37 =	vor.u32 v21, v37;
	v34 =	vld.idx.msk [tilespmem:v63+s3+$0x0], $0xffff;
	v20 =	vmul.f32 v20, v14  }
0x19e: {  	v44 =	vand.u32 $0x7FFF8, v53;
	v56 =	vadd.s32 $0x5000, v30;
	v18 =	vand.u32 $0x7FF8, v18;
	[tilespmem:v51+s20+$0x0] =	vst.idx.add.f32.msk $0xffff, v40  }
0x19f: {  	v57 =	vadd.s32 $0x5000, v22;
	v44 =	vor.u32 v43, v44;
	v18 =	vor.u32 v27, v18;
	[tilespmem:v36+s20+$0x0] =	vst.idx.add.f32.msk $0xffff, v20  }
0x1a0: {  	v46 =	vand.u32 $0x7FFF8, v54;
	v42 =	vld.idx.msk [tilespmem:v42+s3+$0x0], $0xffff;
	v20 =	vmul.f32 v24, v13;
	v24 =	vadd.s32 $0x5000, v38  }
0x1a1: {  	v29 =	vadd.s32 $0x7800, v29;
	v55 =	vor.u32 v45, v46;
	v17 =	vld.idx.msk [tilespmem:v17+s3+$0x0], $0xffff;
	v24 =	vand.u32 $0xFFF8, v24  }
0x1a2: {  	v58 =	vand.u32 $0xFFF8, v57;
	v34 =	vmul.f32 v34, v12;
	[tilespmem:v37+s20+$0x0] =	vst.idx.add.f32.msk $0xffff, v20;
	v20 =	vor.u32 v19, v24  }
0x1a3: {  	v31 =	vadd.s32 $0x7800, v31;
	v25 =	vld.idx.msk [tilespmem:v25+s3+$0x0], $0xffff;
	v36 =	vor.u32 v23, v58;
	v24 =	vand.u32 $0x7FFF8, v29  }
0x1a4: {  	v61 =	vadd.s32 $0x7800, v38;
	v31 =	vand.u32 $0x7FFF8, v31;
	[tilespmem:v18+s20+$0x0] =	vst.idx.add.f32.msk $0xffff, v34;
	v24 =	vor.u32 v39, v24  }
0x1a5: {  	v31 =	vor.u32 v35, v31;
	v29 =	vadd.s32 $0x5000, v41;
	v37 =	vld.idx.msk [tilespmem:v44+s3+$0x0], $0xffff;
	v59 =	vmul.f32 v42, v16  }
0x1a6: {  	v18 =	vadd.s32 $0x7800, v33;
	v29 =	vand.u32 $0xFFF8, v29;
	v32 =	vld.idx.msk [tilespmem:v55+s3+$0x0], $0xffff;
	v17 =	vmul.f32 v17, v14  }
0x1a7: {  	v26 =	vadd.s32 $0x7800, v26;
	v18 =	vand.u32 $0x7FFF8, v18;
	v29 =	vor.u32 v21, v29;
	[tilespmem:v20+s20+$0x0] =	vst.idx.add.f32.msk $0xffff, v59  }
0x1a8: {  	v26 =	vand.u32 $0x7FFF8, v26;
	v60 =	vand.u32 $0xFFF8, v56;
	v18 =	vor.u32 v43, v18;
	[tilespmem:v36+s20+$0x0] =	vst.idx.add.f32.msk $0xffff, v17  }
0x1a9: {  	v26 =	vor.u32 v45, v26;
	v5 =	vmul.f32 v25, v5;
	v20 =	vor.u32 v27, v60;
	v24 =	vld.idx.msk [tilespmem:v24+s3+$0x0], $0xffff  }
0x1aa: {  	v22 =	vadd.s32 $0x7800, v22;
	v33 =	vand.u32 $0xFFF8, v61;
	v17 =	vmul.f32 v37, v13;
	v31 =	vld.idx.msk [tilespmem:v31+s3+$0x0], $0xffff  }
0x1ab: {  	v22 =	vand.u32 $0xFFF8, v22;
	[tilespmem:v6+s20+$0x0] =	vst.idx.add.f32.msk $0xffff, v5;
	v19 =	vor.u32 v19, v33  }
0x1ac: {  	v22 =	vor.u32 v23, v22;
	v32 =	vmul.f32 v32, v12;
	[tilespmem:v29+s20+$0x0] =	vst.idx.add.f32.msk $0xffff, v17  }
0x1ad: {  	v17 =	vadd.s32 $0x7800, v41;
	v18 =	vld.idx.msk [tilespmem:v18+s3+$0x0], $0xffff  }
0x1ae: {  	v17 =	vand.u32 $0xFFF8, v17;
	[tilespmem:v20+s20+$0x0] =	vst.idx.add.f32.msk $0xffff, v32;
	v16 =	vmul.f32 v24, v16  }
0x1af: {  	v17 =	vor.u32 v21, v17;
	v21 =	vld.idx.msk [tilespmem:v26+s3+$0x0], $0xffff;
	v14 =	vmul.f32 v31, v14  }
0x1b0: {  	v20 =	vadd.s32 $0x7800, v30;
	[tilespmem:v19+s20+$0x0] =	vst.idx.add.f32.msk $0xffff, v16  }
0x1b1: {  	v7 =	vadd.s32 $0x7800, v7;
	v23 =	vadd.s32 $0x5000, v9;
	v20 =	vand.u32 $0xFFF8, v20;
	[tilespmem:v22+s20+$0x0] =	vst.idx.add.f32.msk $0xffff, v14  }
0x1b2: {  	v7 =	vand.u32 $0x7FFF8, v7;
	v16 =	vand.u32 $0xFFF8, v23;
	v19 =	vor.u32 v27, v20;
	v23 =	vld [tilespmem:s28+$0xFFFFF380]  }
0x1b3: {  	v14 =	vor.u32 v8, v7;
	v7 =	vadd.s32 $0x7800, v9;
	v13 =	vmul.f32 v18, v13;
	v9 =	vld [tilespmem:s28+$0xFFFFF340]  }
0x1b4: {  	v10 =	vmul.f32 v28, v3;
	v16 =	vor.u32 v11, v16;
	v3 =	vld [tilespmem:s28+$0xFFFFFFC0]  }
0x1b5: {  	v8 =	vadd.s32 $0x7800, v2;
	v2 =	vand.u32 $0xFFF8, v7;
	v7 =	vmul.f32 v21, v12;
	[tilespmem:v17+s20+$0x0] =	vst.idx.add.f32.msk $0xffff, v13  }
0x1b6: {  	v8 =	vand.u32 $0xFFF8, v8;
	v2 =	vor.u32 v11, v2;
	v13 =	vld [tilespmem:s28+$0xFFFFF360]  }
0x1b7: {  	v12 =	vor.u32 v4, v8;
	v4 =	vmul.f32 v15, v1;
	[tilespmem:v19+s20+$0x0] =	vst.idx.add.f32.msk $0xffff, v7;
	v26 =	vshrl.u32 v23, $0xE  }
0x1b8: {  	v21 =	vld [tilespmem:s28+$0xFFFFF320];
	v24 =	vshrl.u32 v9, $0xE;
	v11 =	vand.u32 $0x3FFF, v9;
	v8 =	vand.u32 $0x7, v9  }
0x1b9: {  	[tilespmem:v16+s20+$0x0] =	vst.idx.add.f32.msk $0xffff, v4;
	v19 =	vand.u32 $0x3FFF, v23;
	v16 =	vand.u32 $0x7, v24;
	v4 =	vadd.s32 $0x2800, v24  }
0x1ba: {  	v7 =	vld [tilespmem:s28+$0xFFFFFFA0];
	v22 =	vadd.s32 $0x2800, v11;
	v18 =	vadd.s32 $0x2800, v26;
	v34 =	vand.u32 $0x7, v26  }
0x1bb: {  	v9 =	vld [tilespmem:s28+$0x0];
	v50 =	vadd.s32 $0x5000, v24;
	v60 =	vadd.s32 $0x5000, v11;
	v25 =	vshrl.u32 v13, $0xE  }
0x1bc: {  	v4 =	vand.u32 $0x7FFF8, v4;
	v43 =	vand.u32 $0x7FFF8, v18;
	v22 =	vand.u32 $0x7FF8, v22;
	v28 =	vld.idx.msk [tilespmem:v26+s3+$0x0], $0xffff  }
0x1bd: {  	v56 =	vand.u32 $0x7FFF8, v50;
	v6 =	vand.u32 $0xFFF8, v60;
	v29 =	vshrl.u32 v21, $0xE;
	v63 =	vld.idx.msk [tilespmem:v24+s3+$0x0], $0xffff  }
0x1be: {  	v18 =	vld.idx.msk [tilespmem:v14+s3+$0x0], $0xffff;
	v15 =	vand.u32 $0x3FFF, v13;
	v27 =	vor.u32 v16, v4;
	v4 =	vadd.s32 $0x2800, v25  }
0x1bf: {  	v44 =	vor.u32 v34, v43;
	v58 =	vor.u32 v16, v56;
	v30 =	vand.u32 $0x7FFF8, v4;
	v4 =	vld [tilespmem:s28+$0xFFFFFFE0]  }
0x1c0: {  	v20 =	vand.u32 $0x7, v25;
	v47 =	vadd.s32 $0x2800, v15;
	v51 =	vadd.s32 $0x5000, v25;
	v45 =	vld.idx.msk [tilespmem:v25+s3+$0x0], $0xffff  }
0x1c1: {  	[tilespmem:v12+s20+$0x0] =	vst.idx.add.f32.msk $0xffff, v10;
	v61 =	vadd.s32 $0x5000, v15;
	v17 =	vand.u32 $0x3FFF, v21;
	v28 =	vmul.f32 v28, v9  }
0x1c2: {  	v37 =	vand.u32 $0x7FF8, v47;
	v12 =	vand.u32 $0x7, v21;
	v48 =	vld.idx.msk [tilespmem:v29+s3+$0x0], $0xffff;
	v10 =	vmul.f32 v63, v3  }
0x1c3: {  	v21 =	vand.u32 $0x7, v13;
	v33 =	vand.u32 $0x7FFF8, v51;
	v62 =	vadd.s32 $0x2800, v29;
	[tilespmem:v19+s20+$0x0] =	vst.idx.add.f32.msk $0xffff, v28  }
0x1c4: {  	v31 =	vand.u32 $0x7, v29;
	v30 =	vor.u32 v20, v30;
	v14 =	vand.u32 $0x7FFF8, v62;
	[tilespmem:v11+s20+$0x0] =	vst.idx.add.f32.msk $0xffff, v10  }
0x1c5: {  	v28 =	vor.u32 v8, v22;
	v22 =	vadd.s32 $0x2800, v19;
	v13 =	vld.idx.msk [tilespmem:v44+s3+$0x0], $0xffff;
	v10 =	vmul.f32 v45, v4  }
0x1c6: {  	v14 =	vor.u32 v31, v14;
	v27 =	vld.idx.msk [tilespmem:v27+s3+$0x0], $0xffff;
	v53 =	vand.u32 $0x7FF8, v22;
	v22 =	vand.u32 $0x7, v23  }
0x1c7: {  	v46 =	vadd.s32 $0x2800, v17;
	v23 =	vadd.s32 $0x5000, v26;
	[tilespmem:v15+s20+$0x0] =	vst.idx.add.f32.msk $0xffff, v10;
	v10 =	vor.u32 v22, v53  }
0x1c8: {  	v49 =	vadd.s32 $0x5000, v29;
	v23 =	vand.u32 $0x7FFF8, v23;
	v54 =	vmul.f32 v48, v7  }
0x1c9: {  	v52 =	vor.u32 v21, v37;
	v59 =	vadd.s32 $0x5000, v17;
	v57 =	vor.u32 v34, v23;
	v30 =	vld.idx.msk [tilespmem:v30+s3+$0x0], $0xffff  }
0x1ca: {  	v33 =	vor.u32 v20, v33;
	v36 =	vand.u32 $0x7FF8, v46;
	[tilespmem:v17+s20+$0x0] =	vst.idx.add.f32.msk $0xffff, v54;
	v13 =	vmul.f32 v13, v9  }
0x1cb: {  	v55 =	vand.u32 $0x7FFF8, v49;
	v37 =	vand.u32 $0xFFF8, v59;
	v14 =	vld.idx.msk [tilespmem:v14+s3+$0x0], $0xffff;
	v5 =	vmul.f32 v27, v3  }
0x1cc: {  	v62 =	vand.u32 $0xFFF8, v61;
	v36 =	vor.u32 v12, v36;
	v63 =	vadd.s32 $0x7800, v25;
	[tilespmem:v10+s20+$0x0] =	vst.idx.add.f32.msk $0xffff, v13  }
0x1cd: {  	v26 =	vadd.s32 $0x7800, v26;
	v23 =	vor.u32 v31, v55;
	v27 =	vadd.s32 $0x7800, v29;
	[tilespmem:v28+s20+$0x0] =	vst.idx.add.f32.msk $0xffff, v5  }
0x1ce: {  	v29 =	vadd.s32 $0x7800, v24;
	v28 =	vadd.s32 $0x5000, v19;
	v13 =	vld.idx.msk [tilespmem:v57+s3+$0x0], $0xffff;
	v25 =	vmul.f32 v30, v4  }
0x1cf: {  	v24 =	vor.u32 v8, v6;
	v10 =	vor.u32 v12, v37;
	v5 =	vld.idx.msk [tilespmem:v58+s3+$0x0], $0xffff;
	v6 =	vand.u32 $0xFFF8, v28  }
0x1d0: {  	v30 =	vmul.f32 v14, v7;
	[tilespmem:v52+s20+$0x0] =	vst.idx.add.f32.msk $0xffff, v25;
	v14 =	vor.u32 v22, v6;
	v6 =	vand.u32 $0x7FFF8, v26  }
0x1d1: {  	v25 =	vand.u32 $0x7FFF8, v27;
	v26 =	vor.u32 v21, v62;
	v27 =	vld.idx.msk [tilespmem:v33+s3+$0x0], $0xffff;
	v28 =	vor.u32 v34, v6  }
0x1d2: {  	s29 =	simm.s32 $0x166F0;
	s28 =	simm.s32 $0x8;
	v6 =	vor.u32 v31, v25;
	v25 =	vand.u32 $0x7FFF8, v29;
	v29 =	vand.u32 $0x7FFF8, v63;
	[tilespmem:v36+s20+$0x0] =	vst.idx.add.f32.msk $0xffff, v30  }
.LBB2_7:
0x1d3: {  	v30 =	vld [tilespmem:s29+$0xFFFFF370];
	s28 =	sadd.s32 $0x8, s28;
	v25 =	vor.u32 v16, v25;
	v16 =	vor.u32 v20, v29;
	v13 =	vmul.f32 v13, v9  }
0x1d4: {  	v17 =	vadd.s32 $0x7800, v17;
	v11 =	vadd.s32 $0x7800, v11;
	v15 =	vadd.s32 $0x7800, v15;
	v20 =	vld [tilespmem:s29+$0xFFFFF330];
	p0 =	slt.u32 s28, $0xC0  }
0x1d5: {  	v17 =	vand.u32 $0xFFF8, v17;
	v29 =	vmul.f32 v5, v3;
	[tilespmem:v14+s20+$0x0] =	vst.idx.add.f32.msk $0xffff, v13;
	v13 =	vmul.f32 v18, v1  }
0x1d6: {  	v5 =	vand.u32 $0xFFF8, v11;
	v11 =	vand.u32 $0xFFF8, v15;
	v14 =	vor.u32 v12, v17;
	v1 =	vmovc v7;
	v28 =	vld.idx.msk [tilespmem:v28+s3+$0x0], $0xffff  }
0x1d7: {  	v12 =	vor.u32 v8, v5;
	v7 =	vadd.s32 $0x7800, v19;
	v27 =	vmul.f32 v27, v4;
	v31 =	vld [tilespmem:s29+$0xFFFFF350]  }
0x1d8: {  	v5 =	vor.u32 v21, v11;
	v8 =	vand.u32 $0xFFF8, v7;
	v32 =	vld [tilespmem:s29+$0xFFFFF310];
	v33 =	vshrl.u32 v30, $0xE  }
0x1d9: {  	v22 =	vor.u32 v22, v8;
	v7 =	vld [tilespmem:s29+$0xFFFFFF90];
	v21 =	vshrl.u32 v20, $0xE;
	v17 =	vand.u32 $0x3FFF, v20  }
0x1da: {  	v8 =	vld [tilespmem:s29+$0xFFFFFFB0];
	v18 =	vand.u32 $0x7, v21;
	v11 =	vadd.s32 $0x2800, v21;
	v15 =	vadd.s32 $0x2800, v17  }
0x1db: {  	v36 =	vadd.s32 $0x5000, v21;
	v34 =	vand.u32 $0x7FFF8, v11;
	v35 =	vand.u32 $0x7FF8, v15;
	v11 =	vld [tilespmem:s29+$0xFFFFFFD0]  }
0x1dc: {  	v9 =	vmul.f32 v28, v9;
	v37 =	vshrl.u32 v31, $0xE;
	v19 =	vand.u32 $0x3FFF, v31;
	v15 =	vld [tilespmem:s29+$0xFFFFFFF0]  }
0x1dd: {  	v28 =	vshrl.u32 v32, $0xE;
	v38 =	vand.u32 $0x7, v37;
	v39 =	vadd.s32 $0x2800, v37;
	v40 =	vld.idx.msk [tilespmem:v33+s3+$0x0], $0xffff  }
0x1de: {  	v41 =	vand.u32 $0x7, v28;
	v42 =	vadd.s32 $0x2800, v28;
	v39 =	vand.u32 $0x7FFF8, v39;
	[tilespmem:v22+s20+$0x0] =	vst.idx.add.f32.msk $0xffff, v9  }
0x1df: {  	v43 =	vadd.s32 $0x2800, v33;
	v9 =	vand.u32 $0x3FFF, v32;
	v22 =	vand.u32 $0x7FFF8, v42;
	v42 =	vld.idx.msk [tilespmem:v21+s3+$0x0], $0xffff  }
0x1e0: {  	v44 =	vand.u32 $0x3FFF, v30;
	v45 =	vand.u32 $0x7, v33;
	v43 =	vand.u32 $0x7FFF8, v43;
	v23 =	vld.idx.msk [tilespmem:v23+s3+$0x0], $0xffff  }
0x1e1: {  	v43 =	vor.u32 v45, v43;
	v34 =	vor.u32 v18, v34;
	v22 =	vor.u32 v41, v22;
	v46 =	vld.idx.msk [tilespmem:v37+s3+$0x0], $0xffff  }
0x1e2: {  	v49 =	vadd.s32 $0x2800, v19;
	v48 =	vadd.s32 $0x2800, v9;
	v39 =	vor.u32 v38, v39;
	v47 =	vld.idx.msk [tilespmem:v28+s3+$0x0], $0xffff  }
0x1e3: {  	v49 =	vand.u32 $0x7FF8, v49;
	v48 =	vand.u32 $0x7FF8, v48;
	v40 =	vmul.f32 v40, v15;
	[tilespmem:v24+s20+$0x0] =	vst.idx.add.f32.msk $0xffff, v29  }
0x1e4: {  	v24 =	vand.u32 $0x7, v32;
	v29 =	vadd.s32 $0x5000, v28;
	v32 =	vadd.s32 $0x5000, v37;
	[tilespmem:v26+s20+$0x0] =	vst.idx.add.f32.msk $0xffff, v27  }
0x1e5: {  	v20 =	vand.u32 $0x7, v20;
	v26 =	vmul.f32 v42, v8;
	v27 =	vand.u32 $0x7, v31;
	[tilespmem:v44+s20+$0x0] =	vst.idx.add.f32.msk $0xffff, v40  }
0x1e6: {  	v35 =	vor.u32 v20, v35;
	v31 =	vor.u32 v24, v48;
	v40 =	vor.u32 v27, v49;
	v42 =	vld.idx.msk [tilespmem:v43+s3+$0x0], $0xffff  }
0x1e7: {  	v29 =	vand.u32 $0x7FFF8, v29;
	v43 =	vadd.s32 $0x2800, v44;
	[tilespmem:v17+s20+$0x0] =	vst.idx.add.f32.msk $0xffff, v26;
	v26 =	vmul.f32 v46, v11  }
0x1e8: {  	v30 =	vand.u32 $0x7, v30;
	v43 =	vand.u32 $0x7FF8, v43;
	v46 =	vadd.s32 $0x5000, v33;
	v34 =	vld.idx.msk [tilespmem:v34+s3+$0x0], $0xffff  }
0x1e9: {  	v47 =	vmul.f32 v47, v7;
	[tilespmem:v19+s20+$0x0] =	vst.idx.add.f32.msk $0xffff, v26;
	v26 =	vor.u32 v30, v43;
	v43 =	vand.u32 $0x7FFF8, v46  }
0x1ea: {  	v36 =	vand.u32 $0x7FFF8, v36;
	v32 =	vand.u32 $0x7FFF8, v32;
	v39 =	vld.idx.msk [tilespmem:v39+s3+$0x0], $0xffff;
	v43 =	vor.u32 v45, v43  }
0x1eb: {  	v36 =	vor.u32 v18, v36;
	v29 =	vor.u32 v41, v29;
	v46 =	vadd.s32 $0x5000, v9;
	[tilespmem:v9+s20+$0x0] =	vst.idx.add.f32.msk $0xffff, v47  }
0x1ec: {  	v32 =	vor.u32 v38, v32;
	v47 =	vadd.s32 $0x5000, v17;
	v42 =	vmul.f32 v42, v15;
	v22 =	vld.idx.msk [tilespmem:v22+s3+$0x0], $0xffff  }
0x1ed: {  	v48 =	vadd.s32 $0x5000, v19;
	v46 =	vand.u32 $0xFFF8, v46;
	v47 =	vand.u32 $0xFFF8, v47;
	v25 =	vld.idx.msk [tilespmem:v25+s3+$0x0], $0xffff  }
0x1ee: {  	v28 =	vadd.s32 $0x7800, v28;
	v48 =	vand.u32 $0xFFF8, v48;
	v34 =	vmul.f32 v34, v8;
	[tilespmem:v26+s20+$0x0] =	vst.idx.add.f32.msk $0xffff, v42  }
0x1ef: {  	v21 =	vadd.s32 $0x7800, v21;
	v37 =	vadd.s32 $0x7800, v37;
	v26 =	vor.u32 v24, v46;
	v42 =	vld.idx.msk [tilespmem:v43+s3+$0x0], $0xffff  }
0x1f0: {  	[tilespmem:v35+s20+$0x0] =	vst.idx.add.f32.msk $0xffff, v34;
	v34 =	vor.u32 v20, v47;
	v35 =	vmul.f32 v39, v11;
	v39 =	vadd.s32 $0x5000, v44  }
0x1f1: {  	v33 =	vadd.s32 $0x7800, v33;
	v43 =	vor.u32 v27, v48;
	v36 =	vld.idx.msk [tilespmem:v36+s3+$0x0], $0xffff;
	v39 =	vand.u32 $0xFFF8, v39  }
0x1f2: {  	v33 =	vand.u32 $0x7FFF8, v33;
	v22 =	vmul.f32 v22, v7;
	[tilespmem:v40+s20+$0x0] =	vst.idx.add.f32.msk $0xffff, v35;
	v35 =	vor.u32 v30, v39  }
0x1f3: {  	v21 =	vand.u32 $0x7FFF8, v21;
	v28 =	vand.u32 $0x7FFF8, v28;
	v33 =	vor.u32 v45, v33;
	v32 =	vld.idx.msk [tilespmem:v32+s3+$0x0], $0xffff  }
0x1f4: {  	v18 =	vor.u32 v18, v21;
	v21 =	vand.u32 $0x7FFF8, v37;
	[tilespmem:v31+s20+$0x0] =	vst.idx.add.f32.msk $0xffff, v22;
	v22 =	vor.u32 v41, v28  }
0x1f5: {  	v21 =	vor.u32 v38, v21;
	v9 =	vadd.s32 $0x7800, v9;
	v28 =	vld.idx.msk [tilespmem:v29+s3+$0x0], $0xffff;
	v29 =	vmul.f32 v42, v15  }
0x1f6: {  	v19 =	vadd.s32 $0x7800, v19;
	v17 =	vadd.s32 $0x7800, v17;
	v9 =	vand.u32 $0xFFF8, v9;
	v16 =	vld.idx.msk [tilespmem:v16+s3+$0x0], $0xffff  }
0x1f7: {  	v19 =	vand.u32 $0xFFF8, v19;
	v17 =	vand.u32 $0xFFF8, v17;
	v31 =	vmul.f32 v36, v8;
	[tilespmem:v35+s20+$0x0] =	vst.idx.add.f32.msk $0xffff, v29  }
0x1f8: {  	v19 =	vor.u32 v27, v19;
	v9 =	vor.u32 v24, v9;
	v17 =	vor.u32 v20, v17;
	v20 =	vld.idx.msk [tilespmem:v33+s3+$0x0], $0xffff  }
0x1f9: {  	v23 =	vmul.f32 v23, v1;
	v27 =	vadd.s32 $0x7800, v44;
	v24 =	vmul.f32 v32, v11;
	[tilespmem:v34+s20+$0x0] =	vst.idx.add.f32.msk $0xffff, v31  }
0x1fa: {  	v27 =	vand.u32 $0xFFF8, v27;
	v25 =	vmul.f32 v25, v3;
	v18 =	vld.idx.msk [tilespmem:v18+s3+$0x0], $0xffff  }
0x1fb: {  	v3 =	vmul.f32 v28, v7;
	[tilespmem:v43+s20+$0x0] =	vst.idx.add.f32.msk $0xffff, v24;
	v24 =	vor.u32 v30, v27  }
0x1fc: {  	v27 =	vmul.f32 v16, v4;
	v21 =	vld.idx.msk [tilespmem:v21+s3+$0x0], $0xffff  }
0x1fd: {  	[tilespmem:v26+s20+$0x0] =	vst.idx.add.f32.msk $0xffff, v3  }
0x1fe: {  	v4 =	vmul.f32 v20, v15;
	v3 =	vld.idx.msk [tilespmem:v22+s3+$0x0], $0xffff  }
0x1ff: {  	[tilespmem:v10+s20+$0x0] =	vst.idx.add.f32.msk $0xffff, v23  }
0x200: {  	v8 =	vmul.f32 v18, v8;
	[tilespmem:v24+s20+$0x0] =	vst.idx.add.f32.msk $0xffff, v4  }
0x201: {  	v10 =	vld [tilespmem:s29+$0xFFFFF380]  }
0x202: {  	v4 =	vmul.f32 v21, v11;
	[tilespmem:v17+s20+$0x0] =	vst.idx.add.f32.msk $0xffff, v8  }
0x203: {  	v8 =	vld [tilespmem:s29+$0xFFFFF340]  }
0x204: {  	v3 =	vmul.f32 v3, v7;
	[tilespmem:v19+s20+$0x0] =	vst.idx.add.f32.msk $0xffff, v4  }
0x205: {  	v21 =	vld [tilespmem:s29+$0xFFFFF360]  }
0x206: {  	[tilespmem:v9+s20+$0x0] =	vst.idx.add.f32.msk $0xffff, v3;
	v26 =	vshrl.u32 v10, $0xE  }
0x207: {  	v22 =	vld [tilespmem:s29+$0xFFFFF320]  }
0x208: {  	v7 =	vld [tilespmem:s29+$0xFFFFFFA0];
	v24 =	vshrl.u32 v8, $0xE;
	v11 =	vand.u32 $0x3FFF, v8;
	v8 =	vand.u32 $0x7, v8  }
0x209: {  	v3 =	vld [tilespmem:s29+$0xFFFFFFC0];
	v16 =	vand.u32 $0x7, v24;
	v4 =	vadd.s32 $0x2800, v24;
	v23 =	vadd.s32 $0x2800, v11  }
0x20a: {  	v9 =	vand.u32 $0x7FFF8, v4;
	v28 =	vshrl.u32 v21, $0xE;
	v15 =	vand.u32 $0x3FFF, v21;
	v4 =	vld [tilespmem:s29+$0xFFFFFFE0]  }
0x20b: {  	v29 =	vor.u32 v16, v9;
	v20 =	vand.u32 $0x7, v28;
	v9 =	vadd.s32 $0x2800, v28;
	v30 =	vld.idx.msk [tilespmem:v26+s3+$0x0], $0xffff  }
0x20c: {  	v31 =	vshrl.u32 v22, $0xE;
	v17 =	vand.u32 $0x3FFF, v22;
	v32 =	vand.u32 $0x7FFF8, v9;
	v9 =	vld [tilespmem:s29+$0x0]  }
0x20d: {  	v18 =	vadd.s32 $0x2800, v26;
	v33 =	vand.u32 $0x7, v31;
	v34 =	vadd.s32 $0x2800, v31;
	v35 =	vld.idx.msk [tilespmem:v24+s3+$0x0], $0xffff  }
0x20e: {  	v19 =	vand.u32 $0x3FFF, v10;
	v36 =	vand.u32 $0x7, v26;
	v37 =	vand.u32 $0x7FFF8, v18;
	v18 =	vld.idx.msk [tilespmem:v6+s3+$0x0], $0xffff  }
0x20f: {  	v37 =	vor.u32 v36, v37;
	v32 =	vor.u32 v20, v32;
	v6 =	vand.u32 $0x7FFF8, v34;
	v34 =	vld.idx.msk [tilespmem:v28+s3+$0x0], $0xffff  }
0x210: {  	v39 =	vadd.s32 $0x2800, v15;
	v38 =	vadd.s32 $0x2800, v17;
	v6 =	vor.u32 v33, v6;
	[tilespmem:v2+s20+$0x0] =	vst.idx.add.f32.msk $0xffff, v13;
	v2 =	vmovc v14  }
0x211: {  	v23 =	vand.u32 $0x7FF8, v23;
	v14 =	vand.u32 $0x7FF8, v38;
	v13 =	vld.idx.msk [tilespmem:v31+s3+$0x0], $0xffff;
	v30 =	vmul.f32 v30, v9  }
0x212: {  	v40 =	vadd.s32 $0x5000, v24;
	v39 =	vand.u32 $0x7FF8, v39;
	v38 =	vadd.s32 $0x5000, v31;
	[tilespmem:v12+s20+$0x0] =	vst.idx.add.f32.msk $0xffff, v25  }
0x213: {  	v12 =	vand.u32 $0x7, v22;
	v22 =	vmul.f32 v35, v3;
	v25 =	vadd.s32 $0x5000, v28;
	[tilespmem:v19+s20+$0x0] =	vst.idx.add.f32.msk $0xffff, v30  }
0x214: {  	v21 =	vand.u32 $0x7, v21;
	v30 =	vor.u32 v12, v14;
	v14 =	vor.u32 v8, v23;
	v35 =	vld.idx.msk [tilespmem:v37+s3+$0x0], $0xffff  }
0x215: {  	v23 =	vmul.f32 v34, v4;
	v34 =	vor.u32 v21, v39;
	[tilespmem:v11+s20+$0x0] =	vst.idx.add.f32.msk $0xffff, v22;
	v22 =	vadd.s32 $0x2800, v19  }
0x216: {  	v29 =	vld.idx.msk [tilespmem:v29+s3+$0x0], $0xffff;
	v37 =	vand.u32 $0x7FF8, v22;
	v22 =	vand.u32 $0x7, v10;
	v10 =	vadd.s32 $0x5000, v26  }
0x217: {  	v13 =	vmul.f32 v13, v7;
	[tilespmem:v15+s20+$0x0] =	vst.idx.add.f32.msk $0xffff, v23;
	v37 =	vor.u32 v22, v37;
	v10 =	vand.u32 $0x7FFF8, v10  }
0x218: {  	v23 =	vand.u32 $0x7FFF8, v38;
	v38 =	vand.u32 $0x7FFF8, v40;
	v32 =	vld.idx.msk [tilespmem:v32+s3+$0x0], $0xffff;
	v10 =	vor.u32 v36, v10  }
0x219: {  	v23 =	vor.u32 v33, v23;
	v38 =	vor.u32 v16, v38;
	[tilespmem:v17+s20+$0x0] =	vst.idx.add.f32.msk $0xffff, v13;
	v13 =	vand.u32 $0x7FFF8, v25  }
0x21a: {  	v25 =	vadd.s32 $0x5000, v17;
	v6 =	vld.idx.msk [tilespmem:v6+s3+$0x0], $0xffff;
	v39 =	vor.u32 v20, v13;
	v13 =	vmul.f32 v35, v9  }
0x21b: {  	v40 =	vadd.s32 $0x5000, v15;
	v25 =	vand.u32 $0xFFF8, v25;
	v35 =	vadd.s32 $0x5000, v11;
	[tilespmem:v5+s20+$0x0] =	vst.idx.add.f32.msk $0xffff, v27  }
0x21c: {  	v5 =	vmul.f32 v29, v3;
	v27 =	vand.u32 $0xFFF8, v35;
	v29 =	vand.u32 $0xFFF8, v40;
	[tilespmem:v37+s20+$0x0] =	vst.idx.add.f32.msk $0xffff, v13  }
0x21d: {  	v31 =	vadd.s32 $0x7800, v31;
	v35 =	vadd.s32 $0x7800, v24;
	v37 =	vadd.s32 $0x7800, v28;
	v13 =	vld.idx.msk [tilespmem:v10+s3+$0x0], $0xffff  }
.Ltmp2:
0x21e: {  	v10 =	vor.u32 v12, v25;
	v25 =	vadd.s32 $0x5000, v19;
	[tilespmem:v14+s20+$0x0] =	vst.idx.add.f32.msk $0xffff, v5;
	v14 =	vmul.f32 v32, v4;
	(pc) =	sbr.rel @p0 .LBB2_7-.Ltmp2, $4  }
0x21f: {  	v26 =	vadd.s32 $0x7800, v26;
	v24 =	vor.u32 v8, v27;
	v25 =	vand.u32 $0xFFF8, v25;
	v5 =	vld.idx.msk [tilespmem:v38+s3+$0x0], $0xffff  }
0x220: {  	v6 =	vmul.f32 v6, v7;
	[tilespmem:v34+s20+$0x0] =	vst.idx.add.f32.msk $0xffff, v14;
	v14 =	vor.u32 v22, v25;
	v25 =	vand.u32 $0x7FFF8, v26  }
0x221: {  	v31 =	vand.u32 $0x7FFF8, v31;
	v26 =	vor.u32 v21, v29;
	v27 =	vld.idx.msk [tilespmem:v39+s3+$0x0], $0xffff;
	v28 =	vor.u32 v36, v25  }
0x222: {  	s29 =	sadd.s32 $0x80, s29;
	v29 =	vand.u32 $0x7FFF8, v37;
	v25 =	vand.u32 $0x7FFF8, v35;
	[tilespmem:v30+s20+$0x0] =	vst.idx.add.f32.msk $0xffff, v6;
	v6 =	vor.u32 v33, v31  }
0x223: {  	_ =	sdelay $0x2  }
0x224: {  	v13 =	vmul.f32 v13, v9  }
0x225: {  	v16 =	vor.u32 v16, v25;
	v23 =	vld.idx.msk [tilespmem:v23+s3+$0x0], $0xffff  }
0x226: {  	v20 =	vor.u32 v20, v29;
	v5 =	vmul.f32 v5, v3;
	[tilespmem:v14+s20+$0x0] =	vst.idx.add.f32.msk $0xffff, v13  }
0x227: {  	v13 =	vld.idx.msk [tilespmem:v28+s3+$0x0], $0xffff;
	v55 =	vmul.f32 v27, v4  }
0x228: {  	[tilespmem:v24+s20+$0x0] =	vst.idx.add.f32.msk $0xffff, v5  }
0x229: {  	[tilespmem:v26+s20+$0x0] =	vst.idx.add.f32.msk $0xffff, v55  }
0x22a: {  	v56 =	vadd.s32 $0x7800, v19;
	v57 =	vld.idx.msk [tilespmem:v16+s3+$0x0], $0xffff;
	v58 =	vmul.f32 v23, v7  }
0x22b: {  	v11 =	vadd.s32 $0x7800, v11;
	v5 =	vand.u32 $0xFFF8, v56;
	v59 =	vld.idx.msk [tilespmem:v20+s3+$0x0], $0xffff  }
0x22c: {  	v15 =	vadd.s32 $0x7800, v15;
	v11 =	vand.u32 $0xFFF8, v11;
	v5 =	vor.u32 v22, v5;
	[tilespmem:v10+s20+$0x0] =	vst.idx.add.f32.msk $0xffff, v58  }
0x22d: {  	v60 =	vadd.s32 $0x7800, v17;
	v15 =	vand.u32 $0xFFF8, v15;
	v8 =	vor.u32 v8, v11;
	v6 =	vld.idx.msk [tilespmem:v6+s3+$0x0], $0xffff  }
0x22e: {  	v1 =	vmul.f32 v18, v1;
	s26 =	sadd.s32 $0x1, s26;
	v61 =	vor.u32 v21, v15;
	v10 =	vand.u32 $0xFFF8, v60  }
0x22f: {  	p0 =	sne.s32 s26, $0x32;
	v62 =	vmul.f32 v13, v9;
	v10 =	vor.u32 v12, v10  }
.Ltmp3:
0x230: {  	[tilespmem:v2+s20+$0x0] =	vst.idx.add.f32.msk $0xffff, v1;
	v3 =	vmul.f32 v57, v3;
	(pc) =	sbr.rel @p0 .LBB2_4-.Ltmp3, $4  }
0x231: {  	[tilespmem:v5+s20+$0x0] =	vst.idx.add.f32.msk $0xffff, v62;
	v63 =	vmul.f32 v59, v4  }
0x232: {  	[tilespmem:v8+s20+$0x0] =	vst.idx.add.f32.msk $0xffff, v3;
	v1 =	vmul.f32 v6, v7  }
0x233: {  	[tilespmem:v61+s20+$0x0] =	vst.idx.add.f32.msk $0xffff, v63  }
0x234: {  	[tilespmem:v10+s20+$0x0] =	vst.idx.add.f32.msk $0xffff, v1  }
0x235: {  	[hbm4b:s8+s3] =	stream.linear.scatter [tilespmem:s20], [sflag:$0x3], $0x2800, $0x38;
	[tilespmem:$0x17200] =	vst v63  }
0x236: {  	_ =	swait.ge [sflag:s13], $0x2800  }
0x237: {  	[sflag:s13] =	ssyncset.done $0x0  }
0x238: {  	[sflag:s13] =	ssyncadd.s32 $0xFFFFD800  }
0x239: {  	[hbm4b:s9+s3] =	stream.linear.scatter [tilespmem:s22], [sflag:$0x3], $0x2800, $0x38;
	[tilespmem:$0x17200] =	vst v63  }
0x23a: {  	_ =	swait.ge [sflag:s13], $0x2800  }
0x23b: {  	[sflag:s13] =	ssyncset.done $0x0  }
0x23c: {  	[sflag:s13] =	ssyncadd.s32 $0xFFFFD800  }
0x23d: {  	[hbm4b:s10+s3] =	stream.linear.scatter [tilespmem:s23], [sflag:$0x3], $0x2800, $0x38;
	[tilespmem:$0x17200] =	vst v63  }
0x23e: {  	s25 =	sadd.s32 $0x1, s25;
	_ =	swait.ge [sflag:s13], $0x2800  }
0x23f: {  	p0 =	sne.s32 s25, s12;
	[sflag:s13] =	ssyncset.done $0x0  }
.Ltmp4:
0x240: {  	[sflag:s13] =	ssyncadd.s32 $0xFFFFD800;
	(pc) =	sbr.rel @p0 .LBB2_1-.Ltmp4, $4  }
0x241: {  	[hbm4b:s11+s3] =	stream.linear.scatter [tilespmem:s24], [sflag:$0x3], $0x2800, $0x38;
	[tilespmem:$0x17200] =	vst v63  }
0x242: {  	_ =	swait.ge [sflag:s13], $0x2800  }
0x243: {  	[sflag:s13] =	ssyncset.done $0x0  }
0x244: {  	[sflag:s13] =	ssyncadd.s32 $0xFFFFD800  }
0x245: {  	_ =	sfence.sel $0x180000  }
0x246: {  	[bflag:$0x0] =	sbarrier.arrive $0xFFFF  }
0x247: {  	p0 =	sne.s32 s0, $0x0;
	_ =	strace $0x9000004A  }
0x248: {  	s0 =	sadd.s32 @!p0 $0x100000, s1;
	[bflag:$0x2] =	sbarrier.arrive $0xFFFF  }
0x249: {  	[sflag:s0] =	ssyncadd.tile.s32 @!p0 $0x1;
	_ =	shalt  }
.Lfunc_end2:
_tile_overlayer_lowered:
.L_overlay_start_2:
0x24a: {  	(tag) =	ssettag $0x2  }
0x24b: {  	s0 =	rddreg [dreg:$0x0];
	s2 =	stileid.u32  }
0x24c: {  	s1 =	rddreg [dreg:$0x1];
	p0 =	sne.s32 s2, $0x0  }
0x24d: {  	s3 =	rddreg [dreg:$0x2];
	[bflag:$0x3] =	sbarrier.arrive $0xFFFF;
	s2 =	simm.s32 @!p0 $0x1C03  }
0x24e: {  	[timem:s3], [sflag:s2] =	dma.local @!p0 [hbm:s0], s1  }
0x24f: {  	s0 =	simm.s32 @!p0 $0x3  }
0x250: {  	_ =	swait.ge @!p0 [sflag:s0], s1  }
0x251: {  	s1 =	ssub.s32 @!p0 $0x0, s1;
	[sflag:s0] =	ssyncset.done @!p0 $0x0  }
0x252: {  	[sflag:s0] =	ssyncadd.s32 @!p0 s1  }
0x253: {  	[bflag:$0x3] =	sbarrier.arrive $0xFFFF  }
0x254: {  	_ =	shalt  }

// kernel: kernel.7.cloned.1.call-start
scs
__scs_entry_jumppad:
0x0: {  	(pc) =	sbr.rel $0x88, $3  }
0x1: {  	(tag) =	ssettag $0x0;
	lr =	simm.s32 $0x1  }
0x2: {  	[smem:$0x3F8A] =	sst lr;
	_ =	strace $0xD0000000  }
0x3: {  	_ = 	snop  }
0x4: {  	_ = 	snop  }
0x5: {  	_ = 	snop  }
0x6: {  	_ = 	snop  }
0x7: {  	_ = 	snop  }
__scs_overlays_trampoline_lowered:
0x8: {  	[smem:$0x3F99] =	sst s0  }
0x9: {  	[smem:$0x3F9A] =	sst s1  }
0xa: {  	[smem:$0x3F9B] =	sst s2  }
0xb: {  	[smem:$0x3F9C] =	sst s3  }
0xc: {  	[smem:$0x3F9D] =	sst s4  }
0xd: {  	[smem:$0x3F9E] =	sst s5  }
0xe: {  	[smem:$0x3F9F] =	sst s6  }
0xf: {  	[smem:$0x3FA0] =	sst s7  }
0x10: {  	[smem:$0x3FA1] =	sst s8  }
0x11: {  	[smem:$0x3FA2] =	sst s9;
	s0 =	simm.s32 @!p0 $0x0  }
0x12: {  	s1 =	sld [smem:$0x3F88];
	s0 =	simm.s32 @p0 $0x1  }
0x13: {  	[smem:$0x3FA3] =	sst s0;
	s0 =	simm.s32 @!p1 $0x0  }
0x14: {  	s2 =	sld [smem:$0x3F87];
	s0 =	simm.s32 @p1 $0x1  }
0x15: {  	[smem:$0x3FA4] =	sst s0;
	s0 =	simm.s32 @!p2 $0x0  }
0x16: {  	s3 =	sld [smem:$0x3FDB];
	s0 =	simm.s32 @p2 $0x1  }
0x17: {  	s4 =	simm.s32 $0x1BF5;
	[smem:$0x3FA6] =	sst s0  }
0x18: {  	s0 =	sld [smem:$0x3F89];
	_ =	swait.ge [sflag:s4], $0x0  }
0x19: {  	s7 =	sld [smem:$0x3F8A]  }
0x1a: {  	s8 =	sadd.s32 $0xFFFFE003, lr  }
0x1b: {  	s9 =	sadd.s32 $0xFFFFFEF7, lr;
	s5 =	simm.s32 $0xFFFFFFFF;
	p2 =	slt.u32 s8, $0xFFFFF086  }
0x1c: {  	p1 =	slt.u32 s9, $0xF7A;
	s5 =	simm.s32 @!p2 $0x0  }
0x1d: {  	s5 =	simm.s32 @p1 $0x1;
	p0 =	seq.s32 s7, s2  }
0x1e: {  	s7 =	smul.u32 @!p0 $0xF7A, s2;
	p2 =	seq.s32 @!p0 s5, $0x0  }
0x1f: {  	s9 =	smul.u32 $0xF7A, s1;
	s8 =	simm.s32 @!p0 $0x1BF5;
	p2 =	por !p2, p0  }
0x20: {  	[sflag:s8] =	ssyncset.s32 @!p0 $0xFFFFF086;
	s6 =	sadd.s32 @!p0 s3, s7;
	s7 =	simm.s32 @!p0 $0x108  }
0x21: {  	s3 =	sadd.s32 s3, s9;
	s6 =	sadd.s32 @!p0 $0x88, s6;
	s7 =	simm.s32 @p2 $0x1082  }
0x22: {  	[simem:s7], [sflag:s8] =	dma.local @!p0 [hbm:s6], $0xF7A  }
0x23: {  	s9 =	sor.u32 $0xD0000000, s2;
	s6 =	simm.s32 $0x108;
	_ =	swait.ge @!p0 [sflag:s8], $0x0  }
0x24: {  	s3 =	sadd.s32 $0x88, s3;
	s6 =	simm.s32 @!p1 $0x1082;
	[sflag:s4] =	ssyncset.s32 $0xFFFFF086  }
0x25: {  	[simem:s6], [sflag:s4] =	dma.local [hbm:s3], $0xF7A  }
0x26: {  	[smem:$0x3F8A] =	sst s1;
	(tag) =	ssettag s2;
	_ =	strace s9  }
0x27: {  	s1 =	sld [smem:$0x3F9A]  }
0x28: {  	s2 =	sld [smem:$0x3F9B]  }
0x29: {  	s4 =	sld [smem:$0x3F9D]  }
0x2a: {  	p0 =	seq.s32 s5, $0x0;
	s5 =	sld [smem:$0x3F9E]  }
0x2b: {  	s6 =	sld [smem:$0x3F9F]  }
0x2c: {  	s7 =	sld [smem:$0x3FA0]  }
0x2d: {  	s3 =	simm.s32 $0x108;
	s8 =	sld [smem:$0x3FA1]  }
0x2e: {  	s3 =	simm.s32 @!p0 $0x1082;
	s9 =	sld [smem:$0x3FA2]  }
0x2f: {  	lr =	sadd.s32 s0, s3;
	s0 =	sld [smem:$0x3F99]  }
0x30: {  	s3 =	sld [smem:$0x3F9C]  }
0x31: {  	[smem:$0x3FA5] =	sst s10  }
0x32: {  	s10 =	sld [smem:$0x3FA3];
	_ =	sdelay $0x3  }
0x33: {  	p0 =	seq.s32 s10, $0x1;
	s10 =	sld [smem:$0x3FA5];
	_ =	sdelay $0x3  }
0x34: {  	[smem:$0x3FA5] =	sst s10  }
0x35: {  	s10 =	sld [smem:$0x3FA4];
	_ =	sdelay $0x3  }
0x36: {  	p1 =	seq.s32 s10, $0x1;
	s10 =	sld [smem:$0x3FA5];
	_ =	sdelay $0x3  }
0x37: {  	[smem:$0x3FA5] =	sst s10  }
0x38: {  	s10 =	sld [smem:$0x3FA6]  }
0x39: {  	_ = 	snop;
	(pc) =	sbr.ind lr, $3  }
0x3a: {  	_ = 	snop  }
0x3b: {  	_ = 	snop  }
0x3c: {  	p2 =	seq.s32 s10, $0x1;
	s10 =	sld [smem:$0x3FA5]  }
0x3d: {  	_ =	shalt  }
0x3e: {  	_ =	shalt  }
0x3f: {  	_ =	shalt  }
0x40: {  	_ =	shalt  }
0x41: {  	_ =	shalt  }
0x42: {  	_ =	shalt  }
0x43: {  	_ =	shalt  }
0x44: {  	_ =	shalt  }
0x45: {  	_ =	shalt  }
0x46: {  	_ =	shalt  }
0x47: {  	_ =	shalt  }
0x48: {  	_ =	shalt  }
0x49: {  	_ =	shalt  }
0x4a: {  	_ =	shalt  }
0x4b: {  	_ =	shalt  }
0x4c: {  	_ =	shalt  }
0x4d: {  	_ =	shalt  }
0x4e: {  	_ =	shalt  }
0x4f: {  	_ =	shalt  }
0x50: {  	_ =	shalt  }
0x51: {  	_ =	shalt  }
0x52: {  	_ =	shalt  }
0x53: {  	_ =	shalt  }
0x54: {  	_ =	shalt  }
0x55: {  	_ =	shalt  }
0x56: {  	_ =	shalt  }
0x57: {  	_ =	shalt  }
0x58: {  	_ =	shalt  }
0x59: {  	_ =	shalt  }
0x5a: {  	_ =	shalt  }
0x5b: {  	_ =	shalt  }
0x5c: {  	_ =	shalt  }
0x5d: {  	_ =	shalt  }
0x5e: {  	_ =	shalt  }
0x5f: {  	_ =	shalt  }
0x60: {  	_ =	shalt  }
0x61: {  	_ =	shalt  }
0x62: {  	_ =	shalt  }
0x63: {  	_ =	shalt  }
0x64: {  	_ =	shalt  }
0x65: {  	_ =	shalt  }
0x66: {  	_ =	shalt  }
0x67: {  	_ =	shalt  }
0x68: {  	_ =	shalt  }
0x69: {  	_ =	shalt  }
0x6a: {  	_ =	shalt  }
0x6b: {  	_ =	shalt  }
0x6c: {  	_ =	shalt  }
0x6d: {  	_ =	shalt  }
0x6e: {  	_ =	shalt  }
0x6f: {  	_ =	shalt  }
0x70: {  	_ =	shalt  }
0x71: {  	_ =	shalt  }
0x72: {  	_ =	shalt  }
0x73: {  	_ =	shalt  }
0x74: {  	_ =	shalt  }
0x75: {  	_ =	shalt  }
0x76: {  	_ =	shalt  }
0x77: {  	_ =	shalt  }
0x78: {  	_ =	shalt  }
0x79: {  	_ =	shalt  }
0x7a: {  	_ =	shalt  }
0x7b: {  	_ =	shalt  }
0x7c: {  	_ =	shalt  }
0x7d: {  	_ =	shalt  }
0x7e: {  	_ =	shalt  }
0x7f: {  	_ =	shalt  }
0x80: {  	_ =	shalt  }
0x81: {  	_ =	shalt  }
0x82: {  	_ =	shalt  }
0x83: {  	_ =	shalt  }
0x84: {  	_ =	shalt  }
0x85: {  	_ =	shalt  }
0x86: {  	_ =	shalt  }
0x87: {  	_ =	shalt  }
.Lfunc_end0:
.L_simem_size_0:
called_computation_lowered:
.L_overlay_start_0:
0x88: {  	s2 =	sld [smem:$0x3FD9]  }
0x89: {  	s3 =	sld [smem:$0x3FFE];
	_ =	sdelay $0x1  }
0x8a: {  	s1 =	srdreg.scid  }
0x8b: {  	s0 =	sand.u32 $0x1, s1  }
0x8c: {  	s14 =	sshll.u32 s0, $0xA;
	s2 =	sadd.s32 s3, s2  }
0x8d: {  	s2 =	sadd.s32 s2, s14  }
0x8e: {  	[smem:$0x3FB1] =	sst s2  }
0x8f: {  	_ = 	snop  }
0x90: {  	s2 =	sld [smem:$0x3FD0];
	_ =	sdelay $0x2  }
0x91: {  	s4 =	simm.s32 $0xA;
	s5 =	simm.s32 $0x10;
	s15 =	sld [smem:$0x3FC4]  }
0x92: {  	[smem:s5], [sflag:s4] =	dma.local [hbm:s2], $0x1  }
0x93: {  	_ =	swait.eq [sflag:s4], $0x1  }
0x94: {  	[sflag:s4] =	ssyncset.done $0x0  }
0x95: {  	[sflag:s4] =	ssyncadd.s32 $0xFFFFFFFF  }
0x96: {  	s16 =	sld [smem:$0x11];
	(tm) =	ssettm $0x1  }
0x97: {  	s17 =	sld [smem:$0x3FFB];
	_ =	sdelay $0x3  }
0x98: {  	_ =	strace s17  }
0x99: {  	s4 =	sld [smem:$0x3FFC];
	_ =	sdelay $0x3  }
0x9a: {  	_ =	strace s4  }
0x9b: {  	s4 =	sld [smem:$0x3FFD];
	_ =	sdelay $0x3  }
0x9c: {  	_ =	strace s4  }
0x9d: {  	_ =	strace $0x8FFFFFFF  }
0x9e: {  	s18 =	sld [smem:$0x3FDB];
	_ =	sdelay $0x1  }
0x9f: {  	s19 =	simm.s32 $_scs_section_size  }
0xa0: {  	s6 =	simm.s32 $_size__tile_overlayer_lowered;
	s7 =	simm.s32 $_tile_overlayer_lowered  }
0xa1: {  	s22 =	simm.s32 $0x1BFF;
	s21 =	sshll.u32 s7, $0x1;
	s4 =	sadd.s32 s19, s18  }
0xa2: {  	s8 =	simm.s32 $0x0;
	s20 =	sshll.u32 s6, $0x1;
	s6 =	sadd.s32 s21, s4  }
0xa3: {  	[timem:s8], [sflag:s22] =	dma.local [hbm:s6], s20  }
0xa4: {  	_ =	swait.ge [sflag:s22], s20  }
0xa5: {  	s5 =	ssub.s32 $0x0, s20;
	[sflag:s22] =	ssyncset.done $0x0  }
0xa6: {  	[sflag:s22] =	ssyncadd.s32 s5;
	_ =	sdelay $0x1  }
0xa7: {  	s23 =	simm.s32 $0x1B8B  }
0xa8: {  	_ =	swait.ge [sflag:s23], $0x1  }
0xa9: {  	[sflag:s23] =	ssyncset.done $0x0  }
0xaa: {  	s25 =	simm.s32 $0x1B8E;
	s24 =	sld [smem:$0x3FFE];
	[sflag:s23] =	ssyncadd.s32 $0xFFFFFFFF  }
0xab: {  	s26 =	simm.s32 $execute0_lowered;
	[smem:$0x3FD2] =	sst s25  }
0xac: {  	s6 =	sshll.u32 s26, $0x1;
	_ =	strace $0x80000046;
	[dreg:$0x1] =	wrdreg $0xFFFFFFFF  }
0xad: {  	s28 =	simm.s32 $_size_execute0_lowered;
	s4 =	sadd.s32 s4, s6;
	[dreg:$0x0] =	wrdreg $0x0  }
0xae: {  	s6 =	sshll.u32 s28, $0x1;
	[dreg:$0x2] =	wrdreg s4  }
0xaf: {  	[dreg:$0x3] =	wrdreg s6  }
0xb0: {  	[dreg:$0x4] =	wrdreg $0xC0  }
0xb1: {  	_ =	task [dreg:s8], $0x5FFFF  }
0xb2: {  	[dreg:$0x1] =	wrdreg $0xFFFFFFFF  }
0xb3: {  	[dreg:$0x0] =	wrdreg $0x60  }
0xb4: {  	[dreg:$0x2] =	wrdreg s16  }
0xb5: {  	[dreg:$0x3] =	wrdreg s15  }
0xb6: {  	[dreg:$0x4] =	wrdreg s24  }
0xb7: {  	[dreg:$0x5] =	wrdreg $0x9  }
0xb8: {  	_ =	task.clear_ibuf [dreg:s8], $0x6FFFF;
	_ =	strace $0x90000046  }
0xb9: {  	s29 =	simm.s32 $0x9;
	_ =	strace $0x80000048  }
0xba: {  	_ =	swait.ge [sflag:s29], $0x1  }
0xbb: {  	[sflag:s29] =	ssyncadd.s32 $0xFFFFFFFF  }
0xbc: {  	_ =	strace $0x90000048  }
0xbd: {  	_ =	sfence  }
0xbe: {  	s30 =	sld [smem:$0x0];
	_ =	sdelay $0x2  }
0xbf: {  	s31 =	sshll.u32 s1, $0xD;
	s1 =	sshrl.u32 s1, $0x2  }
0xc0: {  	s3 =	sand.u32 $0x4000, s31;
	s1 =	sadd.s32 s1, s30  }
0xc1: {  	s0 =	sor.u32 s3, s0;
	s1 =	sshll.u32 s1, $0x11  }
0xc2: {  	s0 =	sor.u32 s1, s0  }
0xc3: {  	s0 =	sadd.s32 $0x8F2B, s0  }
0xc4: {  	[sflag:s0] =	ssyncadd.remote.s32 $0x1  }
0xc5: {  	_ =	sfence.sel $0xFFFF  }
0xc6: {  	[dreg:$0x0] =	wrdreg $0xFFFFFFFF;
	(pc) =	sbr.abs _section_cstart, $3  }
0xc7: {  	[dreg:$0x1] =	wrdreg $0xFFFFFFFF  }
0xc8: {  	_ =	task.clear_ibuf [dreg:s8], $0x2FFFF;
	_ =	strace $0x9FFFFFFF  }
0xc9: {  	(tm) =	ssettm $0x7FFFFFFF  }
tec
execute0_lowered:
.L_overlay_start_1:
0x0: {  	(tag) =	ssettag $0x1  }
0x1: {  	s4 =	rddreg [dreg:$0x0]  }
0x2: {  	s1 =	srdreg.scid;
	s0 =	stileid.u32  }
0x3: {  	s2 =	rddreg [dreg:$0x1];
	s6 =	sand.u32 $0x1, s1;
	s30 =	sshll.u32 s0, $0x1  }
0x4: {  	s9 =	rddreg [dreg:$0x2];
	s3 =	simm.s32 $0x0;
	s7 =	sor.u32 s6, s30  }
0x5: {  	s8 =	simm.s32 $0x1;
	[smem:$0x7FF] =	sst s3;
	s5 =	smul.u32 $0x28, s7  }
0x6: {  	s1 =	rddreg [dreg:$0x3];
	_ =	strace $0x80000047;
	s11 =	ssub.s32 $0x2, s6  }
0x7: {  	s6 =	simm.s32 $0x140;
	s5 =	sadd.s32 s4, s5;
	s4 =	simm.s32 $0x2  }
0x8: {  	[tilespmem:s3], [sflag:$0x2] =	stream.linear.gather [hbm4b:s5+s3], $0x140, $0x38;
	[tilespmem:$0xA180] =	vst v63  }
0x9: {  	s10 =	smul.u32 $0x1400, s7;
	s12 =	sshrl.u32 s11, $0x1;
	_ =	swait.ge [sflag:s4], $0x140  }
0xa: {  	s7 =	simm.s32 $0x180;
	s31 =	ssub.s32 s11, s12;
	[sflag:s4] =	ssyncset.done $0x0  }
0xb: {  	s9 =	sadd.s32 s10, s9;
	s10 =	smax.u32 s31, $0x1;
	[sflag:s4] =	ssyncadd.s32 $0xFFFFFEC0  }
0xc: {  	[tilespmem:s7], [sflag:$0x1] =	stream.indirect.gather [hbm4b:s2+s6], $0x80, s3, s6, $0xb8;
	[tilespmem:$0xA180] =	vst v63  }
0xd: {  	p0 =	sne.s32 s10, $0x1;
	_ =	swait.ge [sflag:s8], $0xA000  }
.Ltmp0:
0xe: {  	[sflag:s8] =	ssyncset.done $0x0;
	(pc) =	sbr.rel @!p0 .LBB2_2-.Ltmp0, $4  }
0xf: {  	s9 =	sadd.s32 $0x3400, s9;
	[sflag:s8] =	ssyncadd.s32 $0xFFFF6000  }
0x10: {  	[hbm4b:s9+s3] =	stream.linear.scatter [tilespmem:s7], [sflag:$0x2], $0xA000, $0x38;
	[tilespmem:$0xA180] =	vst v63  }
0x11: {  	_ =	swait.ge [sflag:s4], $0xA000  }
0x12: {  	s10 =	sadd.s32 $0xFFFFFFFF, s10;
	[sflag:s4] =	ssyncset.done $0x0  }
.LBB2_1:
0x13: {  	p0 =	sne.s32 s10, $0x1;
	s10 =	sadd.s32 $0xFFFFFFFF, s10;
	[sflag:s4] =	ssyncadd.s32 $0xFFFF6000  }
0x14: {  	[tilespmem:s3], [sflag:$0x2] =	stream.linear.gather [hbm4b:s5+s3], $0x140, $0x38;
	[tilespmem:$0xA180] =	vst v63  }
0x15: {  	_ =	swait.ge [sflag:s4], $0x140  }
0x16: {  	[sflag:s4] =	ssyncset.done $0x0  }
0x17: {  	[sflag:s4] =	ssyncadd.s32 $0xFFFFFEC0  }
0x18: {  	[tilespmem:s7], [sflag:$0x1] =	stream.indirect.gather [hbm4b:s2+s6], $0x80, s3, s6, $0xb8;
	[tilespmem:$0xA180] =	vst v63  }
0x19: {  	_ =	swait.ge [sflag:s8], $0xA000  }
.Ltmp1:
0x1a: {  	[sflag:s8] =	ssyncset.done $0x0;
	(pc) =	sbr.rel @p0 .LBB2_1-.Ltmp1, $4  }
0x1b: {  	[sflag:s8] =	ssyncadd.s32 $0xFFFF6000  }
0x1c: {  	[hbm4b:s9+s3] =	stream.linear.scatter [tilespmem:s7], [sflag:$0x2], $0xA000, $0x38;
	[tilespmem:$0xA180] =	vst v63  }
0x1d: {  	_ =	swait.ge [sflag:s4], $0xA000  }
0x1e: {  	[sflag:s4] =	ssyncset.done $0x0  }
.LBB2_2:
0x1f: {  	[sflag:s4] =	ssyncadd.s32 $0xFFFF6000  }
0x20: {  	_ =	sfence.sel $0x180000  }
0x21: {  	[bflag:$0x0] =	sbarrier.arrive $0xFFFF  }
0x22: {  	p0 =	sne.s32 s0, $0x0;
	_ =	strace $0x90000047  }
0x23: {  	s0 =	sadd.s32 @!p0 $0x100000, s1;
	[bflag:$0x2] =	sbarrier.arrive $0xFFFF  }
0x24: {  	[sflag:s0] =	ssyncadd.tile.s32 @!p0 $0x1;
	_ =	shalt  }
.Lfunc_end2:
_tile_overlayer_lowered:
.L_overlay_start_2:
0x25: {  	(tag) =	ssettag $0x2  }
0x26: {  	s0 =	rddreg [dreg:$0x0];
	s2 =	stileid.u32  }
0x27: {  	s1 =	rddreg [dreg:$0x1];
	p0 =	sne.s32 s2, $0x0  }
0x28: {  	s3 =	rddreg [dreg:$0x2];
	[bflag:$0x3] =	sbarrier.arrive $0xFFFF;
	s2 =	simm.s32 @!p0 $0x1C02  }
0x29: {  	[timem:s3], [sflag:s2] =	dma.local @!p0 [hbm:s0], s1  }
0x2a: {  	s0 =	simm.s32 @!p0 $0x2  }
0x2b: {  	_ =	swait.ge @!p0 [sflag:s0], s1  }
0x2c: {  	s1 =	ssub.s32 @!p0 $0x0, s1;
	[sflag:s0] =	ssyncset.done @!p0 $0x0  }
0x2d: {  	[sflag:s0] =	ssyncadd.s32 @!p0 s1  }
0x2e: {  	[bflag:$0x3] =	sbarrier.arrive $0xFFFF  }
0x2f: {  	_ =	shalt  }

</sc_bundles>
